<compile_context>
chip_gen: v7x
topology: tpu7x:2x2x1
jax: 0.10.2.dev20260603
libtpu: 0.0.44.dev20260713+nightly
codegen_flags: <defaults>
</compile_context>

<pallas_src>
import functools
import math

import jax
import jax.numpy as jnp
from jax import lax
from jax.experimental import pallas as pl
from jax.experimental.pallas import tpu as pltpu
from jax.experimental.pallas import tpu_sc as plsc

_DIM = 32
_BATCH = 4096
_HIST = 200
_NW = 32
_BB = _BATCH // _NW
_CH = 5
_CROWS = _CH * _BB
_NCHUNK = _HIST // _CH
_TP = _BB + 1
_SCALE = math.sqrt(_DIM)

_VOCAB = 1000000
_TCOLS = 512
_TNCH = 1953
_TAIL0 = _TNCH * _TCOLS
_TAILC = _VOCAB - _TAIL0
_mesh = plsc.VectorSubcoreMesh(core_axis_name="c", subcore_axis_name="s")


@functools.partial(
    pl.kernel,
    out_type=jax.ShapeDtypeStruct((_VOCAB // 4, 128), jnp.float32),
    mesh=_mesh,
    compiler_params=pltpu.CompilerParams(use_tc_tiling_on_sc=True,
                                         needs_layout_passes=False),
    scratch_types=[
        pltpu.VMEM((_DIM, _TCOLS), jnp.float32),
        pltpu.VMEM((_DIM, _TCOLS), jnp.float32),
        pltpu.VMEM((_TCOLS // 4, 128), jnp.float32),
        pltpu.VMEM((_TCOLS // 4, 128), jnp.float32),
        pltpu.SemaphoreType.DMA,
        pltpu.SemaphoreType.DMA,
        pltpu.SemaphoreType.DMA,
        pltpu.SemaphoreType.DMA,
    ],
)
def _sc_transpose(tt_hbm, tail4_hbm, t4_hbm, ubuf0, ubuf1, vbuf0, vbuf1,
                  si0, si1, so0, so1):
    wid = lax.axis_index("s") * 2 + lax.axis_index("c")
    ubufs = (ubuf0, ubuf1)
    vbufs = (vbuf0, vbuf1)
    sis = (si0, si1)
    sos = (so0, so1)
    lane = lax.iota(jnp.int32, 16)

    def start_in(c, b):
        pltpu.async_copy(tt_hbm.at[pl.ds(0, _DIM), pl.ds(c * _TCOLS, _TCOLS)],
                         ubufs[b], sis[b])

    def wait_in(b):
        pltpu.make_async_copy(
            tt_hbm.at[pl.ds(0, _DIM), pl.ds(0, _TCOLS)],
            ubufs[b], sis[b]).wait()

    def start_out(c, b):
        pltpu.async_copy(vbufs[b],
                         t4_hbm.at[pl.ds(c * (_TCOLS // 4), _TCOLS // 4)],
                         sos[b])

    def wait_out(b):
        pltpu.make_async_copy(vbufs[b],
                              t4_hbm.at[pl.ds(0, _TCOLS // 4)],
                              sos[b]).wait()

    lane_d = lane & 3
    lane_c = lane >> 2

    def transpose_block(b, ncols):
        ubuf, vbuf = ubufs[b], vbufs[b]

        @plsc.parallel_loop(0, ncols // 4, unroll=2)
        def _(cg):
            cvec = lane_c + (cg << 2)
            qv = cvec >> 2
            colbase = (cvec & 3) << 5
            for db in range(_DIM // 4):
                rows = lane_d + db * 4
                v = plsc.load_gather(ubuf, [rows, cvec]) * _SCALE
                plsc.store_scatter(vbuf, [qv, colbase + rows], v)

    start_in(wid, 0)
    start_in(wid + _NW, 1)

    def step(j, b):
        cj = wid + _NW * j

        @pl.when(cj < _TNCH)
        def _():
            wait_in(b)

            @pl.when(j >= 2)
            def _():
                wait_out(b)

            transpose_block(b, _TCOLS)
            start_out(cj, b)

        @pl.when(wid + _NW * (j + 2) < _TNCH)
        def _():
            start_in(cj + 2 * _NW, b)

    def body(i, _):
        step(2 * i, 0)
        step(2 * i + 1, 1)
        return 0

    lax.fori_loop(0, 31, body, 0)
    wait_out(0)
    wait_out(1)

    @pl.when(wid == _NW - 1)
    def _():
        pltpu.sync_copy(tail4_hbm, vbuf0.at[pl.ds(0, _TAILC // 4)])
        pltpu.sync_copy(vbuf0.at[pl.ds(0, _TAILC // 4)],
                        t4_hbm.at[pl.ds(_TAIL0 // 4, _TAILC // 4)])


@functools.partial(
    pl.kernel,
    out_type=jax.ShapeDtypeStruct((_HIST * _DIM, _BATCH), jnp.float32),
    mesh=_mesh,
    compiler_params=pltpu.CompilerParams(use_tc_tiling_on_sc=False,
                                         needs_layout_passes=False),
    scratch_types=[
        pltpu.VMEM((_CH, _BB), jnp.int32),
        pltpu.VMEM((_CH, _BB), jnp.int32),
        pltpu.VMEM((_CROWS, _DIM), jnp.float32),
        pltpu.VMEM((_CROWS, _DIM), jnp.float32),
        pltpu.VMEM((_CH * _DIM, _TP), jnp.float32),
        pltpu.VMEM((_CH * _DIM, _TP), jnp.float32),
        pltpu.SemaphoreType.DMA,
        pltpu.SemaphoreType.DMA,
        pltpu.SemaphoreType.DMA,
        pltpu.SemaphoreType.DMA,
    ],
)
def _sc_embed(xt_hbm, table_hbm, out_hbm, ibuf0, ibuf1, buf0, buf1,
              tbuf0, tbuf1, sg0, sg1, ss0, ss1):
    wid = lax.axis_index("s") * 2 + lax.axis_index("c")
    col0 = wid * _BB
    ibufs = (ibuf0, ibuf1)
    bufs = (buf0, buf1)
    tbufs = (tbuf0, tbuf1)
    sgs = (sg0, sg1)
    sss = (ss0, ss1)
    lane = lax.iota(jnp.int32, 16)

    def start_gather(g, b):
        pltpu.sync_copy(
            xt_hbm.at[pl.ds(g * _CH, _CH), pl.ds(col0, _BB)], ibufs[b])
        for j in range(_CH):
            pltpu.async_copy(table_hbm.at[ibufs[b].at[j]],
                             bufs[b].at[pl.ds(j * _BB, _BB)], sgs[b])

    def wait_gather(b):
        for j in range(_CH):
            pltpu.make_async_copy(table_hbm.at[ibufs[b].at[j]],
                                  bufs[b].at[pl.ds(j * _BB, _BB)],
                                  sgs[b]).wait()

    def wait_store(b):
        pltpu.make_async_copy(tbufs[b].at[:, pl.ds(0, _BB)],
                              out_hbm.at[pl.ds(0, _CH * _DIM),
                                         pl.ds(col0, _BB)],
                              sss[b]).wait()

    def start_store(g, b):
        pltpu.async_copy(
            tbufs[b].at[:, pl.ds(0, _BB)],
            out_hbm.at[pl.ds(g * _CH * _DIM, _CH * _DIM), pl.ds(col0, _BB)],
            sss[b])

    def transpose_scale(b):
        buf, tbuf = bufs[b], tbufs[b]

        @plsc.parallel_loop(0, _CROWS, unroll=4)
        def _(t):
            hh = t >> 7
            bc = t & (_BB - 1)
            i0 = lane + (hh << 5)
            i1 = jnp.full((16,), bc, jnp.int32)
            plsc.store_scatter(tbuf, [i0, i1], buf[t, pl.ds(0, 16)])
            plsc.store_scatter(tbuf, [i0 + 16, i1], buf[t, pl.ds(16, 16)])

    start_gather(0, 0)
    start_gather(1, 1)

    def chunk_step(g, b, i):
        wait_gather(b)

        @pl.when(i >= 1)
        def _():
            wait_store(b)

        transpose_scale(b)
        start_store(g, b)

        @pl.when(i <= _NCHUNK // 2 - 2)
        def _():
            start_gather(g + 2, b)

    def body(i, _):
        chunk_step(2 * i, 0, i)
        chunk_step(2 * i + 1, 1, i)
        return 0

    lax.fori_loop(0, _NCHUNK // 2, body, 0)
    wait_store(0)
    wait_store(1)


def kernel(x, table):
    tail4 = (table[_TAIL0:] * _SCALE).reshape(_TAILC // 4, 128)
    t4 = _sc_transpose(table.T, tail4)
    out = _sc_embed(x.T, t4.reshape(_VOCAB, _DIM))
    return out.reshape(_HIST, _DIM, _BATCH).transpose(2, 0, 1)

# --- scband reference (transcript-rebuilt; emitter-appended) ---
"""Pipeline reference for scband-input-embeddings-64166811402383 (READ-ONLY COPY).

The authoritative reference and input builder live on the scoring server;
editing this copy changes nothing except your own understanding.
"""

import jax, jax.numpy as jnp
import numpy as np
import math

VOCAB = 1000000
DIM = 32
BATCH = 4096
HIST = 200

def setup_inputs(seed: int = 0) -> dict:
    key = jax.random.key(seed)
    k_idx, k_tab = jax.random.split(key)
    x = jax.random.randint(k_idx, (BATCH, HIST), 0, VOCAB, dtype=jnp.int64 if jax.config.read('jax_enable_x64') else jnp.int32)
    table = jax.random.normal(k_tab, (VOCAB, DIM), dtype=jnp.float32)
    return {"x": x, "table": table}

def reference(x, table):
    # InputEmbeddings.forward: embed(x) * sqrt(embedding_dim)
    out = jnp.take(table, x, axis=0) * math.sqrt(DIM)
    return out

if __name__ == "__main__":
    import jax
    _d = setup_inputs()
    print(jax.jit(kernel)(*tuple(_d.values())))

</pallas_src>

<mosaic_0001>
#map = affine_map<(d0, d1) -> (0, 0)>
module attributes {stable_mosaic.version = 14 : i64} {
  func.func @_sc_transpose(%arg0: i32, %arg1: i32, %arg2: memref<32x1000000xf32, #tpu.memory_space<hbm>>, %arg3: memref<16x128xf32, #tpu.memory_space<hbm>>, %arg4: memref<250000x128xf32, #tpu.memory_space<hbm>>, %arg5: memref<32x512xf32, #tpu.memory_space<vmem>>, %arg6: memref<32x512xf32, #tpu.memory_space<vmem>>, %arg7: memref<128x128xf32, #tpu.memory_space<vmem>>, %arg8: memref<128x128xf32, #tpu.memory_space<vmem>>, %arg9: memref<!tpu.dma_semaphore, #tpu.memory_space<semaphore_mem>>, %arg10: memref<!tpu.dma_semaphore, #tpu.memory_space<semaphore_mem>>, %arg11: memref<!tpu.dma_semaphore, #tpu.memory_space<semaphore_mem>>, %arg12: memref<!tpu.dma_semaphore, #tpu.memory_space<semaphore_mem>>) attributes {dimension_semantics = [#tpu.dimension_semantics<core_parallel>, #tpu.dimension_semantics<subcore_parallel>], iteration_bounds = array<i64: 2, 16>, scalar_prefetch = 0 : i64, scratch_operands = 8 : i64, tpu.core_type = #tpu.core_type<sc_vector_subcore>, window_params = [{transform_indices = #map}, {transform_indices = #map}, {transform_indices = #map}]} {
    %mul3A = arith.constant 2 : i32
    %mul3A_0 = arith.muli %arg1, %mul3A : i32
    %add3A = arith.addi %mul3A_0, %arg0 : i32
    %iota3A = tpu.iota {dimensions = array<i32: 0>} : vector<16xi32>
    %and3A = arith.constant 3 : i32
    %and3A_1 = vector.broadcast %and3A : i32 to vector<16xi32>
    %and3A_2 = arith.andi %iota3A, %and3A_1 : vector<16xi32>
    %shift_right_arithmetic3A = arith.constant 2 : i32
    %shift_right_arithmetic3A_3 = vector.broadcast %shift_right_arithmetic3A : i32 to vector<16xi32>
    %shift_right_arithmetic3A_4 = arith.shrsi %iota3A, %shift_right_arithmetic3A_3 : vector<16xi32>
    %mul3A_5 = arith.constant 512 : i32
    %mul3A_6 = arith.muli %add3A, %mul3A_5 : i32
    %dma_start3A = arith.constant 0 : i32
    %dma_start3A_7 = tpu.memref_slice %arg2[%dma_start3A, %mul3A_6] : memref<32x1000000xf32, #tpu.memory_space<hbm>> -> memref<32x512xf32, #tpu.memory_space<hbm>>
    %dma_start3A_8 = arith.constant 0 : i32
    %dma_start3A_9 = tpu.memref_slice %arg2[%dma_start3A_8, %mul3A_6] : memref<32x1000000xf32, #tpu.memory_space<hbm>> -> memref<32x512xf32, #tpu.memory_space<hbm>>
    tpu.enqueue_dma source(%dma_start3A_9 : memref<32x512xf32, #tpu.memory_space<hbm>>) target(%arg5 : memref<32x512xf32, #tpu.memory_space<vmem>>) target_semaphore(%arg9 : memref<!tpu.dma_semaphore, #tpu.memory_space<semaphore_mem>>)
    %add3A_10 = arith.constant 32 : i32
    %add3A_11 = arith.addi %add3A, %add3A_10 : i32
    %mul3A_12 = arith.constant 512 : i32
    %mul3A_13 = arith.muli %add3A_11, %mul3A_12 : i32
    %dma_start3A_14 = arith.constant 0 : i32
    %dma_start3A_15 = tpu.memref_slice %arg2[%dma_start3A_14, %mul3A_13] : memref<32x1000000xf32, #tpu.memory_space<hbm>> -> memref<32x512xf32, #tpu.memory_space<hbm>>
    %dma_start3A_16 = arith.constant 0 : i32
    %dma_start3A_17 = tpu.memref_slice %arg2[%dma_start3A_16, %mul3A_13] : memref<32x1000000xf32, #tpu.memory_space<hbm>> -> memref<32x512xf32, #tpu.memory_space<hbm>>
    tpu.enqueue_dma source(%dma_start3A_17 : memref<32x512xf32, #tpu.memory_space<hbm>>) target(%arg6 : memref<32x512xf32, #tpu.memory_space<vmem>>) target_semaphore(%arg10 : memref<!tpu.dma_semaphore, #tpu.memory_space<semaphore_mem>>)
    %scan3A = arith.constant 0 : i32
    %scan3A_18 = arith.constant 0 : i32
    %scan3A_19 = arith.constant 31 : i32
    %scan3A_20 = arith.addi %scan3A_18, %scan3A_19 : i32
    %scan3A_21 = arith.constant 1 : i32
    %scan3A_22 = scf.for %scan3A_37 = %scan3A_18 to %scan3A_20 step %scan3A_21 iter_args(%scan3A_38 = %scan3A) -> (i32)  : i32 {
      %mul3A_39 = arith.constant 2 : i32
      %mul3A_40 = arith.muli %mul3A_39, %scan3A_37 : i32
      %mul3A_41 = arith.constant 32 : i32
      %mul3A_42 = arith.muli %mul3A_41, %mul3A_40 : i32
      %add3A_43 = arith.addi %add3A, %mul3A_42 : i32
      %lt3A = arith.constant 1953 : i32
      %lt3A_44 = arith.cmpi slt, %add3A_43, %lt3A : i32
      %convert_element_type3A_45 = arith.extui %lt3A_44 : i1 to i32
      %cond3A_46 = arith.constant 0 : i32
      %cond3A_47 = arith.cmpi ne, %convert_element_type3A_45, %cond3A_46 : i32
      scf.if %cond3A_47 {
        %dma_wait3A_81 = arith.constant 0 : i32
        %dma_wait3A_82 = arith.constant 0 : i32
        %dma_wait3A_83 = tpu.memref_slice %arg2[%dma_wait3A_81, %dma_wait3A_82] : memref<32x1000000xf32, #tpu.memory_space<hbm>> -> memref<32x512xf32, #tpu.memory_space<hbm>>
        %dma_wait3A_84 = arith.constant 0 : i32
        %dma_wait3A_85 = arith.constant 0 : i32
        %dma_wait3A_86 = tpu.memref_slice %arg2[%dma_wait3A_84, %dma_wait3A_85] : memref<32x1000000xf32, #tpu.memory_space<hbm>> -> memref<32x512xf32, #tpu.memory_space<hbm>>
        tpu.wait_dma2 semaphore(%arg9 : memref<!tpu.dma_semaphore, #tpu.memory_space<semaphore_mem>>) src(%dma_wait3A_86 : memref<32x512xf32, #tpu.memory_space<hbm>>) dst(%arg5 : memref<32x512xf32, #tpu.memory_space<vmem>>)
        %ge3A = arith.constant 2 : i32
        %ge3A_87 = arith.cmpi sge, %mul3A_40, %ge3A : i32
        %convert_element_type3A_88 = arith.extui %ge3A_87 : i1 to i32
        %cond3A_89 = arith.constant 0 : i32
        %cond3A_90 = arith.cmpi ne, %convert_element_type3A_88, %cond3A_89 : i32
        scf.if %cond3A_90 {
          %dma_wait3A_99 = arith.constant 0 : i32
          %dma_wait3A_100 = arith.constant 0 : i32
          %dma_wait3A_101 = tpu.memref_slice %arg4[%dma_wait3A_99, %dma_wait3A_100] : memref<250000x128xf32, #tpu.memory_space<hbm>> -> memref<128x128xf32, #tpu.memory_space<hbm>>
          %dma_wait3A_102 = arith.constant 0 : i32
          %dma_wait3A_103 = arith.constant 0 : i32
          %dma_wait3A_104 = tpu.memref_slice %arg4[%dma_wait3A_102, %dma_wait3A_103] : memref<250000x128xf32, #tpu.memory_space<hbm>> -> memref<128x128xf32, #tpu.memory_space<hbm>>
          tpu.wait_dma2 semaphore(%arg11 : memref<!tpu.dma_semaphore, #tpu.memory_space<semaphore_mem>>) src(%arg7 : memref<128x128xf32, #tpu.memory_space<vmem>>) dst(%dma_wait3A_104 : memref<128x128xf32, #tpu.memory_space<hbm>>)
        } else {
        }
        %parallel_loop3A = arith.constant 0 : i32
        %parallel_loop3A_91 = arith.constant 128 : i32
        %parallel_loop3A_92 = arith.constant 1 : i32
        scf.for %parallel_loop3A_99 = %parallel_loop3A to %parallel_loop3A_91 step %parallel_loop3A_92  : i32 {
          %parallel_loop3A_100 = arith.constant 2 : i32
          %parallel_loop3A_101 = arith.shli %parallel_loop3A_99, %parallel_loop3A_100 : i32
          %parallel_loop3A_102 = vector.broadcast %parallel_loop3A_101 : i32 to vector<16xi32>
          %parallel_loop3A_103 = arith.addi %shift_right_arithmetic3A_4, %parallel_loop3A_102 : vector<16xi32>
          %parallel_loop3A_104 = arith.constant 2 : i32
          %parallel_loop3A_105 = vector.broadcast %parallel_loop3A_104 : i32 to vector<16xi32>
          %parallel_loop3A_106 = arith.shrsi %parallel_loop3A_103, %parallel_loop3A_105 : vector<16xi32>
          %parallel_loop3A_107 = arith.constant 3 : i32
          %parallel_loop3A_108 = vector.broadcast %parallel_loop3A_107 : i32 to vector<16xi32>
          %parallel_loop3A_109 = arith.andi %parallel_loop3A_103, %parallel_loop3A_108 : vector<16xi32>
          %parallel_loop3A_110 = arith.constant 5 : i32
          %parallel_loop3A_111 = vector.broadcast %parallel_loop3A_110 : i32 to vector<16xi32>
          %parallel_loop3A_112 = arith.shli %parallel_loop3A_109, %parallel_loop3A_111 : vector<16xi32>
          %parallel_loop3A_113 = arith.constant 0 : i32
          %parallel_loop3A_114 = vector.broadcast %parallel_loop3A_113 : i32 to vector<16xi32>
          %parallel_loop3A_115 = arith.addi %and3A_2, %parallel_loop3A_114 : vector<16xi32>
          %parallel_loop3A_116 = tpu.vector_load_idx %arg5[%parallel_loop3A_115, %parallel_loop3A_103] : memref<32x512xf32, #tpu.memory_space<vmem>>[vector<16xi32>, vector<16xi32>], vector<16xf32>,
          %parallel_loop3A_117 = arith.constant 5.65685415 : f32
          %parallel_loop3A_118 = vector.broadcast %parallel_loop3A_117 : f32 to vector<16xf32>
          %parallel_loop3A_119 = arith.mulf %parallel_loop3A_116, %parallel_loop3A_118 : vector<16xf32>
          %parallel_loop3A_120 = arith.addi %parallel_loop3A_112, %parallel_loop3A_115 : vector<16xi32>
          tpu.vector_store_idx %arg7[%parallel_loop3A_106, %parallel_loop3A_120], %parallel_loop3A_119 : memref<128x128xf32, #tpu.memory_space<vmem>>[vector<16xi32>, vector<16xi32>], vector<16xf32>,
          %parallel_loop3A_121 = arith.constant 4 : i32
          %parallel_loop3A_122 = vector.broadcast %parallel_loop3A_121 : i32 to vector<16xi32>
          %parallel_loop3A_123 = arith.addi %and3A_2, %parallel_loop3A_122 : vector<16xi32>
          %parallel_loop3A_124 = tpu.vector_load_idx %arg5[%parallel_loop3A_123, %parallel_loop3A_103] : memref<32x512xf32, #tpu.memory_space<vmem>>[vector<16xi32>, vector<16xi32>], vector<16xf32>,
          %parallel_loop3A_125 = arith.constant 5.65685415 : f32
          %parallel_loop3A_126 = vector.broadcast %parallel_loop3A_125 : f32 to vector<16xf32>
          %parallel_loop3A_127 = arith.mulf %parallel_loop3A_124, %parallel_loop3A_126 : vector<16xf32>
          %parallel_loop3A_128 = arith.addi %parallel_loop3A_112, %parallel_loop3A_123 : vector<16xi32>
          tpu.vector_store_idx %arg7[%parallel_loop3A_106, %parallel_loop3A_128], %parallel_loop3A_127 : memref<128x128xf32, #tpu.memory_space<vmem>>[vector<16xi32>, vector<16xi32>], vector<16xf32>,
          %parallel_loop3A_129 = arith.constant 8 : i32
          %parallel_loop3A_130 = vector.broadcast %parallel_loop3A_129 : i32 to vector<16xi32>
          %parallel_loop3A_131 = arith.addi %and3A_2, %parallel_loop3A_130 : vector<16xi32>
          %parallel_loop3A_132 = tpu.vector_load_idx %arg5[%parallel_loop3A_131, %parallel_loop3A_103] : memref<32x512xf32, #tpu.memory_space<vmem>>[vector<16xi32>, vector<16xi32>], vector<16xf32>,
          %parallel_loop3A_133 = arith.constant 5.65685415 : f32
          %parallel_loop3A_134 = vector.broadcast %parallel_loop3A_133 : f32 to vector<16xf32>
          %parallel_loop3A_135 = arith.mulf %parallel_loop3A_132, %parallel_loop3A_134 : vector<16xf32>
          %parallel_loop3A_136 = arith.addi %parallel_loop3A_112, %parallel_loop3A_131 : vector<16xi32>
          tpu.vector_store_idx %arg7[%parallel_loop3A_106, %parallel_loop3A_136], %parallel_loop3A_135 : memref<128x128xf32, #tpu.memory_space<vmem>>[vector<16xi32>, vector<16xi32>], vector<16xf32>,
          %parallel_loop3A_137 = arith.constant 12 : i32
          %parallel_loop3A_138 = vector.broadcast %parallel_loop3A_137 : i32 to vector<16xi32>
          %parallel_loop3A_139 = arith.addi %and3A_2, %parallel_loop3A_138 : vector<16xi32>
          %parallel_loop3A_140 = tpu.vector_load_idx %arg5[%parallel_loop3A_139, %parallel_loop3A_103] : memref<32x512xf32, #tpu.memory_space<vmem>>[vector<16xi32>, vector<16xi32>], vector<16xf32>,
          %parallel_loop3A_141 = arith.constant 5.65685415 : f32
          %parallel_loop3A_142 = vector.broadcast %parallel_loop3A_141 : f32 to vector<16xf32>
          %parallel_loop3A_143 = arith.mulf %parallel_loop3A_140, %parallel_loop3A_142 : vector<16xf32>
          %parallel_loop3A_144 = arith.addi %parallel_loop3A_112, %parallel_loop3A_139 : vector<16xi32>
          tpu.vector_store_idx %arg7[%parallel_loop3A_106, %parallel_loop3A_144], %parallel_loop3A_143 : memref<128x128xf32, #tpu.memory_space<vmem>>[vector<16xi32>, vector<16xi32>], vector<16xf32>,
          %parallel_loop3A_145 = arith.constant 16 : i32
          %parallel_loop3A_146 = vector.broadcast %parallel_loop3A_145 : i32 to vector<16xi32>
          %parallel_loop3A_147 = arith.addi %and3A_2, %parallel_loop3A_146 : vector<16xi32>
          %parallel_loop3A_148 = tpu.vector_load_idx %arg5[%parallel_loop3A_147, %parallel_loop3A_103] : memref<32x512xf32, #tpu.memory_space<vmem>>[vector<16xi32>, vector<16xi32>], vector<16xf32>,
          %parallel_loop3A_149 = arith.constant 5.65685415 : f32
          %parallel_loop3A_150 = vector.broadcast %parallel_loop3A_149 : f32 to vector<16xf32>
          %parallel_loop3A_151 = arith.mulf %parallel_loop3A_148, %parallel_loop3A_150 : vector<16xf32>
          %parallel_loop3A_152 = arith.addi %parallel_loop3A_112, %parallel_loop3A_147 : vector<16xi32>
          tpu.vector_store_idx %arg7[%parallel_loop3A_106, %parallel_loop3A_152], %parallel_loop3A_151 : memref<128x128xf32, #tpu.memory_space<vmem>>[vector<16xi32>, vector<16xi32>], vector<16xf32>,
          %parallel_loop3A_153 = arith.constant 20 : i32
          %parallel_loop3A_154 = vector.broadcast %parallel_loop3A_153 : i32 to vector<16xi32>
          %parallel_loop3A_155 = arith.addi %and3A_2, %parallel_loop3A_154 : vector<16xi32>
          %parallel_loop3A_156 = tpu.vector_load_idx %arg5[%parallel_loop3A_155, %parallel_loop3A_103] : memref<32x512xf32, #tpu.memory_space<vmem>>[vector<16xi32>, vector<16xi32>], vector<16xf32>,
          %parallel_loop3A_157 = arith.constant 5.65685415 : f32
          %parallel_loop3A_158 = vector.broadcast %parallel_loop3A_157 : f32 to vector<16xf32>
          %parallel_loop3A_159 = arith.mulf %parallel_loop3A_156, %parallel_loop3A_158 : vector<16xf32>
          %parallel_loop3A_160 = arith.addi %parallel_loop3A_112, %parallel_loop3A_155 : vector<16xi32>
          tpu.vector_store_idx %arg7[%parallel_loop3A_106, %parallel_loop3A_160], %parallel_loop3A_159 : memref<128x128xf32, #tpu.memory_space<vmem>>[vector<16xi32>, vector<16xi32>], vector<16xf32>,
          %parallel_loop3A_161 = arith.constant 24 : i32
          %parallel_loop3A_162 = vector.broadcast %parallel_loop3A_161 : i32 to vector<16xi32>
          %parallel_loop3A_163 = arith.addi %and3A_2, %parallel_loop3A_162 : vector<16xi32>
          %parallel_loop3A_164 = tpu.vector_load_idx %arg5[%parallel_loop3A_163, %parallel_loop3A_103] : memref<32x512xf32, #tpu.memory_space<vmem>>[vector<16xi32>, vector<16xi32>], vector<16xf32>,
          %parallel_loop3A_165 = arith.constant 5.65685415 : f32
          %parallel_loop3A_166 = vector.broadcast %parallel_loop3A_165 : f32 to vector<16xf32>
          %parallel_loop3A_167 = arith.mulf %parallel_loop3A_164, %parallel_loop3A_166 : vector<16xf32>
          %parallel_loop3A_168 = arith.addi %parallel_loop3A_112, %parallel_loop3A_163 : vector<16xi32>
          tpu.vector_store_idx %arg7[%parallel_loop3A_106, %parallel_loop3A_168], %parallel_loop3A_167 : memref<128x128xf32, #tpu.memory_space<vmem>>[vector<16xi32>, vector<16xi32>], vector<16xf32>,
          %parallel_loop3A_169 = arith.constant 28 : i32
          %parallel_loop3A_170 = vector.broadcast %parallel_loop3A_169 : i32 to vector<16xi32>
          %parallel_loop3A_171 = arith.addi %and3A_2, %parallel_loop3A_170 : vector<16xi32>
          %parallel_loop3A_172 = tpu.vector_load_idx %arg5[%parallel_loop3A_171, %parallel_loop3A_103] : memref<32x512xf32, #tpu.memory_space<vmem>>[vector<16xi32>, vector<16xi32>], vector<16xf32>,
          %parallel_loop3A_173 = arith.constant 5.65685415 : f32
          %parallel_loop3A_174 = vector.broadcast %parallel_loop3A_173 : f32 to vector<16xf32>
          %parallel_loop3A_175 = arith.mulf %parallel_loop3A_172, %parallel_loop3A_174 : vector<16xf32>
          %parallel_loop3A_176 = arith.addi %parallel_loop3A_112, %parallel_loop3A_171 : vector<16xi32>
          tpu.vector_store_idx %arg7[%parallel_loop3A_106, %parallel_loop3A_176], %parallel_loop3A_175 : memref<128x128xf32, #tpu.memory_space<vmem>>[vector<16xi32>, vector<16xi32>], vector<16xf32>,
        } {sc.loop_unroll_factor = 2 : i64, sc.parallel_access}
        %mul3A_93 = arith.constant 128 : i32
        %mul3A_94 = arith.muli %add3A_43, %mul3A_93 : i32
        %dma_start3A_95 = arith.constant 0 : i32
        %dma_start3A_96 = tpu.memref_slice %arg4[%mul3A_94, %dma_start3A_95] : memref<250000x128xf32, #tpu.memory_space<hbm>> -> memref<128x128xf32, #tpu.memory_space<hbm>>
        %dma_start3A_97 = arith.constant 0 : i32
        %dma_start3A_98 = tpu.memref_slice %arg4[%mul3A_94, %dma_start3A_97] : memref<250000x128xf32, #tpu.memory_space<hbm>> -> memref<128x128xf32, #tpu.memory_space<hbm>>
        tpu.enqueue_dma source(%arg7 : memref<128x128xf32, #tpu.memory_space<vmem>>) target(%dma_start3A_98 : memref<128x128xf32, #tpu.memory_space<hbm>>) target_semaphore(%arg11 : memref<!tpu.dma_semaphore, #tpu.memory_space<semaphore_mem>>)
      } else {
      }
      %add3A_48 = arith.constant 2 : i32
      %add3A_49 = arith.addi %mul3A_40, %add3A_48 : i32
      %mul3A_50 = arith.constant 32 : i32
      %mul3A_51 = arith.muli %mul3A_50, %add3A_49 : i32
      %add3A_52 = arith.addi %add3A, %mul3A_51 : i32
      %lt3A_53 = arith.constant 1953 : i32
      %lt3A_54 = arith.cmpi slt, %add3A_52, %lt3A_53 : i32
      %convert_element_type3A_55 = arith.extui %lt3A_54 : i1 to i32
      %cond3A_56 = arith.constant 0 : i32
      %cond3A_57 = arith.cmpi ne, %convert_element_type3A_55, %cond3A_56 : i32
      scf.if %cond3A_57 {
        %add3A_81 = arith.constant 64 : i32
        %add3A_82 = arith.addi %add3A_43, %add3A_81 : i32
        %mul3A_83 = arith.constant 512 : i32
        %mul3A_84 = arith.muli %add3A_82, %mul3A_83 : i32
        %dma_start3A_85 = arith.constant 0 : i32
        %dma_start3A_86 = tpu.memref_slice %arg2[%dma_start3A_85, %mul3A_84] : memref<32x1000000xf32, #tpu.memory_space<hbm>> -> memref<32x512xf32, #tpu.memory_space<hbm>>
        %dma_start3A_87 = arith.constant 0 : i32
        %dma_start3A_88 = tpu.memref_slice %arg2[%dma_start3A_87, %mul3A_84] : memref<32x1000000xf32, #tpu.memory_space<hbm>> -> memref<32x512xf32, #tpu.memory_space<hbm>>
        tpu.enqueue_dma source(%dma_start3A_88 : memref<32x512xf32, #tpu.memory_space<hbm>>) target(%arg5 : memref<32x512xf32, #tpu.memory_space<vmem>>) target_semaphore(%arg9 : memref<!tpu.dma_semaphore, #tpu.memory_space<semaphore_mem>>)
      } else {
      }
      %mul3A_58 = arith.constant 2 : i32
      %mul3A_59 = arith.muli %mul3A_58, %scan3A_37 : i32
      %add3A_60 = arith.constant 1 : i32
      %add3A_61 = arith.addi %mul3A_59, %add3A_60 : i32
      %mul3A_62 = arith.constant 32 : i32
      %mul3A_63 = arith.muli %mul3A_62, %add3A_61 : i32
      %add3A_64 = arith.addi %add3A, %mul3A_63 : i32
      %lt3A_65 = arith.constant 1953 : i32
      %lt3A_66 = arith.cmpi slt, %add3A_64, %lt3A_65 : i32
      %convert_element_type3A_67 = arith.extui %lt3A_66 : i1 to i32
      %cond3A_68 = arith.constant 0 : i32
      %cond3A_69 = arith.cmpi ne, %convert_element_type3A_67, %cond3A_68 : i32
      scf.if %cond3A_69 {
        %dma_wait3A_81 = arith.constant 0 : i32
        %dma_wait3A_82 = arith.constant 0 : i32
        %dma_wait3A_83 = tpu.memref_slice %arg2[%dma_wait3A_81, %dma_wait3A_82] : memref<32x1000000xf32, #tpu.memory_space<hbm>> -> memref<32x512xf32, #tpu.memory_space<hbm>>
        %dma_wait3A_84 = arith.constant 0 : i32
        %dma_wait3A_85 = arith.constant 0 : i32
        %dma_wait3A_86 = tpu.memref_slice %arg2[%dma_wait3A_84, %dma_wait3A_85] : memref<32x1000000xf32, #tpu.memory_space<hbm>> -> memref<32x512xf32, #tpu.memory_space<hbm>>
        tpu.wait_dma2 semaphore(%arg10 : memref<!tpu.dma_semaphore, #tpu.memory_space<semaphore_mem>>) src(%dma_wait3A_86 : memref<32x512xf32, #tpu.memory_space<hbm>>) dst(%arg6 : memref<32x512xf32, #tpu.memory_space<vmem>>)
        %ge3A = arith.constant 2 : i32
        %ge3A_87 = arith.cmpi sge, %add3A_61, %ge3A : i32
        %convert_element_type3A_88 = arith.extui %ge3A_87 : i1 to i32
        %cond3A_89 = arith.constant 0 : i32
        %cond3A_90 = arith.cmpi ne, %convert_element_type3A_88, %cond3A_89 : i32
        scf.if %cond3A_90 {
          %dma_wait3A_99 = arith.constant 0 : i32
          %dma_wait3A_100 = arith.constant 0 : i32
          %dma_wait3A_101 = tpu.memref_slice %arg4[%dma_wait3A_99, %dma_wait3A_100] : memref<250000x128xf32, #tpu.memory_space<hbm>> -> memref<128x128xf32, #tpu.memory_space<hbm>>
          %dma_wait3A_102 = arith.constant 0 : i32
          %dma_wait3A_103 = arith.constant 0 : i32
          %dma_wait3A_104 = tpu.memref_slice %arg4[%dma_wait3A_102, %dma_wait3A_103] : memref<250000x128xf32, #tpu.memory_space<hbm>> -> memref<128x128xf32, #tpu.memory_space<hbm>>
          tpu.wait_dma2 semaphore(%arg12 : memref<!tpu.dma_semaphore, #tpu.memory_space<semaphore_mem>>) src(%arg8 : memref<128x128xf32, #tpu.memory_space<vmem>>) dst(%dma_wait3A_104 : memref<128x128xf32, #tpu.memory_space<hbm>>)
        } else {
        }
        %parallel_loop3A = arith.constant 0 : i32
        %parallel_loop3A_91 = arith.constant 128 : i32
        %parallel_loop3A_92 = arith.constant 1 : i32
        scf.for %parallel_loop3A_99 = %parallel_loop3A to %parallel_loop3A_91 step %parallel_loop3A_92  : i32 {
          %parallel_loop3A_100 = arith.constant 2 : i32
          %parallel_loop3A_101 = arith.shli %parallel_loop3A_99, %parallel_loop3A_100 : i32
          %parallel_loop3A_102 = vector.broadcast %parallel_loop3A_101 : i32 to vector<16xi32>
          %parallel_loop3A_103 = arith.addi %shift_right_arithmetic3A_4, %parallel_loop3A_102 : vector<16xi32>
          %parallel_loop3A_104 = arith.constant 2 : i32
          %parallel_loop3A_105 = vector.broadcast %parallel_loop3A_104 : i32 to vector<16xi32>
          %parallel_loop3A_106 = arith.shrsi %parallel_loop3A_103, %parallel_loop3A_105 : vector<16xi32>
          %parallel_loop3A_107 = arith.constant 3 : i32
          %parallel_loop3A_108 = vector.broadcast %parallel_loop3A_107 : i32 to vector<16xi32>
          %parallel_loop3A_109 = arith.andi %parallel_loop3A_103, %parallel_loop3A_108 : vector<16xi32>
          %parallel_loop3A_110 = arith.constant 5 : i32
          %parallel_loop3A_111 = vector.broadcast %parallel_loop3A_110 : i32 to vector<16xi32>
          %parallel_loop3A_112 = arith.shli %parallel_loop3A_109, %parallel_loop3A_111 : vector<16xi32>
          %parallel_loop3A_113 = arith.constant 0 : i32
          %parallel_loop3A_114 = vector.broadcast %parallel_loop3A_113 : i32 to vector<16xi32>
          %parallel_loop3A_115 = arith.addi %and3A_2, %parallel_loop3A_114 : vector<16xi32>
          %parallel_loop3A_116 = tpu.vector_load_idx %arg6[%parallel_loop3A_115, %parallel_loop3A_103] : memref<32x512xf32, #tpu.memory_space<vmem>>[vector<16xi32>, vector<16xi32>], vector<16xf32>,
          %parallel_loop3A_117 = arith.constant 5.65685415 : f32
          %parallel_loop3A_118 = vector.broadcast %parallel_loop3A_117 : f32 to vector<16xf32>
          %parallel_loop3A_119 = arith.mulf %parallel_loop3A_116, %parallel_loop3A_118 : vector<16xf32>
          %parallel_loop3A_120 = arith.addi %parallel_loop3A_112, %parallel_loop3A_115 : vector<16xi32>
          tpu.vector_store_idx %arg8[%parallel_loop3A_106, %parallel_loop3A_120], %parallel_loop3A_119 : memref<128x128xf32, #tpu.memory_space<vmem>>[vector<16xi32>, vector<16xi32>], vector<16xf32>,
          %parallel_loop3A_121 = arith.constant 4 : i32
          %parallel_loop3A_122 = vector.broadcast %parallel_loop3A_121 : i32 to vector<16xi32>
          %parallel_loop3A_123 = arith.addi %and3A_2, %parallel_loop3A_122 : vector<16xi32>
          %parallel_loop3A_124 = tpu.vector_load_idx %arg6[%parallel_loop3A_123, %parallel_loop3A_103] : memref<32x512xf32, #tpu.memory_space<vmem>>[vector<16xi32>, vector<16xi32>], vector<16xf32>,
          %parallel_loop3A_125 = arith.constant 5.65685415 : f32
          %parallel_loop3A_126 = vector.broadcast %parallel_loop3A_125 : f32 to vector<16xf32>
          %parallel_loop3A_127 = arith.mulf %parallel_loop3A_124, %parallel_loop3A_126 : vector<16xf32>
          %parallel_loop3A_128 = arith.addi %parallel_loop3A_112, %parallel_loop3A_123 : vector<16xi32>
          tpu.vector_store_idx %arg8[%parallel_loop3A_106, %parallel_loop3A_128], %parallel_loop3A_127 : memref<128x128xf32, #tpu.memory_space<vmem>>[vector<16xi32>, vector<16xi32>], vector<16xf32>,
          %parallel_loop3A_129 = arith.constant 8 : i32
          %parallel_loop3A_130 = vector.broadcast %parallel_loop3A_129 : i32 to vector<16xi32>
          %parallel_loop3A_131 = arith.addi %and3A_2, %parallel_loop3A_130 : vector<16xi32>
          %parallel_loop3A_132 = tpu.vector_load_idx %arg6[%parallel_loop3A_131, %parallel_loop3A_103] : memref<32x512xf32, #tpu.memory_space<vmem>>[vector<16xi32>, vector<16xi32>], vector<16xf32>,
          %parallel_loop3A_133 = arith.constant 5.65685415 : f32
          %parallel_loop3A_134 = vector.broadcast %parallel_loop3A_133 : f32 to vector<16xf32>
          %parallel_loop3A_135 = arith.mulf %parallel_loop3A_132, %parallel_loop3A_134 : vector<16xf32>
          %parallel_loop3A_136 = arith.addi %parallel_loop3A_112, %parallel_loop3A_131 : vector<16xi32>
          tpu.vector_store_idx %arg8[%parallel_loop3A_106, %parallel_loop3A_136], %parallel_loop3A_135 : memref<128x128xf32, #tpu.memory_space<vmem>>[vector<16xi32>, vector<16xi32>], vector<16xf32>,
          %parallel_loop3A_137 = arith.constant 12 : i32
          %parallel_loop3A_138 = vector.broadcast %parallel_loop3A_137 : i32 to vector<16xi32>
          %parallel_loop3A_139 = arith.addi %and3A_2, %parallel_loop3A_138 : vector<16xi32>
          %parallel_loop3A_140 = tpu.vector_load_idx %arg6[%parallel_loop3A_139, %parallel_loop3A_103] : memref<32x512xf32, #tpu.memory_space<vmem>>[vector<16xi32>, vector<16xi32>], vector<16xf32>,
          %parallel_loop3A_141 = arith.constant 5.65685415 : f32
          %parallel_loop3A_142 = vector.broadcast %parallel_loop3A_141 : f32 to vector<16xf32>
          %parallel_loop3A_143 = arith.mulf %parallel_loop3A_140, %parallel_loop3A_142 : vector<16xf32>
          %parallel_loop3A_144 = arith.addi %parallel_loop3A_112, %parallel_loop3A_139 : vector<16xi32>
          tpu.vector_store_idx %arg8[%parallel_loop3A_106, %parallel_loop3A_144], %parallel_loop3A_143 : memref<128x128xf32, #tpu.memory_space<vmem>>[vector<16xi32>, vector<16xi32>], vector<16xf32>,
          %parallel_loop3A_145 = arith.constant 16 : i32
          %parallel_loop3A_146 = vector.broadcast %parallel_loop3A_145 : i32 to vector<16xi32>
          %parallel_loop3A_147 = arith.addi %and3A_2, %parallel_loop3A_146 : vector<16xi32>
          %parallel_loop3A_148 = tpu.vector_load_idx %arg6[%parallel_loop3A_147, %parallel_loop3A_103] : memref<32x512xf32, #tpu.memory_space<vmem>>[vector<16xi32>, vector<16xi32>], vector<16xf32>,
          %parallel_loop3A_149 = arith.constant 5.65685415 : f32
          %parallel_loop3A_150 = vector.broadcast %parallel_loop3A_149 : f32 to vector<16xf32>
          %parallel_loop3A_151 = arith.mulf %parallel_loop3A_148, %parallel_loop3A_150 : vector<16xf32>
          %parallel_loop3A_152 = arith.addi %parallel_loop3A_112, %parallel_loop3A_147 : vector<16xi32>
          tpu.vector_store_idx %arg8[%parallel_loop3A_106, %parallel_loop3A_152], %parallel_loop3A_151 : memref<128x128xf32, #tpu.memory_space<vmem>>[vector<16xi32>, vector<16xi32>], vector<16xf32>,
          %parallel_loop3A_153 = arith.constant 20 : i32
          %parallel_loop3A_154 = vector.broadcast %parallel_loop3A_153 : i32 to vector<16xi32>
          %parallel_loop3A_155 = arith.addi %and3A_2, %parallel_loop3A_154 : vector<16xi32>
          %parallel_loop3A_156 = tpu.vector_load_idx %arg6[%parallel_loop3A_155, %parallel_loop3A_103] : memref<32x512xf32, #tpu.memory_space<vmem>>[vector<16xi32>, vector<16xi32>], vector<16xf32>,
          %parallel_loop3A_157 = arith.constant 5.65685415 : f32
          %parallel_loop3A_158 = vector.broadcast %parallel_loop3A_157 : f32 to vector<16xf32>
          %parallel_loop3A_159 = arith.mulf %parallel_loop3A_156, %parallel_loop3A_158 : vector<16xf32>
          %parallel_loop3A_160 = arith.addi %parallel_loop3A_112, %parallel_loop3A_155 : vector<16xi32>
          tpu.vector_store_idx %arg8[%parallel_loop3A_106, %parallel_loop3A_160], %parallel_loop3A_159 : memref<128x128xf32, #tpu.memory_space<vmem>>[vector<16xi32>, vector<16xi32>], vector<16xf32>,
          %parallel_loop3A_161 = arith.constant 24 : i32
          %parallel_loop3A_162 = vector.broadcast %parallel_loop3A_161 : i32 to vector<16xi32>
          %parallel_loop3A_163 = arith.addi %and3A_2, %parallel_loop3A_162 : vector<16xi32>
          %parallel_loop3A_164 = tpu.vector_load_idx %arg6[%parallel_loop3A_163, %parallel_loop3A_103] : memref<32x512xf32, #tpu.memory_space<vmem>>[vector<16xi32>, vector<16xi32>], vector<16xf32>,
          %parallel_loop3A_165 = arith.constant 5.65685415 : f32
          %parallel_loop3A_166 = vector.broadcast %parallel_loop3A_165 : f32 to vector<16xf32>
          %parallel_loop3A_167 = arith.mulf %parallel_loop3A_164, %parallel_loop3A_166 : vector<16xf32>
          %parallel_loop3A_168 = arith.addi %parallel_loop3A_112, %parallel_loop3A_163 : vector<16xi32>
          tpu.vector_store_idx %arg8[%parallel_loop3A_106, %parallel_loop3A_168], %parallel_loop3A_167 : memref<128x128xf32, #tpu.memory_space<vmem>>[vector<16xi32>, vector<16xi32>], vector<16xf32>,
          %parallel_loop3A_169 = arith.constant 28 : i32
          %parallel_loop3A_170 = vector.broadcast %parallel_loop3A_169 : i32 to vector<16xi32>
          %parallel_loop3A_171 = arith.addi %and3A_2, %parallel_loop3A_170 : vector<16xi32>
          %parallel_loop3A_172 = tpu.vector_load_idx %arg6[%parallel_loop3A_171, %parallel_loop3A_103] : memref<32x512xf32, #tpu.memory_space<vmem>>[vector<16xi32>, vector<16xi32>], vector<16xf32>,
          %parallel_loop3A_173 = arith.constant 5.65685415 : f32
          %parallel_loop3A_174 = vector.broadcast %parallel_loop3A_173 : f32 to vector<16xf32>
          %parallel_loop3A_175 = arith.mulf %parallel_loop3A_172, %parallel_loop3A_174 : vector<16xf32>
          %parallel_loop3A_176 = arith.addi %parallel_loop3A_112, %parallel_loop3A_171 : vector<16xi32>
          tpu.vector_store_idx %arg8[%parallel_loop3A_106, %parallel_loop3A_176], %parallel_loop3A_175 : memref<128x128xf32, #tpu.memory_space<vmem>>[vector<16xi32>, vector<16xi32>], vector<16xf32>,
        } {sc.loop_unroll_factor = 2 : i64, sc.parallel_access}
        %mul3A_93 = arith.constant 128 : i32
        %mul3A_94 = arith.muli %add3A_64, %mul3A_93 : i32
        %dma_start3A_95 = arith.constant 0 : i32
        %dma_start3A_96 = tpu.memref_slice %arg4[%mul3A_94, %dma_start3A_95] : memref<250000x128xf32, #tpu.memory_space<hbm>> -> memref<128x128xf32, #tpu.memory_space<hbm>>
        %dma_start3A_97 = arith.constant 0 : i32
        %dma_start3A_98 = tpu.memref_slice %arg4[%mul3A_94, %dma_start3A_97] : memref<250000x128xf32, #tpu.memory_space<hbm>> -> memref<128x128xf32, #tpu.memory_space<hbm>>
        tpu.enqueue_dma source(%arg8 : memref<128x128xf32, #tpu.memory_space<vmem>>) target(%dma_start3A_98 : memref<128x128xf32, #tpu.memory_space<hbm>>) target_semaphore(%arg12 : memref<!tpu.dma_semaphore, #tpu.memory_space<semaphore_mem>>)
      } else {
      }
      %add3A_70 = arith.constant 2 : i32
      %add3A_71 = arith.addi %add3A_61, %add3A_70 : i32
      %mul3A_72 = arith.constant 32 : i32
      %mul3A_73 = arith.muli %mul3A_72, %add3A_71 : i32
      %add3A_74 = arith.addi %add3A, %mul3A_73 : i32
      %lt3A_75 = arith.constant 1953 : i32
      %lt3A_76 = arith.cmpi slt, %add3A_74, %lt3A_75 : i32
      %convert_element_type3A_77 = arith.extui %lt3A_76 : i1 to i32
      %cond3A_78 = arith.constant 0 : i32
      %cond3A_79 = arith.cmpi ne, %convert_element_type3A_77, %cond3A_78 : i32
      scf.if %cond3A_79 {
        %add3A_81 = arith.constant 64 : i32
        %add3A_82 = arith.addi %add3A_64, %add3A_81 : i32
        %mul3A_83 = arith.constant 512 : i32
        %mul3A_84 = arith.muli %add3A_82, %mul3A_83 : i32
        %dma_start3A_85 = arith.constant 0 : i32
        %dma_start3A_86 = tpu.memref_slice %arg2[%dma_start3A_85, %mul3A_84] : memref<32x1000000xf32, #tpu.memory_space<hbm>> -> memref<32x512xf32, #tpu.memory_space<hbm>>
        %dma_start3A_87 = arith.constant 0 : i32
        %dma_start3A_88 = tpu.memref_slice %arg2[%dma_start3A_87, %mul3A_84] : memref<32x1000000xf32, #tpu.memory_space<hbm>> -> memref<32x512xf32, #tpu.memory_space<hbm>>
        tpu.enqueue_dma source(%dma_start3A_88 : memref<32x512xf32, #tpu.memory_space<hbm>>) target(%arg6 : memref<32x512xf32, #tpu.memory_space<vmem>>) target_semaphore(%arg10 : memref<!tpu.dma_semaphore, #tpu.memory_space<semaphore_mem>>)
      } else {
      }
      %scan3A_80 = arith.constant 0 : i32
      scf.yield %scan3A_80 : i32
    }
    %scan3A_23 = arith.constant 31 : i32
    %dma_wait3A = arith.constant 0 : i32
    %dma_wait3A_24 = arith.constant 0 : i32
    %dma_wait3A_25 = tpu.memref_slice %arg4[%dma_wait3A, %dma_wait3A_24] : memref<250000x128xf32, #tpu.memory_space<hbm>> -> memref<128x128xf32, #tpu.memory_space<hbm>>
    %dma_wait3A_26 = arith.constant 0 : i32
    %dma_wait3A_27 = arith.constant 0 : i32
    %dma_wait3A_28 = tpu.memref_slice %arg4[%dma_wait3A_26, %dma_wait3A_27] : memref<250000x128xf32, #tpu.memory_space<hbm>> -> memref<128x128xf32, #tpu.memory_space<hbm>>
    tpu.wait_dma2 semaphore(%arg11 : memref<!tpu.dma_semaphore, #tpu.memory_space<semaphore_mem>>) src(%arg7 : memref<128x128xf32, #tpu.memory_space<vmem>>) dst(%dma_wait3A_28 : memref<128x128xf32, #tpu.memory_space<hbm>>)
    %dma_wait3A_29 = arith.constant 0 : i32
    %dma_wait3A_30 = arith.constant 0 : i32
    %dma_wait3A_31 = tpu.memref_slice %arg4[%dma_wait3A_29, %dma_wait3A_30] : memref<250000x128xf32, #tpu.memory_space<hbm>> -> memref<128x128xf32, #tpu.memory_space<hbm>>
    %dma_wait3A_32 = arith.constant 0 : i32
    %dma_wait3A_33 = arith.constant 0 : i32
    %dma_wait3A_34 = tpu.memref_slice %arg4[%dma_wait3A_32, %dma_wait3A_33] : memref<250000x128xf32, #tpu.memory_space<hbm>> -> memref<128x128xf32, #tpu.memory_space<hbm>>
    tpu.wait_dma2 semaphore(%arg12 : memref<!tpu.dma_semaphore, #tpu.memory_space<semaphore_mem>>) src(%arg8 : memref<128x128xf32, #tpu.memory_space<vmem>>) dst(%dma_wait3A_34 : memref<128x128xf32, #tpu.memory_space<hbm>>)
    %eq3A = arith.constant 31 : i32
    %eq3A_35 = arith.cmpi eq, %add3A, %eq3A : i32
    %convert_element_type3A = arith.extui %eq3A_35 : i1 to i32
    %cond3A = arith.constant 0 : i32
    %cond3A_36 = arith.cmpi ne, %convert_element_type3A, %cond3A : i32
    scf.if %cond3A_36 {
      "tpu.region"() ({
        %run_scoped3A = tpu.sem_alloc : memref<!tpu.dma_semaphore, #tpu.memory_space<semaphore_mem>>
        %dma_start3A_37 = arith.constant 0 : i32
        %dma_start3A_38 = arith.constant 0 : i32
        %dma_start3A_39 = tpu.memref_slice %arg7[%dma_start3A_37, %dma_start3A_38] : memref<128x128xf32, #tpu.memory_space<vmem>> -> memref<16x128xf32, #tpu.memory_space<vmem>>
        %dma_start3A_40 = arith.constant 0 : i32
        %dma_start3A_41 = arith.constant 0 : i32
        %dma_start3A_42 = tpu.memref_slice %arg7[%dma_start3A_40, %dma_start3A_41] : memref<128x128xf32, #tpu.memory_space<vmem>> -> memref<16x128xf32, #tpu.memory_space<vmem>>
        tpu.enqueue_dma source(%arg3 : memref<16x128xf32, #tpu.memory_space<hbm>>) target(%dma_start3A_42 : memref<16x128xf32, #tpu.memory_space<vmem>>) target_semaphore(%run_scoped3A : memref<!tpu.dma_semaphore, #tpu.memory_space<semaphore_mem>>)
        %dma_wait3A_43 = arith.constant 0 : i32
        %dma_wait3A_44 = arith.constant 0 : i32
        %dma_wait3A_45 = tpu.memref_slice %arg7[%dma_wait3A_43, %dma_wait3A_44] : memref<128x128xf32, #tpu.memory_space<vmem>> -> memref<16x128xf32, #tpu.memory_space<vmem>>
        %dma_wait3A_46 = arith.constant 0 : i32
        %dma_wait3A_47 = arith.constant 0 : i32
        %dma_wait3A_48 = tpu.memref_slice %arg7[%dma_wait3A_46, %dma_wait3A_47] : memref<128x128xf32, #tpu.memory_space<vmem>> -> memref<16x128xf32, #tpu.memory_space<vmem>>
        tpu.wait_dma2 semaphore(%run_scoped3A : memref<!tpu.dma_semaphore, #tpu.memory_space<semaphore_mem>>) src(%arg3 : memref<16x128xf32, #tpu.memory_space<hbm>>) dst(%dma_wait3A_48 : memref<16x128xf32, #tpu.memory_space<vmem>>)
        tpu.yield
      }) : () -> ()
      "tpu.region"() ({
        %run_scoped3A = tpu.sem_alloc : memref<!tpu.dma_semaphore, #tpu.memory_space<semaphore_mem>>
        %dma_start3A_37 = arith.constant 0 : i32
        %dma_start3A_38 = arith.constant 0 : i32
        %dma_start3A_39 = tpu.memref_slice %arg7[%dma_start3A_37, %dma_start3A_38] : memref<128x128xf32, #tpu.memory_space<vmem>> -> memref<16x128xf32, #tpu.memory_space<vmem>>
        %dma_start3A_40 = arith.constant 249984 : i32
        %dma_start3A_41 = arith.constant 0 : i32
        %dma_start3A_42 = tpu.memref_slice %arg4[%dma_start3A_40, %dma_start3A_41] : memref<250000x128xf32, #tpu.memory_space<hbm>> -> memref<16x128xf32, #tpu.memory_space<hbm>>
        %dma_start3A_43 = arith.constant 249984 : i32
        %dma_start3A_44 = arith.constant 0 : i32
        %dma_start3A_45 = tpu.memref_slice %arg4[%dma_start3A_43, %dma_start3A_44] : memref<250000x128xf32, #tpu.memory_space<hbm>> -> memref<16x128xf32, #tpu.memory_space<hbm>>
        %dma_start3A_46 = arith.constant 0 : i32
        %dma_start3A_47 = arith.constant 0 : i32
        %dma_start3A_48 = tpu.memref_slice %arg7[%dma_start3A_46, %dma_start3A_47] : memref<128x128xf32, #tpu.memory_space<vmem>> -> memref<16x128xf32, #tpu.memory_space<vmem>>
        tpu.enqueue_dma source(%dma_start3A_48 : memref<16x128xf32, #tpu.memory_space<vmem>>) target(%dma_start3A_45 : memref<16x128xf32, #tpu.memory_space<hbm>>) target_semaphore(%run_scoped3A : memref<!tpu.dma_semaphore, #tpu.memory_space<semaphore_mem>>)
        %dma_wait3A_49 = arith.constant 0 : i32
        %dma_wait3A_50 = arith.constant 0 : i32
        %dma_wait3A_51 = tpu.memref_slice %arg7[%dma_wait3A_49, %dma_wait3A_50] : memref<128x128xf32, #tpu.memory_space<vmem>> -> memref<16x128xf32, #tpu.memory_space<vmem>>
        %dma_wait3A_52 = arith.constant 249984 : i32
        %dma_wait3A_53 = arith.constant 0 : i32
        %dma_wait3A_54 = tpu.memref_slice %arg4[%dma_wait3A_52, %dma_wait3A_53] : memref<250000x128xf32, #tpu.memory_space<hbm>> -> memref<16x128xf32, #tpu.memory_space<hbm>>
        %dma_wait3A_55 = arith.constant 249984 : i32
        %dma_wait3A_56 = arith.constant 0 : i32
        %dma_wait3A_57 = tpu.memref_slice %arg4[%dma_wait3A_55, %dma_wait3A_56] : memref<250000x128xf32, #tpu.memory_space<hbm>> -> memref<16x128xf32, #tpu.memory_space<hbm>>
        %dma_wait3A_58 = arith.constant 0 : i32
        %dma_wait3A_59 = arith.constant 0 : i32
        %dma_wait3A_60 = tpu.memref_slice %arg7[%dma_wait3A_58, %dma_wait3A_59] : memref<128x128xf32, #tpu.memory_space<vmem>> -> memref<16x128xf32, #tpu.memory_space<vmem>>
        tpu.wait_dma2 semaphore(%run_scoped3A : memref<!tpu.dma_semaphore, #tpu.memory_space<semaphore_mem>>) src(%dma_wait3A_60 : memref<16x128xf32, #tpu.memory_space<vmem>>) dst(%dma_wait3A_57 : memref<16x128xf32, #tpu.memory_space<hbm>>)
        tpu.yield
      }) : () -> ()
    } else {
    }
    return
  }
}

#map = affine_map<(d0, d1) -> (0, 0)>
module attributes {stable_mosaic.version = 14 : i64} {
  func.func @_sc_embed(%arg0: i32, %arg1: i32, %arg2: memref<200x4096xi32, #tpu.memory_space<hbm>>, %arg3: memref<1000000x32xf32, #tpu.memory_space<hbm>>, %arg4: memref<6400x4096xf32, #tpu.memory_space<hbm>>, %arg5: memref<5x128xi32, #tpu.memory_space<vmem>>, %arg6: memref<5x128xi32, #tpu.memory_space<vmem>>, %arg7: memref<640x32xf32, #tpu.memory_space<vmem>>, %arg8: memref<640x32xf32, #tpu.memory_space<vmem>>, %arg9: memref<160x129xf32, #tpu.memory_space<vmem>>, %arg10: memref<160x129xf32, #tpu.memory_space<vmem>>, %arg11: memref<!tpu.dma_semaphore, #tpu.memory_space<semaphore_mem>>, %arg12: memref<!tpu.dma_semaphore, #tpu.memory_space<semaphore_mem>>, %arg13: memref<!tpu.dma_semaphore, #tpu.memory_space<semaphore_mem>>, %arg14: memref<!tpu.dma_semaphore, #tpu.memory_space<semaphore_mem>>) attributes {dimension_semantics = [#tpu.dimension_semantics<core_parallel>, #tpu.dimension_semantics<subcore_parallel>], iteration_bounds = array<i64: 2, 16>, scalar_prefetch = 0 : i64, scratch_operands = 10 : i64, tpu.core_type = #tpu.core_type<sc_vector_subcore>, window_params = [{transform_indices = #map}, {transform_indices = #map}, {transform_indices = #map}]} {
    %mul3A = arith.constant 2 : i32
    %mul3A_0 = arith.muli %arg1, %mul3A : i32
    %add3A = arith.addi %mul3A_0, %arg0 : i32
    %mul3A_1 = arith.constant 128 : i32
    %mul3A_2 = arith.muli %add3A, %mul3A_1 : i32
    %iota3A = tpu.iota {dimensions = array<i32: 0>} : vector<16xi32>
    "tpu.region"() ({
      %run_scoped3A = tpu.sem_alloc : memref<!tpu.dma_semaphore, #tpu.memory_space<semaphore_mem>>
      %dma_start3A_127 = arith.constant 0 : i32
      %dma_start3A_128 = tpu.memref_slice %arg2[%dma_start3A_127, %mul3A_2] : memref<200x4096xi32, #tpu.memory_space<hbm>> -> memref<5x128xi32, #tpu.memory_space<hbm>>
      %dma_start3A_129 = arith.constant 0 : i32
      %dma_start3A_130 = tpu.memref_slice %arg2[%dma_start3A_129, %mul3A_2] : memref<200x4096xi32, #tpu.memory_space<hbm>> -> memref<5x128xi32, #tpu.memory_space<hbm>>
      tpu.enqueue_dma source(%dma_start3A_130 : memref<5x128xi32, #tpu.memory_space<hbm>>) target(%arg5 : memref<5x128xi32, #tpu.memory_space<vmem>>) target_semaphore(%run_scoped3A : memref<!tpu.dma_semaphore, #tpu.memory_space<semaphore_mem>>)
      %dma_wait3A_131 = arith.constant 0 : i32
      %dma_wait3A_132 = tpu.memref_slice %arg2[%dma_wait3A_131, %mul3A_2] : memref<200x4096xi32, #tpu.memory_space<hbm>> -> memref<5x128xi32, #tpu.memory_space<hbm>>
      %dma_wait3A_133 = arith.constant 0 : i32
      %dma_wait3A_134 = tpu.memref_slice %arg2[%dma_wait3A_133, %mul3A_2] : memref<200x4096xi32, #tpu.memory_space<hbm>> -> memref<5x128xi32, #tpu.memory_space<hbm>>
      tpu.wait_dma2 semaphore(%run_scoped3A : memref<!tpu.dma_semaphore, #tpu.memory_space<semaphore_mem>>) src(%dma_wait3A_134 : memref<5x128xi32, #tpu.memory_space<hbm>>) dst(%arg5 : memref<5x128xi32, #tpu.memory_space<vmem>>)
      tpu.yield
    }) : () -> ()
    %dma_start3A = arith.constant 0 : i32
    %dma_start3A_3 = arith.constant 0 : i32
    %dma_start3A_4 = arith.constant 0 : i32
    %dma_start3A_5 = tpu.memref_slice %arg7[%dma_start3A_3, %dma_start3A_4] : memref<640x32xf32, #tpu.memory_space<vmem>> -> memref<128x32xf32, #tpu.memory_space<vmem>>
    %dma_start3A_6 = arith.constant 0 : i32
    %dma_start3A_7 = tpu.memref_slice %arg5[%dma_start3A, %dma_start3A_6] : memref<5x128xi32, #tpu.memory_space<vmem>> -> memref<1x128xi32, #tpu.memory_space<vmem>>
    %dma_start3A_8 = tpu.memref_squeeze %dma_start3A_7 : memref<1x128xi32, #tpu.memory_space<vmem>> -> memref<128xi32, #tpu.memory_space<vmem>>
    %dma_start3A_9 = arith.constant 0 : i32
    %dma_start3A_10 = arith.constant 0 : i32
    %dma_start3A_11 = tpu.memref_slice %arg3[%dma_start3A_9, %dma_start3A_10] : memref<1000000x32xf32, #tpu.memory_space<hbm>> -> memref<1000000x32xf32, #tpu.memory_space<hbm>>
    tpu.enqueue_indirect_dma source(%dma_start3A_11 : memref<1000000x32xf32, #tpu.memory_space<hbm>>) target(%dma_start3A_5 : memref<128x32xf32, #tpu.memory_space<vmem>>) offsets(%dma_start3A_8 : memref<128xi32, #tpu.memory_space<vmem>>) semaphore(%arg11 : memref<!tpu.dma_semaphore, #tpu.memory_space<semaphore_mem>>)
    %dma_start3A_12 = arith.constant 1 : i32
    %dma_start3A_13 = arith.constant 128 : i32
    %dma_start3A_14 = arith.constant 0 : i32
    %dma_start3A_15 = tpu.memref_slice %arg7[%dma_start3A_13, %dma_start3A_14] : memref<640x32xf32, #tpu.memory_space<vmem>> -> memref<128x32xf32, #tpu.memory_space<vmem>>
    %dma_start3A_16 = arith.constant 0 : i32
    %dma_start3A_17 = tpu.memref_slice %arg5[%dma_start3A_12, %dma_start3A_16] : memref<5x128xi32, #tpu.memory_space<vmem>> -> memref<1x128xi32, #tpu.memory_space<vmem>>
    %dma_start3A_18 = tpu.memref_squeeze %dma_start3A_17 : memref<1x128xi32, #tpu.memory_space<vmem>> -> memref<128xi32, #tpu.memory_space<vmem>>
    %dma_start3A_19 = arith.constant 0 : i32
    %dma_start3A_20 = arith.constant 0 : i32
    %dma_start3A_21 = tpu.memref_slice %arg3[%dma_start3A_19, %dma_start3A_20] : memref<1000000x32xf32, #tpu.memory_space<hbm>> -> memref<1000000x32xf32, #tpu.memory_space<hbm>>
    tpu.enqueue_indirect_dma source(%dma_start3A_21 : memref<1000000x32xf32, #tpu.memory_space<hbm>>) target(%dma_start3A_15 : memref<128x32xf32, #tpu.memory_space<vmem>>) offsets(%dma_start3A_18 : memref<128xi32, #tpu.memory_space<vmem>>) semaphore(%arg11 : memref<!tpu.dma_semaphore, #tpu.memory_space<semaphore_mem>>)
    %dma_start3A_22 = arith.constant 2 : i32
    %dma_start3A_23 = arith.constant 256 : i32
    %dma_start3A_24 = arith.constant 0 : i32
    %dma_start3A_25 = tpu.memref_slice %arg7[%dma_start3A_23, %dma_start3A_24] : memref<640x32xf32, #tpu.memory_space<vmem>> -> memref<128x32xf32, #tpu.memory_space<vmem>>
    %dma_start3A_26 = arith.constant 0 : i32
    %dma_start3A_27 = tpu.memref_slice %arg5[%dma_start3A_22, %dma_start3A_26] : memref<5x128xi32, #tpu.memory_space<vmem>> -> memref<1x128xi32, #tpu.memory_space<vmem>>
    %dma_start3A_28 = tpu.memref_squeeze %dma_start3A_27 : memref<1x128xi32, #tpu.memory_space<vmem>> -> memref<128xi32, #tpu.memory_space<vmem>>
    %dma_start3A_29 = arith.constant 0 : i32
    %dma_start3A_30 = arith.constant 0 : i32
    %dma_start3A_31 = tpu.memref_slice %arg3[%dma_start3A_29, %dma_start3A_30] : memref<1000000x32xf32, #tpu.memory_space<hbm>> -> memref<1000000x32xf32, #tpu.memory_space<hbm>>
    tpu.enqueue_indirect_dma source(%dma_start3A_31 : memref<1000000x32xf32, #tpu.memory_space<hbm>>) target(%dma_start3A_25 : memref<128x32xf32, #tpu.memory_space<vmem>>) offsets(%dma_start3A_28 : memref<128xi32, #tpu.memory_space<vmem>>) semaphore(%arg11 : memref<!tpu.dma_semaphore, #tpu.memory_space<semaphore_mem>>)
    %dma_start3A_32 = arith.constant 3 : i32
    %dma_start3A_33 = arith.constant 384 : i32
    %dma_start3A_34 = arith.constant 0 : i32
    %dma_start3A_35 = tpu.memref_slice %arg7[%dma_start3A_33, %dma_start3A_34] : memref<640x32xf32, #tpu.memory_space<vmem>> -> memref<128x32xf32, #tpu.memory_space<vmem>>
    %dma_start3A_36 = arith.constant 0 : i32
    %dma_start3A_37 = tpu.memref_slice %arg5[%dma_start3A_32, %dma_start3A_36] : memref<5x128xi32, #tpu.memory_space<vmem>> -> memref<1x128xi32, #tpu.memory_space<vmem>>
    %dma_start3A_38 = tpu.memref_squeeze %dma_start3A_37 : memref<1x128xi32, #tpu.memory_space<vmem>> -> memref<128xi32, #tpu.memory_space<vmem>>
    %dma_start3A_39 = arith.constant 0 : i32
    %dma_start3A_40 = arith.constant 0 : i32
    %dma_start3A_41 = tpu.memref_slice %arg3[%dma_start3A_39, %dma_start3A_40] : memref<1000000x32xf32, #tpu.memory_space<hbm>> -> memref<1000000x32xf32, #tpu.memory_space<hbm>>
    tpu.enqueue_indirect_dma source(%dma_start3A_41 : memref<1000000x32xf32, #tpu.memory_space<hbm>>) target(%dma_start3A_35 : memref<128x32xf32, #tpu.memory_space<vmem>>) offsets(%dma_start3A_38 : memref<128xi32, #tpu.memory_space<vmem>>) semaphore(%arg11 : memref<!tpu.dma_semaphore, #tpu.memory_space<semaphore_mem>>)
    %dma_start3A_42 = arith.constant 4 : i32
    %dma_start3A_43 = arith.constant 512 : i32
    %dma_start3A_44 = arith.constant 0 : i32
    %dma_start3A_45 = tpu.memref_slice %arg7[%dma_start3A_43, %dma_start3A_44] : memref<640x32xf32, #tpu.memory_space<vmem>> -> memref<128x32xf32, #tpu.memory_space<vmem>>
    %dma_start3A_46 = arith.constant 0 : i32
    %dma_start3A_47 = tpu.memref_slice %arg5[%dma_start3A_42, %dma_start3A_46] : memref<5x128xi32, #tpu.memory_space<vmem>> -> memref<1x128xi32, #tpu.memory_space<vmem>>
    %dma_start3A_48 = tpu.memref_squeeze %dma_start3A_47 : memref<1x128xi32, #tpu.memory_space<vmem>> -> memref<128xi32, #tpu.memory_space<vmem>>
    %dma_start3A_49 = arith.constant 0 : i32
    %dma_start3A_50 = arith.constant 0 : i32
    %dma_start3A_51 = tpu.memref_slice %arg3[%dma_start3A_49, %dma_start3A_50] : memref<1000000x32xf32, #tpu.memory_space<hbm>> -> memref<1000000x32xf32, #tpu.memory_space<hbm>>
    tpu.enqueue_indirect_dma source(%dma_start3A_51 : memref<1000000x32xf32, #tpu.memory_space<hbm>>) target(%dma_start3A_45 : memref<128x32xf32, #tpu.memory_space<vmem>>) offsets(%dma_start3A_48 : memref<128xi32, #tpu.memory_space<vmem>>) semaphore(%arg11 : memref<!tpu.dma_semaphore, #tpu.memory_space<semaphore_mem>>)
    "tpu.region"() ({
      %run_scoped3A = tpu.sem_alloc : memref<!tpu.dma_semaphore, #tpu.memory_space<semaphore_mem>>
      %dma_start3A_127 = arith.constant 5 : i32
      %dma_start3A_128 = tpu.memref_slice %arg2[%dma_start3A_127, %mul3A_2] : memref<200x4096xi32, #tpu.memory_space<hbm>> -> memref<5x128xi32, #tpu.memory_space<hbm>>
      %dma_start3A_129 = arith.constant 5 : i32
      %dma_start3A_130 = tpu.memref_slice %arg2[%dma_start3A_129, %mul3A_2] : memref<200x4096xi32, #tpu.memory_space<hbm>> -> memref<5x128xi32, #tpu.memory_space<hbm>>
      tpu.enqueue_dma source(%dma_start3A_130 : memref<5x128xi32, #tpu.memory_space<hbm>>) target(%arg6 : memref<5x128xi32, #tpu.memory_space<vmem>>) target_semaphore(%run_scoped3A : memref<!tpu.dma_semaphore, #tpu.memory_space<semaphore_mem>>)
      %dma_wait3A_131 = arith.constant 5 : i32
      %dma_wait3A_132 = tpu.memref_slice %arg2[%dma_wait3A_131, %mul3A_2] : memref<200x4096xi32, #tpu.memory_space<hbm>> -> memref<5x128xi32, #tpu.memory_space<hbm>>
      %dma_wait3A_133 = arith.constant 5 : i32
      %dma_wait3A_134 = tpu.memref_slice %arg2[%dma_wait3A_133, %mul3A_2] : memref<200x4096xi32, #tpu.memory_space<hbm>> -> memref<5x128xi32, #tpu.memory_space<hbm>>
      tpu.wait_dma2 semaphore(%run_scoped3A : memref<!tpu.dma_semaphore, #tpu.memory_space<semaphore_mem>>) src(%dma_wait3A_134 : memref<5x128xi32, #tpu.memory_space<hbm>>) dst(%arg6 : memref<5x128xi32, #tpu.memory_space<vmem>>)
      tpu.yield
    }) : () -> ()
    %dma_start3A_52 = arith.constant 0 : i32
    %dma_start3A_53 = arith.constant 0 : i32
    %dma_start3A_54 = arith.constant 0 : i32
    %dma_start3A_55 = tpu.memref_slice %arg8[%dma_start3A_53, %dma_start3A_54] : memref<640x32xf32, #tpu.memory_space<vmem>> -> memref<128x32xf32, #tpu.memory_space<vmem>>
    %dma_start3A_56 = arith.constant 0 : i32
    %dma_start3A_57 = tpu.memref_slice %arg6[%dma_start3A_52, %dma_start3A_56] : memref<5x128xi32, #tpu.memory_space<vmem>> -> memref<1x128xi32, #tpu.memory_space<vmem>>
    %dma_start3A_58 = tpu.memref_squeeze %dma_start3A_57 : memref<1x128xi32, #tpu.memory_space<vmem>> -> memref<128xi32, #tpu.memory_space<vmem>>
    %dma_start3A_59 = arith.constant 0 : i32
    %dma_start3A_60 = arith.constant 0 : i32
    %dma_start3A_61 = tpu.memref_slice %arg3[%dma_start3A_59, %dma_start3A_60] : memref<1000000x32xf32, #tpu.memory_space<hbm>> -> memref<1000000x32xf32, #tpu.memory_space<hbm>>
    tpu.enqueue_indirect_dma source(%dma_start3A_61 : memref<1000000x32xf32, #tpu.memory_space<hbm>>) target(%dma_start3A_55 : memref<128x32xf32, #tpu.memory_space<vmem>>) offsets(%dma_start3A_58 : memref<128xi32, #tpu.memory_space<vmem>>) semaphore(%arg12 : memref<!tpu.dma_semaphore, #tpu.memory_space<semaphore_mem>>)
    %dma_start3A_62 = arith.constant 1 : i32
    %dma_start3A_63 = arith.constant 128 : i32
    %dma_start3A_64 = arith.constant 0 : i32
    %dma_start3A_65 = tpu.memref_slice %arg8[%dma_start3A_63, %dma_start3A_64] : memref<640x32xf32, #tpu.memory_space<vmem>> -> memref<128x32xf32, #tpu.memory_space<vmem>>
    %dma_start3A_66 = arith.constant 0 : i32
    %dma_start3A_67 = tpu.memref_slice %arg6[%dma_start3A_62, %dma_start3A_66] : memref<5x128xi32, #tpu.memory_space<vmem>> -> memref<1x128xi32, #tpu.memory_space<vmem>>
    %dma_start3A_68 = tpu.memref_squeeze %dma_start3A_67 : memref<1x128xi32, #tpu.memory_space<vmem>> -> memref<128xi32, #tpu.memory_space<vmem>>
    %dma_start3A_69 = arith.constant 0 : i32
    %dma_start3A_70 = arith.constant 0 : i32
    %dma_start3A_71 = tpu.memref_slice %arg3[%dma_start3A_69, %dma_start3A_70] : memref<1000000x32xf32, #tpu.memory_space<hbm>> -> memref<1000000x32xf32, #tpu.memory_space<hbm>>
    tpu.enqueue_indirect_dma source(%dma_start3A_71 : memref<1000000x32xf32, #tpu.memory_space<hbm>>) target(%dma_start3A_65 : memref<128x32xf32, #tpu.memory_space<vmem>>) offsets(%dma_start3A_68 : memref<128xi32, #tpu.memory_space<vmem>>) semaphore(%arg12 : memref<!tpu.dma_semaphore, #tpu.memory_space<semaphore_mem>>)
    %dma_start3A_72 = arith.constant 2 : i32
    %dma_start3A_73 = arith.constant 256 : i32
    %dma_start3A_74 = arith.constant 0 : i32
    %dma_start3A_75 = tpu.memref_slice %arg8[%dma_start3A_73, %dma_start3A_74] : memref<640x32xf32, #tpu.memory_space<vmem>> -> memref<128x32xf32, #tpu.memory_space<vmem>>
    %dma_start3A_76 = arith.constant 0 : i32
    %dma_start3A_77 = tpu.memref_slice %arg6[%dma_start3A_72, %dma_start3A_76] : memref<5x128xi32, #tpu.memory_space<vmem>> -> memref<1x128xi32, #tpu.memory_space<vmem>>
    %dma_start3A_78 = tpu.memref_squeeze %dma_start3A_77 : memref<1x128xi32, #tpu.memory_space<vmem>> -> memref<128xi32, #tpu.memory_space<vmem>>
    %dma_start3A_79 = arith.constant 0 : i32
    %dma_start3A_80 = arith.constant 0 : i32
    %dma_start3A_81 = tpu.memref_slice %arg3[%dma_start3A_79, %dma_start3A_80] : memref<1000000x32xf32, #tpu.memory_space<hbm>> -> memref<1000000x32xf32, #tpu.memory_space<hbm>>
    tpu.enqueue_indirect_dma source(%dma_start3A_81 : memref<1000000x32xf32, #tpu.memory_space<hbm>>) target(%dma_start3A_75 : memref<128x32xf32, #tpu.memory_space<vmem>>) offsets(%dma_start3A_78 : memref<128xi32, #tpu.memory_space<vmem>>) semaphore(%arg12 : memref<!tpu.dma_semaphore, #tpu.memory_space<semaphore_mem>>)
    %dma_start3A_82 = arith.constant 3 : i32
    %dma_start3A_83 = arith.constant 384 : i32
    %dma_start3A_84 = arith.constant 0 : i32
    %dma_start3A_85 = tpu.memref_slice %arg8[%dma_start3A_83, %dma_start3A_84] : memref<640x32xf32, #tpu.memory_space<vmem>> -> memref<128x32xf32, #tpu.memory_space<vmem>>
    %dma_start3A_86 = arith.constant 0 : i32
    %dma_start3A_87 = tpu.memref_slice %arg6[%dma_start3A_82, %dma_start3A_86] : memref<5x128xi32, #tpu.memory_space<vmem>> -> memref<1x128xi32, #tpu.memory_space<vmem>>
    %dma_start3A_88 = tpu.memref_squeeze %dma_start3A_87 : memref<1x128xi32, #tpu.memory_space<vmem>> -> memref<128xi32, #tpu.memory_space<vmem>>
    %dma_start3A_89 = arith.constant 0 : i32
    %dma_start3A_90 = arith.constant 0 : i32
    %dma_start3A_91 = tpu.memref_slice %arg3[%dma_start3A_89, %dma_start3A_90] : memref<1000000x32xf32, #tpu.memory_space<hbm>> -> memref<1000000x32xf32, #tpu.memory_space<hbm>>
    tpu.enqueue_indirect_dma source(%dma_start3A_91 : memref<1000000x32xf32, #tpu.memory_space<hbm>>) target(%dma_start3A_85 : memref<128x32xf32, #tpu.memory_space<vmem>>) offsets(%dma_start3A_88 : memref<128xi32, #tpu.memory_space<vmem>>) semaphore(%arg12 : memref<!tpu.dma_semaphore, #tpu.memory_space<semaphore_mem>>)
    %dma_start3A_92 = arith.constant 4 : i32
    %dma_start3A_93 = arith.constant 512 : i32
    %dma_start3A_94 = arith.constant 0 : i32
    %dma_start3A_95 = tpu.memref_slice %arg8[%dma_start3A_93, %dma_start3A_94] : memref<640x32xf32, #tpu.memory_space<vmem>> -> memref<128x32xf32, #tpu.memory_space<vmem>>
    %dma_start3A_96 = arith.constant 0 : i32
    %dma_start3A_97 = tpu.memref_slice %arg6[%dma_start3A_92, %dma_start3A_96] : memref<5x128xi32, #tpu.memory_space<vmem>> -> memref<1x128xi32, #tpu.memory_space<vmem>>
    %dma_start3A_98 = tpu.memref_squeeze %dma_start3A_97 : memref<1x128xi32, #tpu.memory_space<vmem>> -> memref<128xi32, #tpu.memory_space<vmem>>
    %dma_start3A_99 = arith.constant 0 : i32
    %dma_start3A_100 = arith.constant 0 : i32
    %dma_start3A_101 = tpu.memref_slice %arg3[%dma_start3A_99, %dma_start3A_100] : memref<1000000x32xf32, #tpu.memory_space<hbm>> -> memref<1000000x32xf32, #tpu.memory_space<hbm>>
    tpu.enqueue_indirect_dma source(%dma_start3A_101 : memref<1000000x32xf32, #tpu.memory_space<hbm>>) target(%dma_start3A_95 : memref<128x32xf32, #tpu.memory_space<vmem>>) offsets(%dma_start3A_98 : memref<128xi32, #tpu.memory_space<vmem>>) semaphore(%arg12 : memref<!tpu.dma_semaphore, #tpu.memory_space<semaphore_mem>>)
    %scan3A = arith.constant 0 : i32
    %scan3A_102 = arith.constant 0 : i32
    %scan3A_103 = arith.constant 20 : i32
    %scan3A_104 = arith.addi %scan3A_102, %scan3A_103 : i32
    %scan3A_105 = arith.constant 1 : i32
    %scan3A_106 = scf.for %scan3A_127 = %scan3A_102 to %scan3A_104 step %scan3A_105 iter_args(%scan3A_128 = %scan3A) -> (i32)  : i32 {
      %mul3A_129 = arith.constant 2 : i32
      %mul3A_130 = arith.muli %mul3A_129, %scan3A_127 : i32
      %dma_wait3A_131 = arith.constant 0 : i32
      %dma_wait3A_132 = arith.constant 0 : i32
      %dma_wait3A_133 = arith.constant 0 : i32
      %dma_wait3A_134 = tpu.memref_slice %arg7[%dma_wait3A_132, %dma_wait3A_133] : memref<640x32xf32, #tpu.memory_space<vmem>> -> memref<128x32xf32, #tpu.memory_space<vmem>>
      %dma_wait3A_135 = arith.constant 0 : i32
      %dma_wait3A_136 = tpu.memref_slice %arg5[%dma_wait3A_131, %dma_wait3A_135] : memref<5x128xi32, #tpu.memory_space<vmem>> -> memref<1x128xi32, #tpu.memory_space<vmem>>
      %dma_wait3A_137 = tpu.memref_squeeze %dma_wait3A_136 : memref<1x128xi32, #tpu.memory_space<vmem>> -> memref<128xi32, #tpu.memory_space<vmem>>
      %dma_wait3A_138 = arith.constant 0 : i32
      %dma_wait3A_139 = arith.constant 0 : i32
      %dma_wait3A_140 = tpu.memref_slice %arg3[%dma_wait3A_138, %dma_wait3A_139] : memref<1000000x32xf32, #tpu.memory_space<hbm>> -> memref<1000000x32xf32, #tpu.memory_space<hbm>>
      tpu.wait_indirect_dma semaphore(%arg11 : memref<!tpu.dma_semaphore, #tpu.memory_space<semaphore_mem>>) src(%dma_wait3A_140 : memref<1000000x32xf32, #tpu.memory_space<hbm>>) dst(%dma_wait3A_134 : memref<128x32xf32, #tpu.memory_space<vmem>>)
      %dma_wait3A_141 = arith.constant 1 : i32
      %dma_wait3A_142 = arith.constant 128 : i32
      %dma_wait3A_143 = arith.constant 0 : i32
      %dma_wait3A_144 = tpu.memref_slice %arg7[%dma_wait3A_142, %dma_wait3A_143] : memref<640x32xf32, #tpu.memory_space<vmem>> -> memref<128x32xf32, #tpu.memory_space<vmem>>
      %dma_wait3A_145 = arith.constant 0 : i32
      %dma_wait3A_146 = tpu.memref_slice %arg5[%dma_wait3A_141, %dma_wait3A_145] : memref<5x128xi32, #tpu.memory_space<vmem>> -> memref<1x128xi32, #tpu.memory_space<vmem>>
      %dma_wait3A_147 = tpu.memref_squeeze %dma_wait3A_146 : memref<1x128xi32, #tpu.memory_space<vmem>> -> memref<128xi32, #tpu.memory_space<vmem>>
      %dma_wait3A_148 = arith.constant 0 : i32
      %dma_wait3A_149 = arith.constant 0 : i32
      %dma_wait3A_150 = tpu.memref_slice %arg3[%dma_wait3A_148, %dma_wait3A_149] : memref<1000000x32xf32, #tpu.memory_space<hbm>> -> memref<1000000x32xf32, #tpu.memory_space<hbm>>
      tpu.wait_indirect_dma semaphore(%arg11 : memref<!tpu.dma_semaphore, #tpu.memory_space<semaphore_mem>>) src(%dma_wait3A_150 : memref<1000000x32xf32, #tpu.memory_space<hbm>>) dst(%dma_wait3A_144 : memref<128x32xf32, #tpu.memory_space<vmem>>)
      %dma_wait3A_151 = arith.constant 2 : i32
      %dma_wait3A_152 = arith.constant 256 : i32
      %dma_wait3A_153 = arith.constant 0 : i32
      %dma_wait3A_154 = tpu.memref_slice %arg7[%dma_wait3A_152, %dma_wait3A_153] : memref<640x32xf32, #tpu.memory_space<vmem>> -> memref<128x32xf32, #tpu.memory_space<vmem>>
      %dma_wait3A_155 = arith.constant 0 : i32
      %dma_wait3A_156 = tpu.memref_slice %arg5[%dma_wait3A_151, %dma_wait3A_155] : memref<5x128xi32, #tpu.memory_space<vmem>> -> memref<1x128xi32, #tpu.memory_space<vmem>>
      %dma_wait3A_157 = tpu.memref_squeeze %dma_wait3A_156 : memref<1x128xi32, #tpu.memory_space<vmem>> -> memref<128xi32, #tpu.memory_space<vmem>>
      %dma_wait3A_158 = arith.constant 0 : i32
      %dma_wait3A_159 = arith.constant 0 : i32
      %dma_wait3A_160 = tpu.memref_slice %arg3[%dma_wait3A_158, %dma_wait3A_159] : memref<1000000x32xf32, #tpu.memory_space<hbm>> -> memref<1000000x32xf32, #tpu.memory_space<hbm>>
      tpu.wait_indirect_dma semaphore(%arg11 : memref<!tpu.dma_semaphore, #tpu.memory_space<semaphore_mem>>) src(%dma_wait3A_160 : memref<1000000x32xf32, #tpu.memory_space<hbm>>) dst(%dma_wait3A_154 : memref<128x32xf32, #tpu.memory_space<vmem>>)
      %dma_wait3A_161 = arith.constant 3 : i32
      %dma_wait3A_162 = arith.constant 384 : i32
      %dma_wait3A_163 = arith.constant 0 : i32
      %dma_wait3A_164 = tpu.memref_slice %arg7[%dma_wait3A_162, %dma_wait3A_163] : memref<640x32xf32, #tpu.memory_space<vmem>> -> memref<128x32xf32, #tpu.memory_space<vmem>>
      %dma_wait3A_165 = arith.constant 0 : i32
      %dma_wait3A_166 = tpu.memref_slice %arg5[%dma_wait3A_161, %dma_wait3A_165] : memref<5x128xi32, #tpu.memory_space<vmem>> -> memref<1x128xi32, #tpu.memory_space<vmem>>
      %dma_wait3A_167 = tpu.memref_squeeze %dma_wait3A_166 : memref<1x128xi32, #tpu.memory_space<vmem>> -> memref<128xi32, #tpu.memory_space<vmem>>
      %dma_wait3A_168 = arith.constant 0 : i32
      %dma_wait3A_169 = arith.constant 0 : i32
      %dma_wait3A_170 = tpu.memref_slice %arg3[%dma_wait3A_168, %dma_wait3A_169] : memref<1000000x32xf32, #tpu.memory_space<hbm>> -> memref<1000000x32xf32, #tpu.memory_space<hbm>>
      tpu.wait_indirect_dma semaphore(%arg11 : memref<!tpu.dma_semaphore, #tpu.memory_space<semaphore_mem>>) src(%dma_wait3A_170 : memref<1000000x32xf32, #tpu.memory_space<hbm>>) dst(%dma_wait3A_164 : memref<128x32xf32, #tpu.memory_space<vmem>>)
      %dma_wait3A_171 = arith.constant 4 : i32
      %dma_wait3A_172 = arith.constant 512 : i32
      %dma_wait3A_173 = arith.constant 0 : i32
      %dma_wait3A_174 = tpu.memref_slice %arg7[%dma_wait3A_172, %dma_wait3A_173] : memref<640x32xf32, #tpu.memory_space<vmem>> -> memref<128x32xf32, #tpu.memory_space<vmem>>
      %dma_wait3A_175 = arith.constant 0 : i32
      %dma_wait3A_176 = tpu.memref_slice %arg5[%dma_wait3A_171, %dma_wait3A_175] : memref<5x128xi32, #tpu.memory_space<vmem>> -> memref<1x128xi32, #tpu.memory_space<vmem>>
      %dma_wait3A_177 = tpu.memref_squeeze %dma_wait3A_176 : memref<1x128xi32, #tpu.memory_space<vmem>> -> memref<128xi32, #tpu.memory_space<vmem>>
      %dma_wait3A_178 = arith.constant 0 : i32
      %dma_wait3A_179 = arith.constant 0 : i32
      %dma_wait3A_180 = tpu.memref_slice %arg3[%dma_wait3A_178, %dma_wait3A_179] : memref<1000000x32xf32, #tpu.memory_space<hbm>> -> memref<1000000x32xf32, #tpu.memory_space<hbm>>
      tpu.wait_indirect_dma semaphore(%arg11 : memref<!tpu.dma_semaphore, #tpu.memory_space<semaphore_mem>>) src(%dma_wait3A_180 : memref<1000000x32xf32, #tpu.memory_space<hbm>>) dst(%dma_wait3A_174 : memref<128x32xf32, #tpu.memory_space<vmem>>)
      %ge3A = arith.constant 1 : i32
      %ge3A_181 = arith.cmpi sge, %scan3A_127, %ge3A : i32
      %convert_element_type3A = arith.extui %ge3A_181 : i1 to i32
      %cond3A = arith.constant 0 : i32
      %cond3A_182 = arith.cmpi ne, %convert_element_type3A, %cond3A : i32
      scf.if %cond3A_182 {
        %dma_wait3A_281 = arith.constant 0 : i32
        %dma_wait3A_282 = arith.constant 0 : i32
        %dma_wait3A_283 = tpu.memref_slice %arg9[%dma_wait3A_281, %dma_wait3A_282] : memref<160x129xf32, #tpu.memory_space<vmem>> -> memref<160x128xf32, #tpu.memory_space<vmem>>
        %dma_wait3A_284 = arith.constant 0 : i32
        %dma_wait3A_285 = tpu.memref_slice %arg4[%dma_wait3A_284, %mul3A_2] : memref<6400x4096xf32, #tpu.memory_space<hbm>> -> memref<160x128xf32, #tpu.memory_space<hbm>>
        %dma_wait3A_286 = arith.constant 0 : i32
        %dma_wait3A_287 = tpu.memref_slice %arg4[%dma_wait3A_286, %mul3A_2] : memref<6400x4096xf32, #tpu.memory_space<hbm>> -> memref<160x128xf32, #tpu.memory_space<hbm>>
        %dma_wait3A_288 = arith.constant 0 : i32
        %dma_wait3A_289 = arith.constant 0 : i32
        %dma_wait3A_290 = tpu.memref_slice %arg9[%dma_wait3A_288, %dma_wait3A_289] : memref<160x129xf32, #tpu.memory_space<vmem>> -> memref<160x128xf32, #tpu.memory_space<vmem>>
        tpu.wait_dma2 semaphore(%arg13 : memref<!tpu.dma_semaphore, #tpu.memory_space<semaphore_mem>>) src(%dma_wait3A_290 : memref<160x128xf32, #tpu.memory_space<vmem>>) dst(%dma_wait3A_287 : memref<160x128xf32, #tpu.memory_space<hbm>>)
      } else {
      }
      %parallel_loop3A = arith.constant 0 : i32
      %parallel_loop3A_183 = arith.constant 640 : i32
      %parallel_loop3A_184 = arith.constant 1 : i32
      scf.for %parallel_loop3A_281 = %parallel_loop3A to %parallel_loop3A_183 step %parallel_loop3A_184  : i32 {
        %parallel_loop3A_282 = arith.constant 7 : i32
        %parallel_loop3A_283 = arith.shrsi %parallel_loop3A_281, %parallel_loop3A_282 : i32
        %parallel_loop3A_284 = arith.constant 127 : i32
        %parallel_loop3A_285 = arith.andi %parallel_loop3A_281, %parallel_loop3A_284 : i32
        %parallel_loop3A_286 = arith.constant 5 : i32
        %parallel_loop3A_287 = arith.shli %parallel_loop3A_283, %parallel_loop3A_286 : i32
        %parallel_loop3A_288 = vector.broadcast %parallel_loop3A_287 : i32 to vector<16xi32>
        %parallel_loop3A_289 = arith.addi %iota3A, %parallel_loop3A_288 : vector<16xi32>
        %parallel_loop3A_290 = vector.broadcast %parallel_loop3A_285 : i32 to vector<16xi32>
        %parallel_loop3A_291 = arith.index_cast %parallel_loop3A_281 : i32 to index
        %parallel_loop3A_292 = arith.constant 0 : index
        %parallel_loop3A_293 = tpu.vector_load %arg7[%parallel_loop3A_291, %parallel_loop3A_292] {strides = array<i32>} : memref<640x32xf32, #tpu.memory_space<vmem>>, vector<16xf32>,
        tpu.vector_store_idx %arg9[%parallel_loop3A_289, %parallel_loop3A_290], %parallel_loop3A_293 : memref<160x129xf32, #tpu.memory_space<vmem>>[vector<16xi32>, vector<16xi32>], vector<16xf32>,
        %parallel_loop3A_294 = arith.constant 16 : i32
        %parallel_loop3A_295 = vector.broadcast %parallel_loop3A_294 : i32 to vector<16xi32>
        %parallel_loop3A_296 = arith.addi %parallel_loop3A_289, %parallel_loop3A_295 : vector<16xi32>
        %parallel_loop3A_297 = arith.index_cast %parallel_loop3A_281 : i32 to index
        %parallel_loop3A_298 = arith.constant 16 : index
        %parallel_loop3A_299 = tpu.vector_load %arg7[%parallel_loop3A_297, %parallel_loop3A_298] {strides = array<i32>} : memref<640x32xf32, #tpu.memory_space<vmem>>, vector<16xf32>,
        tpu.vector_store_idx %arg9[%parallel_loop3A_296, %parallel_loop3A_290], %parallel_loop3A_299 : memref<160x129xf32, #tpu.memory_space<vmem>>[vector<16xi32>, vector<16xi32>], vector<16xf32>,
      } {sc.loop_unroll_factor = 4 : i64, sc.parallel_access}
      %mul3A_185 = arith.constant 5 : i32
      %mul3A_186 = arith.muli %mul3A_130, %mul3A_185 : i32
      %mul3A_187 = arith.constant 32 : i32
      %mul3A_188 = arith.muli %mul3A_186, %mul3A_187 : i32
      %dma_start3A_189 = arith.constant 0 : i32
      %dma_start3A_190 = arith.constant 0 : i32
      %dma_start3A_191 = tpu.memref_slice %arg9[%dma_start3A_189, %dma_start3A_190] : memref<160x129xf32, #tpu.memory_space<vmem>> -> memref<160x128xf32, #tpu.memory_space<vmem>>
      %dma_start3A_192 = tpu.memref_slice %arg4[%mul3A_188, %mul3A_2] : memref<6400x4096xf32, #tpu.memory_space<hbm>> -> memref<160x128xf32, #tpu.memory_space<hbm>>
      %dma_start3A_193 = tpu.memref_slice %arg4[%mul3A_188, %mul3A_2] : memref<6400x4096xf32, #tpu.memory_space<hbm>> -> memref<160x128xf32, #tpu.memory_space<hbm>>
      %dma_start3A_194 = arith.constant 0 : i32
      %dma_start3A_195 = arith.constant 0 : i32
      %dma_start3A_196 = tpu.memref_slice %arg9[%dma_start3A_194, %dma_start3A_195] : memref<160x129xf32, #tpu.memory_space<vmem>> -> memref<160x128xf32, #tpu.memory_space<vmem>>
      tpu.enqueue_dma source(%dma_start3A_196 : memref<160x128xf32, #tpu.memory_space<vmem>>) target(%dma_start3A_193 : memref<160x128xf32, #tpu.memory_space<hbm>>) target_semaphore(%arg13 : memref<!tpu.dma_semaphore, #tpu.memory_space<semaphore_mem>>)
      %le3A = arith.constant 18 : i32
      %le3A_197 = arith.cmpi sle, %scan3A_127, %le3A : i32
      %convert_element_type3A_198 = arith.extui %le3A_197 : i1 to i32
      %cond3A_199 = arith.constant 0 : i32
      %cond3A_200 = arith.cmpi ne, %convert_element_type3A_198, %cond3A_199 : i32
      scf.if %cond3A_200 {
        %add3A_281 = arith.constant 2 : i32
        %add3A_282 = arith.addi %mul3A_130, %add3A_281 : i32
        %mul3A_283 = arith.constant 5 : i32
        %mul3A_284 = arith.muli %add3A_282, %mul3A_283 : i32
        "tpu.region"() ({
          %run_scoped3A = tpu.sem_alloc : memref<!tpu.dma_semaphore, #tpu.memory_space<semaphore_mem>>
          %dma_start3A_335 = tpu.memref_slice %arg2[%mul3A_284, %mul3A_2] : memref<200x4096xi32, #tpu.memory_space<hbm>> -> memref<5x128xi32, #tpu.memory_space<hbm>>
          %dma_start3A_336 = tpu.memref_slice %arg2[%mul3A_284, %mul3A_2] : memref<200x4096xi32, #tpu.memory_space<hbm>> -> memref<5x128xi32, #tpu.memory_space<hbm>>
          tpu.enqueue_dma source(%dma_start3A_336 : memref<5x128xi32, #tpu.memory_space<hbm>>) target(%arg5 : memref<5x128xi32, #tpu.memory_space<vmem>>) target_semaphore(%run_scoped3A : memref<!tpu.dma_semaphore, #tpu.memory_space<semaphore_mem>>)
          %dma_wait3A_337 = tpu.memref_slice %arg2[%mul3A_284, %mul3A_2] : memref<200x4096xi32, #tpu.memory_space<hbm>> -> memref<5x128xi32, #tpu.memory_space<hbm>>
          %dma_wait3A_338 = tpu.memref_slice %arg2[%mul3A_284, %mul3A_2] : memref<200x4096xi32, #tpu.memory_space<hbm>> -> memref<5x128xi32, #tpu.memory_space<hbm>>
          tpu.wait_dma2 semaphore(%run_scoped3A : memref<!tpu.dma_semaphore, #tpu.memory_space<semaphore_mem>>) src(%dma_wait3A_338 : memref<5x128xi32, #tpu.memory_space<hbm>>) dst(%arg5 : memref<5x128xi32, #tpu.memory_space<vmem>>)
          tpu.yield
        }) : () -> ()
        %dma_start3A_285 = arith.constant 0 : i32
        %dma_start3A_286 = arith.constant 0 : i32
        %dma_start3A_287 = arith.constant 0 : i32
        %dma_start3A_288 = tpu.memref_slice %arg7[%dma_start3A_286, %dma_start3A_287] : memref<640x32xf32, #tpu.memory_space<vmem>> -> memref<128x32xf32, #tpu.memory_space<vmem>>
        %dma_start3A_289 = arith.constant 0 : i32
        %dma_start3A_290 = tpu.memref_slice %arg5[%dma_start3A_285, %dma_start3A_289] : memref<5x128xi32, #tpu.memory_space<vmem>> -> memref<1x128xi32, #tpu.memory_space<vmem>>
        %dma_start3A_291 = tpu.memref_squeeze %dma_start3A_290 : memref<1x128xi32, #tpu.memory_space<vmem>> -> memref<128xi32, #tpu.memory_space<vmem>>
        %dma_start3A_292 = arith.constant 0 : i32
        %dma_start3A_293 = arith.constant 0 : i32
        %dma_start3A_294 = tpu.memref_slice %arg3[%dma_start3A_292, %dma_start3A_293] : memref<1000000x32xf32, #tpu.memory_space<hbm>> -> memref<1000000x32xf32, #tpu.memory_space<hbm>>
        tpu.enqueue_indirect_dma source(%dma_start3A_294 : memref<1000000x32xf32, #tpu.memory_space<hbm>>) target(%dma_start3A_288 : memref<128x32xf32, #tpu.memory_space<vmem>>) offsets(%dma_start3A_291 : memref<128xi32, #tpu.memory_space<vmem>>) semaphore(%arg11 : memref<!tpu.dma_semaphore, #tpu.memory_space<semaphore_mem>>)
        %dma_start3A_295 = arith.constant 1 : i32
        %dma_start3A_296 = arith.constant 128 : i32
        %dma_start3A_297 = arith.constant 0 : i32
        %dma_start3A_298 = tpu.memref_slice %arg7[%dma_start3A_296, %dma_start3A_297] : memref<640x32xf32, #tpu.memory_space<vmem>> -> memref<128x32xf32, #tpu.memory_space<vmem>>
        %dma_start3A_299 = arith.constant 0 : i32
        %dma_start3A_300 = tpu.memref_slice %arg5[%dma_start3A_295, %dma_start3A_299] : memref<5x128xi32, #tpu.memory_space<vmem>> -> memref<1x128xi32, #tpu.memory_space<vmem>>
        %dma_start3A_301 = tpu.memref_squeeze %dma_start3A_300 : memref<1x128xi32, #tpu.memory_space<vmem>> -> memref<128xi32, #tpu.memory_space<vmem>>
        %dma_start3A_302 = arith.constant 0 : i32
        %dma_start3A_303 = arith.constant 0 : i32
        %dma_start3A_304 = tpu.memref_slice %arg3[%dma_start3A_302, %dma_start3A_303] : memref<1000000x32xf32, #tpu.memory_space<hbm>> -> memref<1000000x32xf32, #tpu.memory_space<hbm>>
        tpu.enqueue_indirect_dma source(%dma_start3A_304 : memref<1000000x32xf32, #tpu.memory_space<hbm>>) target(%dma_start3A_298 : memref<128x32xf32, #tpu.memory_space<vmem>>) offsets(%dma_start3A_301 : memref<128xi32, #tpu.memory_space<vmem>>) semaphore(%arg11 : memref<!tpu.dma_semaphore, #tpu.memory_space<semaphore_mem>>)
        %dma_start3A_305 = arith.constant 2 : i32
        %dma_start3A_306 = arith.constant 256 : i32
        %dma_start3A_307 = arith.constant 0 : i32
        %dma_start3A_308 = tpu.memref_slice %arg7[%dma_start3A_306, %dma_start3A_307] : memref<640x32xf32, #tpu.memory_space<vmem>> -> memref<128x32xf32, #tpu.memory_space<vmem>>
        %dma_start3A_309 = arith.constant 0 : i32
        %dma_start3A_310 = tpu.memref_slice %arg5[%dma_start3A_305, %dma_start3A_309] : memref<5x128xi32, #tpu.memory_space<vmem>> -> memref<1x128xi32, #tpu.memory_space<vmem>>
        %dma_start3A_311 = tpu.memref_squeeze %dma_start3A_310 : memref<1x128xi32, #tpu.memory_space<vmem>> -> memref<128xi32, #tpu.memory_space<vmem>>
        %dma_start3A_312 = arith.constant 0 : i32
        %dma_start3A_313 = arith.constant 0 : i32
        %dma_start3A_314 = tpu.memref_slice %arg3[%dma_start3A_312, %dma_start3A_313] : memref<1000000x32xf32, #tpu.memory_space<hbm>> -> memref<1000000x32xf32, #tpu.memory_space<hbm>>
        tpu.enqueue_indirect_dma source(%dma_start3A_314 : memref<1000000x32xf32, #tpu.memory_space<hbm>>) target(%dma_start3A_308 : memref<128x32xf32, #tpu.memory_space<vmem>>) offsets(%dma_start3A_311 : memref<128xi32, #tpu.memory_space<vmem>>) semaphore(%arg11 : memref<!tpu.dma_semaphore, #tpu.memory_space<semaphore_mem>>)
        %dma_start3A_315 = arith.constant 3 : i32
        %dma_start3A_316 = arith.constant 384 : i32
        %dma_start3A_317 = arith.constant 0 : i32
        %dma_start3A_318 = tpu.memref_slice %arg7[%dma_start3A_316, %dma_start3A_317] : memref<640x32xf32, #tpu.memory_space<vmem>> -> memref<128x32xf32, #tpu.memory_space<vmem>>
        %dma_start3A_319 = arith.constant 0 : i32
        %dma_start3A_320 = tpu.memref_slice %arg5[%dma_start3A_315, %dma_start3A_319] : memref<5x128xi32, #tpu.memory_space<vmem>> -> memref<1x128xi32, #tpu.memory_space<vmem>>
        %dma_start3A_321 = tpu.memref_squeeze %dma_start3A_320 : memref<1x128xi32, #tpu.memory_space<vmem>> -> memref<128xi32, #tpu.memory_space<vmem>>
        %dma_start3A_322 = arith.constant 0 : i32
        %dma_start3A_323 = arith.constant 0 : i32
        %dma_start3A_324 = tpu.memref_slice %arg3[%dma_start3A_322, %dma_start3A_323] : memref<1000000x32xf32, #tpu.memory_space<hbm>> -> memref<1000000x32xf32, #tpu.memory_space<hbm>>
        tpu.enqueue_indirect_dma source(%dma_start3A_324 : memref<1000000x32xf32, #tpu.memory_space<hbm>>) target(%dma_start3A_318 : memref<128x32xf32, #tpu.memory_space<vmem>>) offsets(%dma_start3A_321 : memref<128xi32, #tpu.memory_space<vmem>>) semaphore(%arg11 : memref<!tpu.dma_semaphore, #tpu.memory_space<semaphore_mem>>)
        %dma_start3A_325 = arith.constant 4 : i32
        %dma_start3A_326 = arith.constant 512 : i32
        %dma_start3A_327 = arith.constant 0 : i32
        %dma_start3A_328 = tpu.memref_slice %arg7[%dma_start3A_326, %dma_start3A_327] : memref<640x32xf32, #tpu.memory_space<vmem>> -> memref<128x32xf32, #tpu.memory_space<vmem>>
        %dma_start3A_329 = arith.constant 0 : i32
        %dma_start3A_330 = tpu.memref_slice %arg5[%dma_start3A_325, %dma_start3A_329] : memref<5x128xi32, #tpu.memory_space<vmem>> -> memref<1x128xi32, #tpu.memory_space<vmem>>
        %dma_start3A_331 = tpu.memref_squeeze %dma_start3A_330 : memref<1x128xi32, #tpu.memory_space<vmem>> -> memref<128xi32, #tpu.memory_space<vmem>>
        %dma_start3A_332 = arith.constant 0 : i32
        %dma_start3A_333 = arith.constant 0 : i32
        %dma_start3A_334 = tpu.memref_slice %arg3[%dma_start3A_332, %dma_start3A_333] : memref<1000000x32xf32, #tpu.memory_space<hbm>> -> memref<1000000x32xf32, #tpu.memory_space<hbm>>
        tpu.enqueue_indirect_dma source(%dma_start3A_334 : memref<1000000x32xf32, #tpu.memory_space<hbm>>) target(%dma_start3A_328 : memref<128x32xf32, #tpu.memory_space<vmem>>) offsets(%dma_start3A_331 : memref<128xi32, #tpu.memory_space<vmem>>) semaphore(%arg11 : memref<!tpu.dma_semaphore, #tpu.memory_space<semaphore_mem>>)
      } else {
      }
      %mul3A_201 = arith.constant 2 : i32
      %mul3A_202 = arith.muli %mul3A_201, %scan3A_127 : i32
      %add3A_203 = arith.constant 1 : i32
      %add3A_204 = arith.addi %mul3A_202, %add3A_203 : i32
      %dma_wait3A_205 = arith.constant 0 : i32
      %dma_wait3A_206 = arith.constant 0 : i32
      %dma_wait3A_207 = arith.constant 0 : i32
      %dma_wait3A_208 = tpu.memref_slice %arg8[%dma_wait3A_206, %dma_wait3A_207] : memref<640x32xf32, #tpu.memory_space<vmem>> -> memref<128x32xf32, #tpu.memory_space<vmem>>
      %dma_wait3A_209 = arith.constant 0 : i32
      %dma_wait3A_210 = tpu.memref_slice %arg6[%dma_wait3A_205, %dma_wait3A_209] : memref<5x128xi32, #tpu.memory_space<vmem>> -> memref<1x128xi32, #tpu.memory_space<vmem>>
      %dma_wait3A_211 = tpu.memref_squeeze %dma_wait3A_210 : memref<1x128xi32, #tpu.memory_space<vmem>> -> memref<128xi32, #tpu.memory_space<vmem>>
      %dma_wait3A_212 = arith.constant 0 : i32
      %dma_wait3A_213 = arith.constant 0 : i32
      %dma_wait3A_214 = tpu.memref_slice %arg3[%dma_wait3A_212, %dma_wait3A_213] : memref<1000000x32xf32, #tpu.memory_space<hbm>> -> memref<1000000x32xf32, #tpu.memory_space<hbm>>
      tpu.wait_indirect_dma semaphore(%arg12 : memref<!tpu.dma_semaphore, #tpu.memory_space<semaphore_mem>>) src(%dma_wait3A_214 : memref<1000000x32xf32, #tpu.memory_space<hbm>>) dst(%dma_wait3A_208 : memref<128x32xf32, #tpu.memory_space<vmem>>)
      %dma_wait3A_215 = arith.constant 1 : i32
      %dma_wait3A_216 = arith.constant 128 : i32
      %dma_wait3A_217 = arith.constant 0 : i32
      %dma_wait3A_218 = tpu.memref_slice %arg8[%dma_wait3A_216, %dma_wait3A_217] : memref<640x32xf32, #tpu.memory_space<vmem>> -> memref<128x32xf32, #tpu.memory_space<vmem>>
      %dma_wait3A_219 = arith.constant 0 : i32
      %dma_wait3A_220 = tpu.memref_slice %arg6[%dma_wait3A_215, %dma_wait3A_219] : memref<5x128xi32, #tpu.memory_space<vmem>> -> memref<1x128xi32, #tpu.memory_space<vmem>>
      %dma_wait3A_221 = tpu.memref_squeeze %dma_wait3A_220 : memref<1x128xi32, #tpu.memory_space<vmem>> -> memref<128xi32, #tpu.memory_space<vmem>>
      %dma_wait3A_222 = arith.constant 0 : i32
      %dma_wait3A_223 = arith.constant 0 : i32
      %dma_wait3A_224 = tpu.memref_slice %arg3[%dma_wait3A_222, %dma_wait3A_223] : memref<1000000x32xf32, #tpu.memory_space<hbm>> -> memref<1000000x32xf32, #tpu.memory_space<hbm>>
      tpu.wait_indirect_dma semaphore(%arg12 : memref<!tpu.dma_semaphore, #tpu.memory_space<semaphore_mem>>) src(%dma_wait3A_224 : memref<1000000x32xf32, #tpu.memory_space<hbm>>) dst(%dma_wait3A_218 : memref<128x32xf32, #tpu.memory_space<vmem>>)
      %dma_wait3A_225 = arith.constant 2 : i32
      %dma_wait3A_226 = arith.constant 256 : i32
      %dma_wait3A_227 = arith.constant 0 : i32
      %dma_wait3A_228 = tpu.memref_slice %arg8[%dma_wait3A_226, %dma_wait3A_227] : memref<640x32xf32, #tpu.memory_space<vmem>> -> memref<128x32xf32, #tpu.memory_space<vmem>>
      %dma_wait3A_229 = arith.constant 0 : i32
      %dma_wait3A_230 = tpu.memref_slice %arg6[%dma_wait3A_225, %dma_wait3A_229] : memref<5x128xi32, #tpu.memory_space<vmem>> -> memref<1x128xi32, #tpu.memory_space<vmem>>
      %dma_wait3A_231 = tpu.memref_squeeze %dma_wait3A_230 : memref<1x128xi32, #tpu.memory_space<vmem>> -> memref<128xi32, #tpu.memory_space<vmem>>
      %dma_wait3A_232 = arith.constant 0 : i32
      %dma_wait3A_233 = arith.constant 0 : i32
      %dma_wait3A_234 = tpu.memref_slice %arg3[%dma_wait3A_232, %dma_wait3A_233] : memref<1000000x32xf32, #tpu.memory_space<hbm>> -> memref<1000000x32xf32, #tpu.memory_space<hbm>>
      tpu.wait_indirect_dma semaphore(%arg12 : memref<!tpu.dma_semaphore, #tpu.memory_space<semaphore_mem>>) src(%dma_wait3A_234 : memref<1000000x32xf32, #tpu.memory_space<hbm>>) dst(%dma_wait3A_228 : memref<128x32xf32, #tpu.memory_space<vmem>>)
      %dma_wait3A_235 = arith.constant 3 : i32
      %dma_wait3A_236 = arith.constant 384 : i32
      %dma_wait3A_237 = arith.constant 0 : i32
      %dma_wait3A_238 = tpu.memref_slice %arg8[%dma_wait3A_236, %dma_wait3A_237] : memref<640x32xf32, #tpu.memory_space<vmem>> -> memref<128x32xf32, #tpu.memory_space<vmem>>
      %dma_wait3A_239 = arith.constant 0 : i32
      %dma_wait3A_240 = tpu.memref_slice %arg6[%dma_wait3A_235, %dma_wait3A_239] : memref<5x128xi32, #tpu.memory_space<vmem>> -> memref<1x128xi32, #tpu.memory_space<vmem>>
      %dma_wait3A_241 = tpu.memref_squeeze %dma_wait3A_240 : memref<1x128xi32, #tpu.memory_space<vmem>> -> memref<128xi32, #tpu.memory_space<vmem>>
      %dma_wait3A_242 = arith.constant 0 : i32
      %dma_wait3A_243 = arith.constant 0 : i32
      %dma_wait3A_244 = tpu.memref_slice %arg3[%dma_wait3A_242, %dma_wait3A_243] : memref<1000000x32xf32, #tpu.memory_space<hbm>> -> memref<1000000x32xf32, #tpu.memory_space<hbm>>
      tpu.wait_indirect_dma semaphore(%arg12 : memref<!tpu.dma_semaphore, #tpu.memory_space<semaphore_mem>>) src(%dma_wait3A_244 : memref<1000000x32xf32, #tpu.memory_space<hbm>>) dst(%dma_wait3A_238 : memref<128x32xf32, #tpu.memory_space<vmem>>)
      %dma_wait3A_245 = arith.constant 4 : i32
      %dma_wait3A_246 = arith.constant 512 : i32
      %dma_wait3A_247 = arith.constant 0 : i32
      %dma_wait3A_248 = tpu.memref_slice %arg8[%dma_wait3A_246, %dma_wait3A_247] : memref<640x32xf32, #tpu.memory_space<vmem>> -> memref<128x32xf32, #tpu.memory_space<vmem>>
      %dma_wait3A_249 = arith.constant 0 : i32
      %dma_wait3A_250 = tpu.memref_slice %arg6[%dma_wait3A_245, %dma_wait3A_249] : memref<5x128xi32, #tpu.memory_space<vmem>> -> memref<1x128xi32, #tpu.memory_space<vmem>>
      %dma_wait3A_251 = tpu.memref_squeeze %dma_wait3A_250 : memref<1x128xi32, #tpu.memory_space<vmem>> -> memref<128xi32, #tpu.memory_space<vmem>>
      %dma_wait3A_252 = arith.constant 0 : i32
      %dma_wait3A_253 = arith.constant 0 : i32
      %dma_wait3A_254 = tpu.memref_slice %arg3[%dma_wait3A_252, %dma_wait3A_253] : memref<1000000x32xf32, #tpu.memory_space<hbm>> -> memref<1000000x32xf32, #tpu.memory_space<hbm>>
      tpu.wait_indirect_dma semaphore(%arg12 : memref<!tpu.dma_semaphore, #tpu.memory_space<semaphore_mem>>) src(%dma_wait3A_254 : memref<1000000x32xf32, #tpu.memory_space<hbm>>) dst(%dma_wait3A_248 : memref<128x32xf32, #tpu.memory_space<vmem>>)
      %ge3A_255 = arith.constant 1 : i32
      %ge3A_256 = arith.cmpi sge, %scan3A_127, %ge3A_255 : i32
      %convert_element_type3A_257 = arith.extui %ge3A_256 : i1 to i32
      %cond3A_258 = arith.constant 0 : i32
      %cond3A_259 = arith.cmpi ne, %convert_element_type3A_257, %cond3A_258 : i32
      scf.if %cond3A_259 {
        %dma_wait3A_281 = arith.constant 0 : i32
        %dma_wait3A_282 = arith.constant 0 : i32
        %dma_wait3A_283 = tpu.memref_slice %arg10[%dma_wait3A_281, %dma_wait3A_282] : memref<160x129xf32, #tpu.memory_space<vmem>> -> memref<160x128xf32, #tpu.memory_space<vmem>>
        %dma_wait3A_284 = arith.constant 0 : i32
        %dma_wait3A_285 = tpu.memref_slice %arg4[%dma_wait3A_284, %mul3A_2] : memref<6400x4096xf32, #tpu.memory_space<hbm>> -> memref<160x128xf32, #tpu.memory_space<hbm>>
        %dma_wait3A_286 = arith.constant 0 : i32
        %dma_wait3A_287 = tpu.memref_slice %arg4[%dma_wait3A_286, %mul3A_2] : memref<6400x4096xf32, #tpu.memory_space<hbm>> -> memref<160x128xf32, #tpu.memory_space<hbm>>
        %dma_wait3A_288 = arith.constant 0 : i32
        %dma_wait3A_289 = arith.constant 0 : i32
        %dma_wait3A_290 = tpu.memref_slice %arg10[%dma_wait3A_288, %dma_wait3A_289] : memref<160x129xf32, #tpu.memory_space<vmem>> -> memref<160x128xf32, #tpu.memory_space<vmem>>
        tpu.wait_dma2 semaphore(%arg14 : memref<!tpu.dma_semaphore, #tpu.memory_space<semaphore_mem>>) src(%dma_wait3A_290 : memref<160x128xf32, #tpu.memory_space<vmem>>) dst(%dma_wait3A_287 : memref<160x128xf32, #tpu.memory_space<hbm>>)
      } else {
      }
      %parallel_loop3A_260 = arith.constant 0 : i32
      %parallel_loop3A_261 = arith.constant 640 : i32
      %parallel_loop3A_262 = arith.constant 1 : i32
      scf.for %parallel_loop3A_281 = %parallel_loop3A_260 to %parallel_loop3A_261 step %parallel_loop3A_262  : i32 {
        %parallel_loop3A_282 = arith.constant 7 : i32
        %parallel_loop3A_283 = arith.shrsi %parallel_loop3A_281, %parallel_loop3A_282 : i32
        %parallel_loop3A_284 = arith.constant 127 : i32
        %parallel_loop3A_285 = arith.andi %parallel_loop3A_281, %parallel_loop3A_284 : i32
        %parallel_loop3A_286 = arith.constant 5 : i32
        %parallel_loop3A_287 = arith.shli %parallel_loop3A_283, %parallel_loop3A_286 : i32
        %parallel_loop3A_288 = vector.broadcast %parallel_loop3A_287 : i32 to vector<16xi32>
        %parallel_loop3A_289 = arith.addi %iota3A, %parallel_loop3A_288 : vector<16xi32>
        %parallel_loop3A_290 = vector.broadcast %parallel_loop3A_285 : i32 to vector<16xi32>
        %parallel_loop3A_291 = arith.index_cast %parallel_loop3A_281 : i32 to index
        %parallel_loop3A_292 = arith.constant 0 : index
        %parallel_loop3A_293 = tpu.vector_load %arg8[%parallel_loop3A_291, %parallel_loop3A_292] {strides = array<i32>} : memref<640x32xf32, #tpu.memory_space<vmem>>, vector<16xf32>,
        tpu.vector_store_idx %arg10[%parallel_loop3A_289, %parallel_loop3A_290], %parallel_loop3A_293 : memref<160x129xf32, #tpu.memory_space<vmem>>[vector<16xi32>, vector<16xi32>], vector<16xf32>,
        %parallel_loop3A_294 = arith.constant 16 : i32
        %parallel_loop3A_295 = vector.broadcast %parallel_loop3A_294 : i32 to vector<16xi32>
        %parallel_loop3A_296 = arith.addi %parallel_loop3A_289, %parallel_loop3A_295 : vector<16xi32>
        %parallel_loop3A_297 = arith.index_cast %parallel_loop3A_281 : i32 to index
        %parallel_loop3A_298 = arith.constant 16 : index
        %parallel_loop3A_299 = tpu.vector_load %arg8[%parallel_loop3A_297, %parallel_loop3A_298] {strides = array<i32>} : memref<640x32xf32, #tpu.memory_space<vmem>>, vector<16xf32>,
        tpu.vector_store_idx %arg10[%parallel_loop3A_296, %parallel_loop3A_290], %parallel_loop3A_299 : memref<160x129xf32, #tpu.memory_space<vmem>>[vector<16xi32>, vector<16xi32>], vector<16xf32>,
      } {sc.loop_unroll_factor = 4 : i64, sc.parallel_access}
      %mul3A_263 = arith.constant 5 : i32
      %mul3A_264 = arith.muli %add3A_204, %mul3A_263 : i32
      %mul3A_265 = arith.constant 32 : i32
      %mul3A_266 = arith.muli %mul3A_264, %mul3A_265 : i32
      %dma_start3A_267 = arith.constant 0 : i32
      %dma_start3A_268 = arith.constant 0 : i32
      %dma_start3A_269 = tpu.memref_slice %arg10[%dma_start3A_267, %dma_start3A_268] : memref<160x129xf32, #tpu.memory_space<vmem>> -> memref<160x128xf32, #tpu.memory_space<vmem>>
      %dma_start3A_270 = tpu.memref_slice %arg4[%mul3A_266, %mul3A_2] : memref<6400x4096xf32, #tpu.memory_space<hbm>> -> memref<160x128xf32, #tpu.memory_space<hbm>>
      %dma_start3A_271 = tpu.memref_slice %arg4[%mul3A_266, %mul3A_2] : memref<6400x4096xf32, #tpu.memory_space<hbm>> -> memref<160x128xf32, #tpu.memory_space<hbm>>
      %dma_start3A_272 = arith.constant 0 : i32
      %dma_start3A_273 = arith.constant 0 : i32
      %dma_start3A_274 = tpu.memref_slice %arg10[%dma_start3A_272, %dma_start3A_273] : memref<160x129xf32, #tpu.memory_space<vmem>> -> memref<160x128xf32, #tpu.memory_space<vmem>>
      tpu.enqueue_dma source(%dma_start3A_274 : memref<160x128xf32, #tpu.memory_space<vmem>>) target(%dma_start3A_271 : memref<160x128xf32, #tpu.memory_space<hbm>>) target_semaphore(%arg14 : memref<!tpu.dma_semaphore, #tpu.memory_space<semaphore_mem>>)
      %le3A_275 = arith.constant 18 : i32
      %le3A_276 = arith.cmpi sle, %scan3A_127, %le3A_275 : i32
      %convert_element_type3A_277 = arith.extui %le3A_276 : i1 to i32
      %cond3A_278 = arith.constant 0 : i32
      %cond3A_279 = arith.cmpi ne, %convert_element_type3A_277, %cond3A_278 : i32
      scf.if %cond3A_279 {
        %add3A_281 = arith.constant 2 : i32
        %add3A_282 = arith.addi %add3A_204, %add3A_281 : i32
        %mul3A_283 = arith.constant 5 : i32
        %mul3A_284 = arith.muli %add3A_282, %mul3A_283 : i32
        "tpu.region"() ({
          %run_scoped3A = tpu.sem_alloc : memref<!tpu.dma_semaphore, #tpu.memory_space<semaphore_mem>>
          %dma_start3A_335 = tpu.memref_slice %arg2[%mul3A_284, %mul3A_2] : memref<200x4096xi32, #tpu.memory_space<hbm>> -> memref<5x128xi32, #tpu.memory_space<hbm>>
          %dma_start3A_336 = tpu.memref_slice %arg2[%mul3A_284, %mul3A_2] : memref<200x4096xi32, #tpu.memory_space<hbm>> -> memref<5x128xi32, #tpu.memory_space<hbm>>
          tpu.enqueue_dma source(%dma_start3A_336 : memref<5x128xi32, #tpu.memory_space<hbm>>) target(%arg6 : memref<5x128xi32, #tpu.memory_space<vmem>>) target_semaphore(%run_scoped3A : memref<!tpu.dma_semaphore, #tpu.memory_space<semaphore_mem>>)
          %dma_wait3A_337 = tpu.memref_slice %arg2[%mul3A_284, %mul3A_2] : memref<200x4096xi32, #tpu.memory_space<hbm>> -> memref<5x128xi32, #tpu.memory_space<hbm>>
          %dma_wait3A_338 = tpu.memref_slice %arg2[%mul3A_284, %mul3A_2] : memref<200x4096xi32, #tpu.memory_space<hbm>> -> memref<5x128xi32, #tpu.memory_space<hbm>>
          tpu.wait_dma2 semaphore(%run_scoped3A : memref<!tpu.dma_semaphore, #tpu.memory_space<semaphore_mem>>) src(%dma_wait3A_338 : memref<5x128xi32, #tpu.memory_space<hbm>>) dst(%arg6 : memref<5x128xi32, #tpu.memory_space<vmem>>)
          tpu.yield
        }) : () -> ()
        %dma_start3A_285 = arith.constant 0 : i32
        %dma_start3A_286 = arith.constant 0 : i32
        %dma_start3A_287 = arith.constant 0 : i32
        %dma_start3A_288 = tpu.memref_slice %arg8[%dma_start3A_286, %dma_start3A_287] : memref<640x32xf32, #tpu.memory_space<vmem>> -> memref<128x32xf32, #tpu.memory_space<vmem>>
        %dma_start3A_289 = arith.constant 0 : i32
        %dma_start3A_290 = tpu.memref_slice %arg6[%dma_start3A_285, %dma_start3A_289] : memref<5x128xi32, #tpu.memory_space<vmem>> -> memref<1x128xi32, #tpu.memory_space<vmem>>
        %dma_start3A_291 = tpu.memref_squeeze %dma_start3A_290 : memref<1x128xi32, #tpu.memory_space<vmem>> -> memref<128xi32, #tpu.memory_space<vmem>>
        %dma_start3A_292 = arith.constant 0 : i32
        %dma_start3A_293 = arith.constant 0 : i32
        %dma_start3A_294 = tpu.memref_slice %arg3[%dma_start3A_292, %dma_start3A_293] : memref<1000000x32xf32, #tpu.memory_space<hbm>> -> memref<1000000x32xf32, #tpu.memory_space<hbm>>
        tpu.enqueue_indirect_dma source(%dma_start3A_294 : memref<1000000x32xf32, #tpu.memory_space<hbm>>) target(%dma_start3A_288 : memref<128x32xf32, #tpu.memory_space<vmem>>) offsets(%dma_start3A_291 : memref<128xi32, #tpu.memory_space<vmem>>) semaphore(%arg12 : memref<!tpu.dma_semaphore, #tpu.memory_space<semaphore_mem>>)
        %dma_start3A_295 = arith.constant 1 : i32
        %dma_start3A_296 = arith.constant 128 : i32
        %dma_start3A_297 = arith.constant 0 : i32
        %dma_start3A_298 = tpu.memref_slice %arg8[%dma_start3A_296, %dma_start3A_297] : memref<640x32xf32, #tpu.memory_space<vmem>> -> memref<128x32xf32, #tpu.memory_space<vmem>>
        %dma_start3A_299 = arith.constant 0 : i32
        %dma_start3A_300 = tpu.memref_slice %arg6[%dma_start3A_295, %dma_start3A_299] : memref<5x128xi32, #tpu.memory_space<vmem>> -> memref<1x128xi32, #tpu.memory_space<vmem>>
        %dma_start3A_301 = tpu.memref_squeeze %dma_start3A_300 : memref<1x128xi32, #tpu.memory_space<vmem>> -> memref<128xi32, #tpu.memory_space<vmem>>
        %dma_start3A_302 = arith.constant 0 : i32
        %dma_start3A_303 = arith.constant 0 : i32
        %dma_start3A_304 = tpu.memref_slice %arg3[%dma_start3A_302, %dma_start3A_303] : memref<1000000x32xf32, #tpu.memory_space<hbm>> -> memref<1000000x32xf32, #tpu.memory_space<hbm>>
        tpu.enqueue_indirect_dma source(%dma_start3A_304 : memref<1000000x32xf32, #tpu.memory_space<hbm>>) target(%dma_start3A_298 : memref<128x32xf32, #tpu.memory_space<vmem>>) offsets(%dma_start3A_301 : memref<128xi32, #tpu.memory_space<vmem>>) semaphore(%arg12 : memref<!tpu.dma_semaphore, #tpu.memory_space<semaphore_mem>>)
        %dma_start3A_305 = arith.constant 2 : i32
        %dma_start3A_306 = arith.constant 256 : i32
        %dma_start3A_307 = arith.constant 0 : i32
        %dma_start3A_308 = tpu.memref_slice %arg8[%dma_start3A_306, %dma_start3A_307] : memref<640x32xf32, #tpu.memory_space<vmem>> -> memref<128x32xf32, #tpu.memory_space<vmem>>
        %dma_start3A_309 = arith.constant 0 : i32
        %dma_start3A_310 = tpu.memref_slice %arg6[%dma_start3A_305, %dma_start3A_309] : memref<5x128xi32, #tpu.memory_space<vmem>> -> memref<1x128xi32, #tpu.memory_space<vmem>>
        %dma_start3A_311 = tpu.memref_squeeze %dma_start3A_310 : memref<1x128xi32, #tpu.memory_space<vmem>> -> memref<128xi32, #tpu.memory_space<vmem>>
        %dma_start3A_312 = arith.constant 0 : i32
        %dma_start3A_313 = arith.constant 0 : i32
        %dma_start3A_314 = tpu.memref_slice %arg3[%dma_start3A_312, %dma_start3A_313] : memref<1000000x32xf32, #tpu.memory_space<hbm>> -> memref<1000000x32xf32, #tpu.memory_space<hbm>>
        tpu.enqueue_indirect_dma source(%dma_start3A_314 : memref<1000000x32xf32, #tpu.memory_space<hbm>>) target(%dma_start3A_308 : memref<128x32xf32, #tpu.memory_space<vmem>>) offsets(%dma_start3A_311 : memref<128xi32, #tpu.memory_space<vmem>>) semaphore(%arg12 : memref<!tpu.dma_semaphore, #tpu.memory_space<semaphore_mem>>)
        %dma_start3A_315 = arith.constant 3 : i32
        %dma_start3A_316 = arith.constant 384 : i32
        %dma_start3A_317 = arith.constant 0 : i32
        %dma_start3A_318 = tpu.memref_slice %arg8[%dma_start3A_316, %dma_start3A_317] : memref<640x32xf32, #tpu.memory_space<vmem>> -> memref<128x32xf32, #tpu.memory_space<vmem>>
        %dma_start3A_319 = arith.constant 0 : i32
        %dma_start3A_320 = tpu.memref_slice %arg6[%dma_start3A_315, %dma_start3A_319] : memref<5x128xi32, #tpu.memory_space<vmem>> -> memref<1x128xi32, #tpu.memory_space<vmem>>
        %dma_start3A_321 = tpu.memref_squeeze %dma_start3A_320 : memref<1x128xi32, #tpu.memory_space<vmem>> -> memref<128xi32, #tpu.memory_space<vmem>>
        %dma_start3A_322 = arith.constant 0 : i32
        %dma_start3A_323 = arith.constant 0 : i32
        %dma_start3A_324 = tpu.memref_slice %arg3[%dma_start3A_322, %dma_start3A_323] : memref<1000000x32xf32, #tpu.memory_space<hbm>> -> memref<1000000x32xf32, #tpu.memory_space<hbm>>
        tpu.enqueue_indirect_dma source(%dma_start3A_324 : memref<1000000x32xf32, #tpu.memory_space<hbm>>) target(%dma_start3A_318 : memref<128x32xf32, #tpu.memory_space<vmem>>) offsets(%dma_start3A_321 : memref<128xi32, #tpu.memory_space<vmem>>) semaphore(%arg12 : memref<!tpu.dma_semaphore, #tpu.memory_space<semaphore_mem>>)
        %dma_start3A_325 = arith.constant 4 : i32
        %dma_start3A_326 = arith.constant 512 : i32
        %dma_start3A_327 = arith.constant 0 : i32
        %dma_start3A_328 = tpu.memref_slice %arg8[%dma_start3A_326, %dma_start3A_327] : memref<640x32xf32, #tpu.memory_space<vmem>> -> memref<128x32xf32, #tpu.memory_space<vmem>>
        %dma_start3A_329 = arith.constant 0 : i32
        %dma_start3A_330 = tpu.memref_slice %arg6[%dma_start3A_325, %dma_start3A_329] : memref<5x128xi32, #tpu.memory_space<vmem>> -> memref<1x128xi32, #tpu.memory_space<vmem>>
        %dma_start3A_331 = tpu.memref_squeeze %dma_start3A_330 : memref<1x128xi32, #tpu.memory_space<vmem>> -> memref<128xi32, #tpu.memory_space<vmem>>
        %dma_start3A_332 = arith.constant 0 : i32
        %dma_start3A_333 = arith.constant 0 : i32
        %dma_start3A_334 = tpu.memref_slice %arg3[%dma_start3A_332, %dma_start3A_333] : memref<1000000x32xf32, #tpu.memory_space<hbm>> -> memref<1000000x32xf32, #tpu.memory_space<hbm>>
        tpu.enqueue_indirect_dma source(%dma_start3A_334 : memref<1000000x32xf32, #tpu.memory_space<hbm>>) target(%dma_start3A_328 : memref<128x32xf32, #tpu.memory_space<vmem>>) offsets(%dma_start3A_331 : memref<128xi32, #tpu.memory_space<vmem>>) semaphore(%arg12 : memref<!tpu.dma_semaphore, #tpu.memory_space<semaphore_mem>>)
      } else {
      }
      %scan3A_280 = arith.constant 0 : i32
      scf.yield %scan3A_280 : i32
    }
    %scan3A_107 = arith.constant 20 : i32
    %dma_wait3A = arith.constant 0 : i32
    %dma_wait3A_108 = arith.constant 0 : i32
    %dma_wait3A_109 = tpu.memref_slice %arg9[%dma_wait3A, %dma_wait3A_108] : memref<160x129xf32, #tpu.memory_space<vmem>> -> memref<160x128xf32, #tpu.memory_space<vmem>>
    %dma_wait3A_110 = arith.constant 0 : i32
    %dma_wait3A_111 = tpu.memref_slice %arg4[%dma_wait3A_110, %mul3A_2] : memref<6400x4096xf32, #tpu.memory_space<hbm>> -> memref<160x128xf32, #tpu.memory_space<hbm>>
    %dma_wait3A_112 = arith.constant 0 : i32
    %dma_wait3A_113 = tpu.memref_slice %arg4[%dma_wait3A_112, %mul3A_2] : memref<6400x4096xf32, #tpu.memory_space<hbm>> -> memref<160x128xf32, #tpu.memory_space<hbm>>
    %dma_wait3A_114 = arith.constant 0 : i32
    %dma_wait3A_115 = arith.constant 0 : i32
    %dma_wait3A_116 = tpu.memref_slice %arg9[%dma_wait3A_114, %dma_wait3A_115] : memref<160x129xf32, #tpu.memory_space<vmem>> -> memref<160x128xf32, #tpu.memory_space<vmem>>
    tpu.wait_dma2 semaphore(%arg13 : memref<!tpu.dma_semaphore, #tpu.memory_space<semaphore_mem>>) src(%dma_wait3A_116 : memref<160x128xf32, #tpu.memory_space<vmem>>) dst(%dma_wait3A_113 : memref<160x128xf32, #tpu.memory_space<hbm>>)
    %dma_wait3A_117 = arith.constant 0 : i32
    %dma_wait3A_118 = arith.constant 0 : i32
    %dma_wait3A_119 = tpu.memref_slice %arg10[%dma_wait3A_117, %dma_wait3A_118] : memref<160x129xf32, #tpu.memory_space<vmem>> -> memref<160x128xf32, #tpu.memory_space<vmem>>
    %dma_wait3A_120 = arith.constant 0 : i32
    %dma_wait3A_121 = tpu.memref_slice %arg4[%dma_wait3A_120, %mul3A_2] : memref<6400x4096xf32, #tpu.memory_space<hbm>> -> memref<160x128xf32, #tpu.memory_space<hbm>>
    %dma_wait3A_122 = arith.constant 0 : i32
    %dma_wait3A_123 = tpu.memref_slice %arg4[%dma_wait3A_122, %mul3A_2] : memref<6400x4096xf32, #tpu.memory_space<hbm>> -> memref<160x128xf32, #tpu.memory_space<hbm>>
    %dma_wait3A_124 = arith.constant 0 : i32
    %dma_wait3A_125 = arith.constant 0 : i32
    %dma_wait3A_126 = tpu.memref_slice %arg10[%dma_wait3A_124, %dma_wait3A_125] : memref<160x129xf32, #tpu.memory_space<vmem>> -> memref<160x128xf32, #tpu.memory_space<vmem>>
    tpu.wait_dma2 semaphore(%arg14 : memref<!tpu.dma_semaphore, #tpu.memory_space<semaphore_mem>>) src(%dma_wait3A_126 : memref<160x128xf32, #tpu.memory_space<vmem>>) dst(%dma_wait3A_123 : memref<160x128xf32, #tpu.memory_space<hbm>>)
    return
  }
}

</mosaic_0001>

<sc_bundles>
// kernel: kernel.4.cloned.1.call-start
scs
__scs_entry_jumppad:
0x0: {  	(pc) =	sbr.rel $0x88, $3  }
0x1: {  	(tag) =	ssettag $0x0;
	lr =	simm.s32 $0x1  }
0x2: {  	[smem:$0x3F9F] =	sst lr;
	_ =	strace $0xD0000000  }
0x3: {  	_ = 	snop  }
0x4: {  	_ = 	snop  }
0x5: {  	_ = 	snop  }
0x6: {  	_ = 	snop  }
0x7: {  	_ = 	snop  }
__scs_overlays_trampoline_lowered:
0x8: {  	[smem:$0x3FAE] =	sst s0  }
0x9: {  	[smem:$0x3FAF] =	sst s1  }
0xa: {  	[smem:$0x3FB0] =	sst s2  }
0xb: {  	[smem:$0x3FB1] =	sst s3  }
0xc: {  	[smem:$0x3FB2] =	sst s4  }
0xd: {  	[smem:$0x3FB3] =	sst s5  }
0xe: {  	[smem:$0x3FB4] =	sst s6  }
0xf: {  	[smem:$0x3FB5] =	sst s7  }
0x10: {  	[smem:$0x3FB6] =	sst s8  }
0x11: {  	[smem:$0x3FB7] =	sst s9;
	s0 =	simm.s32 @!p0 $0x0  }
0x12: {  	s1 =	sld [smem:$0x3F9D];
	s0 =	simm.s32 @p0 $0x1  }
0x13: {  	[smem:$0x3FB8] =	sst s0;
	s0 =	simm.s32 @!p1 $0x0  }
0x14: {  	s2 =	sld [smem:$0x3F9C];
	s0 =	simm.s32 @p1 $0x1  }
0x15: {  	[smem:$0x3FB9] =	sst s0;
	s0 =	simm.s32 @!p2 $0x0  }
0x16: {  	s3 =	sld [smem:$0x3FDB];
	s0 =	simm.s32 @p2 $0x1  }
0x17: {  	s4 =	simm.s32 $0x1BF5;
	[smem:$0x3FBB] =	sst s0  }
0x18: {  	s0 =	sld [smem:$0x3F9E];
	_ =	swait.ge [sflag:s4], $0x0  }
0x19: {  	s7 =	sld [smem:$0x3F9F]  }
0x1a: {  	s8 =	sadd.s32 $0xFFFFE003, lr  }
0x1b: {  	s9 =	sadd.s32 $0xFFFFFEF7, lr;
	s5 =	simm.s32 $0xFFFFFFFF;
	p2 =	slt.u32 s8, $0xFFFFF086  }
0x1c: {  	p1 =	slt.u32 s9, $0xF7A;
	s5 =	simm.s32 @!p2 $0x0  }
0x1d: {  	s5 =	simm.s32 @p1 $0x1;
	p0 =	seq.s32 s7, s2  }
0x1e: {  	s7 =	smul.u32 @!p0 $0xF7A, s2;
	p2 =	seq.s32 @!p0 s5, $0x0  }
0x1f: {  	s9 =	smul.u32 $0xF7A, s1;
	s8 =	simm.s32 @!p0 $0x1BF5;
	p2 =	por !p2, p0  }
0x20: {  	[sflag:s8] =	ssyncset.s32 @!p0 $0xFFFFF086;
	s6 =	sadd.s32 @!p0 s3, s7;
	s7 =	simm.s32 @!p0 $0x108  }
0x21: {  	s3 =	sadd.s32 s3, s9;
	s6 =	sadd.s32 @!p0 $0x88, s6;
	s7 =	simm.s32 @p2 $0x1082  }
0x22: {  	[simem:s7], [sflag:s8] =	dma.local @!p0 [hbm:s6], $0xF7A  }
0x23: {  	s9 =	sor.u32 $0xD0000000, s2;
	s6 =	simm.s32 $0x108;
	_ =	swait.ge @!p0 [sflag:s8], $0x0  }
0x24: {  	s3 =	sadd.s32 $0x88, s3;
	s6 =	simm.s32 @!p1 $0x1082;
	[sflag:s4] =	ssyncset.s32 $0xFFFFF086  }
0x25: {  	[simem:s6], [sflag:s4] =	dma.local [hbm:s3], $0xF7A  }
0x26: {  	[smem:$0x3F9F] =	sst s1;
	(tag) =	ssettag s2;
	_ =	strace s9  }
0x27: {  	s1 =	sld [smem:$0x3FAF]  }
0x28: {  	s2 =	sld [smem:$0x3FB0]  }
0x29: {  	s4 =	sld [smem:$0x3FB2]  }
0x2a: {  	p0 =	seq.s32 s5, $0x0;
	s5 =	sld [smem:$0x3FB3]  }
0x2b: {  	s6 =	sld [smem:$0x3FB4]  }
0x2c: {  	s7 =	sld [smem:$0x3FB5]  }
0x2d: {  	s3 =	simm.s32 $0x108;
	s8 =	sld [smem:$0x3FB6]  }
0x2e: {  	s3 =	simm.s32 @!p0 $0x1082;
	s9 =	sld [smem:$0x3FB7]  }
0x2f: {  	lr =	sadd.s32 s0, s3;
	s0 =	sld [smem:$0x3FAE]  }
0x30: {  	s3 =	sld [smem:$0x3FB1]  }
0x31: {  	[smem:$0x3FBA] =	sst s10  }
0x32: {  	s10 =	sld [smem:$0x3FB8];
	_ =	sdelay $0x3  }
0x33: {  	p0 =	seq.s32 s10, $0x1;
	s10 =	sld [smem:$0x3FBA];
	_ =	sdelay $0x3  }
0x34: {  	[smem:$0x3FBA] =	sst s10  }
0x35: {  	s10 =	sld [smem:$0x3FB9];
	_ =	sdelay $0x3  }
0x36: {  	p1 =	seq.s32 s10, $0x1;
	s10 =	sld [smem:$0x3FBA];
	_ =	sdelay $0x3  }
0x37: {  	[smem:$0x3FBA] =	sst s10  }
0x38: {  	s10 =	sld [smem:$0x3FBB]  }
0x39: {  	_ = 	snop;
	(pc) =	sbr.ind lr, $3  }
0x3a: {  	_ = 	snop  }
0x3b: {  	_ = 	snop  }
0x3c: {  	p2 =	seq.s32 s10, $0x1;
	s10 =	sld [smem:$0x3FBA]  }
0x3d: {  	_ =	shalt  }
0x3e: {  	_ =	shalt  }
0x3f: {  	_ =	shalt  }
0x40: {  	_ =	shalt  }
0x41: {  	_ =	shalt  }
0x42: {  	_ =	shalt  }
0x43: {  	_ =	shalt  }
0x44: {  	_ =	shalt  }
0x45: {  	_ =	shalt  }
0x46: {  	_ =	shalt  }
0x47: {  	_ =	shalt  }
0x48: {  	_ =	shalt  }
0x49: {  	_ =	shalt  }
0x4a: {  	_ =	shalt  }
0x4b: {  	_ =	shalt  }
0x4c: {  	_ =	shalt  }
0x4d: {  	_ =	shalt  }
0x4e: {  	_ =	shalt  }
0x4f: {  	_ =	shalt  }
0x50: {  	_ =	shalt  }
0x51: {  	_ =	shalt  }
0x52: {  	_ =	shalt  }
0x53: {  	_ =	shalt  }
0x54: {  	_ =	shalt  }
0x55: {  	_ =	shalt  }
0x56: {  	_ =	shalt  }
0x57: {  	_ =	shalt  }
0x58: {  	_ =	shalt  }
0x59: {  	_ =	shalt  }
0x5a: {  	_ =	shalt  }
0x5b: {  	_ =	shalt  }
0x5c: {  	_ =	shalt  }
0x5d: {  	_ =	shalt  }
0x5e: {  	_ =	shalt  }
0x5f: {  	_ =	shalt  }
0x60: {  	_ =	shalt  }
0x61: {  	_ =	shalt  }
0x62: {  	_ =	shalt  }
0x63: {  	_ =	shalt  }
0x64: {  	_ =	shalt  }
0x65: {  	_ =	shalt  }
0x66: {  	_ =	shalt  }
0x67: {  	_ =	shalt  }
0x68: {  	_ =	shalt  }
0x69: {  	_ =	shalt  }
0x6a: {  	_ =	shalt  }
0x6b: {  	_ =	shalt  }
0x6c: {  	_ =	shalt  }
0x6d: {  	_ =	shalt  }
0x6e: {  	_ =	shalt  }
0x6f: {  	_ =	shalt  }
0x70: {  	_ =	shalt  }
0x71: {  	_ =	shalt  }
0x72: {  	_ =	shalt  }
0x73: {  	_ =	shalt  }
0x74: {  	_ =	shalt  }
0x75: {  	_ =	shalt  }
0x76: {  	_ =	shalt  }
0x77: {  	_ =	shalt  }
0x78: {  	_ =	shalt  }
0x79: {  	_ =	shalt  }
0x7a: {  	_ =	shalt  }
0x7b: {  	_ =	shalt  }
0x7c: {  	_ =	shalt  }
0x7d: {  	_ =	shalt  }
0x7e: {  	_ =	shalt  }
0x7f: {  	_ =	shalt  }
0x80: {  	_ =	shalt  }
0x81: {  	_ =	shalt  }
0x82: {  	_ =	shalt  }
0x83: {  	_ =	shalt  }
0x84: {  	_ =	shalt  }
0x85: {  	_ =	shalt  }
0x86: {  	_ =	shalt  }
0x87: {  	_ =	shalt  }
.Lfunc_end0:
.L_simem_size_0:
called_computation_lowered:
.L_overlay_start_0:
0x88: {  	s2 =	sld [smem:$0x3FD9]  }
0x89: {  	s3 =	sld [smem:$0x3FFE];
	_ =	sdelay $0x1  }
0x8a: {  	s1 =	srdreg.scid  }
0x8b: {  	s0 =	sand.u32 $0x1, s1  }
0x8c: {  	s17 =	sshll.u32 s0, $0xA;
	s2 =	sadd.s32 s3, s2  }
0x8d: {  	s2 =	sadd.s32 s2, s17  }
0x8e: {  	[smem:$0x3FC6] =	sst s2  }
0x8f: {  	_ = 	snop  }
0x90: {  	s2 =	sld [smem:$0x3FC8];
	(tm) =	ssettm $0x1  }
0x91: {  	s18 =	sld [smem:$0x3FFB];
	_ =	sdelay $0x3  }
0x92: {  	_ =	strace s18  }
0x93: {  	s3 =	sld [smem:$0x3FFC];
	_ =	sdelay $0x3  }
0x94: {  	_ =	strace s3  }
0x95: {  	s3 =	sld [smem:$0x3FFD];
	_ =	sdelay $0x3  }
0x96: {  	_ =	strace s3  }
0x97: {  	_ =	strace $0x8FFFFFFF  }
0x98: {  	s19 =	sld [smem:$0x3FDB];
	_ =	sdelay $0x1  }
0x99: {  	s4 =	simm.s32 $_scs_section_size  }
0x9a: {  	s5 =	simm.s32 $_size__tile_overlayer_lowered;
	s6 =	simm.s32 $_tile_overlayer_lowered  }
0x9b: {  	s22 =	simm.s32 $0x1BFF;
	s21 =	sshll.u32 s6, $0x1;
	s3 =	sadd.s32 s4, s19  }
0x9c: {  	s7 =	simm.s32 $0x0;
	s20 =	sshll.u32 s5, $0x1;
	s5 =	sadd.s32 s21, s3  }
0x9d: {  	[timem:s7], [sflag:s22] =	dma.local [hbm:s5], s20  }
0x9e: {  	_ =	swait.ge [sflag:s22], s20  }
0x9f: {  	s4 =	ssub.s32 $0x0, s20;
	[sflag:s22] =	ssyncset.done $0x0  }
0xa0: {  	[sflag:s22] =	ssyncadd.s32 s4;
	_ =	sdelay $0x1  }
0xa1: {  	s23 =	simm.s32 $0x1B8B  }
0xa2: {  	_ =	swait.ge [sflag:s23], $0x1  }
0xa3: {  	[sflag:s23] =	ssyncset.done $0x0  }
0xa4: {  	s25 =	simm.s32 $0x1B8E;
	s24 =	sld [smem:$0x3FFE];
	[sflag:s23] =	ssyncadd.s32 $0xFFFFFFFF  }
0xa5: {  	s26 =	simm.s32 $execute0_lowered;
	[smem:$0x3FD2] =	sst s25  }
0xa6: {  	s5 =	sshll.u32 s26, $0x1;
	_ =	strace $0x80000046;
	[dreg:$0x1] =	wrdreg $0xFFFFFFFF  }
0xa7: {  	s28 =	simm.s32 $_size_execute0_lowered;
	s3 =	sadd.s32 s3, s5;
	[dreg:$0x0] =	wrdreg $0x0  }
0xa8: {  	s5 =	sshll.u32 s28, $0x1;
	[dreg:$0x2] =	wrdreg s3  }
0xa9: {  	[dreg:$0x3] =	wrdreg s5  }
0xaa: {  	[dreg:$0x4] =	wrdreg $0xC0  }
0xab: {  	_ =	task [dreg:s7], $0x5FFFF  }
0xac: {  	[dreg:$0x1] =	wrdreg $0xFFFFFFFF  }
0xad: {  	[dreg:$0x0] =	wrdreg $0x60  }
0xae: {  	[dreg:$0x2] =	wrdreg s2  }
0xaf: {  	[dreg:$0x3] =	wrdreg s24  }
0xb0: {  	[dreg:$0x4] =	wrdreg $0x9  }
0xb1: {  	_ =	task.clear_ibuf [dreg:s7], $0x5FFFF;
	_ =	strace $0x90000046  }
0xb2: {  	s29 =	simm.s32 $0x9;
	_ =	strace $0x80000048  }
0xb3: {  	_ =	swait.ge [sflag:s29], $0x1  }
0xb4: {  	[sflag:s29] =	ssyncadd.s32 $0xFFFFFFFF  }
0xb5: {  	_ =	strace $0x90000048  }
0xb6: {  	_ =	sfence  }
0xb7: {  	s30 =	sld [smem:$0x0];
	_ =	sdelay $0x2  }
0xb8: {  	s31 =	sshll.u32 s1, $0xD;
	s1 =	sshrl.u32 s1, $0x2  }
0xb9: {  	s3 =	sand.u32 $0x4000, s31;
	s1 =	sadd.s32 s1, s30  }
0xba: {  	s0 =	sor.u32 s3, s0;
	s1 =	sshll.u32 s1, $0x11  }
0xbb: {  	s0 =	sor.u32 s1, s0  }
0xbc: {  	s0 =	sadd.s32 $0x8F2B, s0  }
0xbd: {  	[sflag:s0] =	ssyncadd.remote.s32 $0x1  }
0xbe: {  	_ =	sfence.sel $0xFFFF  }
0xbf: {  	[dreg:$0x0] =	wrdreg $0xFFFFFFFF;
	(pc) =	sbr.abs _section_cstart, $3  }
0xc0: {  	[dreg:$0x1] =	wrdreg $0xFFFFFFFF  }
0xc1: {  	_ =	task.clear_ibuf [dreg:s7], $0x2FFFF;
	_ =	strace $0x9FFFFFFF  }
0xc2: {  	(tm) =	ssettm $0x7FFFFFFF  }
0xc3: {  	_ =	shalt  }
tec
execute0_lowered:
.L_overlay_start_1:
0x0: {  	(tag) =	ssettag $0x1  }
0x1: {  	v1 =	vlaneseq.u32  }
0x2: {  	v2 =	vimm.s32 $0x43424140;
	v3 =	vimm.s32 $0x63626160;
	v4 =	vimm.s32 $0x3020100  }
0x3: {  	v5 =	vimm.s32 $0x23222120;
	vm0 =	vcmask $0x1F10;
	v6 =	vimm.s32 $0x47464544  }
0x4: {  	v7 =	vimm.s32 $0x27262524;
	v8 =	vimm.s32 $0x2B2A2928;
	v10 =	vimm.s32 $0x2F2E2D2C  }
0x5: {  	v12 =	vimm.s32 $0x33323130;
	v13 =	vimm.s32 $0x57565554;
	v14 =	vimm.s32 $0x77767574  }
0x6: {  	v15 =	vimm.s32 $0x17161514;
	v16 =	vimm.s32 $0x37363534;
	v17 =	vimm.s32 $0x5B5A5958  }
0x7: {  	v18 =	vimm.s32 $0x7B7A7978;
	v0 =	vshrl.u32 v1, $0x2;
	v2 =	vunpack.c.0.s8.s32 v2  }
0x8: {  	v3 =	vunpack.c.0.s8.s32 v3;
	v4 =	vunpack.c.0.s8.s32 v4;
	v5 =	vunpack.c.0.s8.s32 v5  }
0x9: {  	v1 =	vand.u32 $0x3, v1;
	v7 =	vunpack.c.0.s8.s32 v7;
	v8 =	vunpack.c.0.s8.s32 v8  }
0xa: {  	v10 =	vunpack.c.0.s8.s32 v10;
	v2 =	vsel vm0, v3, v2;
	v3 =	vsel vm0, v5, v4  }
0xb: {  	v4 =	vunpack.c.0.s8.s32 v6;
	v5 =	vimm.s32 $0x67666564;
	v6 =	vimm.s32 $0x7060504  }
0xc: {  	v12 =	vunpack.c.0.s8.s32 v12;
	v5 =	vunpack.c.0.s8.s32 v5;
	v6 =	vunpack.c.0.s8.s32 v6  }
0xd: {  	v13 =	vunpack.c.0.s8.s32 v13;
	v2 =	vcombine.low v3, v2;
	v3 =	vimm.s32 $0x4B4A4948  }
0xe: {  	v4 =	vsel vm0, v5, v4;
	v5 =	vsel vm0, v7, v6;
	v7 =	vimm.s32 $0xB0A0908  }
0xf: {  	v6 =	vunpack.c.0.s8.s32 v3;
	v3 =	vimm.s32 $0x6B6A6968;
	v7 =	vunpack.c.0.s8.s32 v7  }
0x10: {  	v9 =	vunpack.c.0.s8.s32 v3;
	v4 =	vcombine.low v5, v4;
	v5 =	vimm.s32 $0x4F4E4D4C  }
0x11: {  	v7 =	vsel vm0, v8, v7;
	v8 =	vunpack.c.0.s8.s32 v5;
	v5 =	vimm.s32 $0x6F6E6D6C  }
0x12: {  	v6 =	vsel vm0, v9, v6;
	v9 =	vimm.s32 $0xF0E0D0C;
	v11 =	vunpack.c.0.s8.s32 v5  }
0x13: {  	v14 =	vunpack.c.0.s8.s32 v14;
	v15 =	vunpack.c.0.s8.s32 v15;
	v9 =	vunpack.c.0.s8.s32 v9  }
0x14: {  	v16 =	vunpack.c.0.s8.s32 v16;
	v1 =	vmul.u32 $0x80, v1;
	v8 =	vsel vm0, v11, v8  }
0x15: {  	s10 =	rddreg [dreg:$0x0];
	v9 =	vsel vm0, v10, v9;
	v10 =	vimm.s32 $0x53525150;
	v11 =	vimm.s32 $0x13121110  }
0x16: {  	s11 =	rddreg [dreg:$0x1];
	v8 =	vcombine.low v9, v8;
	v9 =	vunpack.c.0.s8.s32 v10;
	v10 =	vimm.s32 $0x73727170  }
0x17: {  	s0 =	rddreg [dreg:$0x2];
	v17 =	vunpack.c.0.s8.s32 v17;
	v11 =	vunpack.c.0.s8.s32 v11;
	v10 =	vunpack.c.0.s8.s32 v10  }
0x18: {  	s3 =	srdreg.scid;
	s1 =	stileid.u32;
	s2 =	simm.s32 $0x0;
	v18 =	vunpack.c.0.s8.s32 v18;
	v3 =	vor.u32 $0x200, v1;
	v5 =	vor.u32 $0x1000, v1  }
0x19: {  	s14 =	simm.s32 $0x7A1400;
	s15 =	simm.s32 $0x4000;
	s16 =	simm.s32 $0x1;
	v6 =	vcombine.low v7, v6;
	v9 =	vsel vm0, v10, v9;
	v10 =	vsel vm0, v12, v11  }
0x1a: {  	s17 =	simm.s32 $0x8000;
	s18 =	simm.s32 $0x2;
	s19 =	simm.s32 $0xC000;
	v11 =	vsel vm0, v14, v13;
	v12 =	vsel vm0, v16, v15;
	v14 =	vsel vm0, v18, v17  }
0x1b: {  	s20 =	simm.s32 $0x3;
	s21 =	simm.s32 $0x4;
	s22 =	simm.s32 $0x0;
	v13 =	vimm.s32 $0x5F5E5D5C;
	v16 =	vimm.s32 $0x1F1E1D1C;
	v17 =	vimm.s32 $0x3F3E3D3C  }
0x1c: {  	s7 =	sand.u32 $0x1, s3;
	s31 =	sshll.u32 s1, $0x1;
	[smem:$0x7FF] =	sst s2;
	v9 =	vcombine.low v10, v9;
	v10 =	vcombine.low v12, v11;
	v11 =	vimm.s32 $0x1B1A1918  }
0x1d: {  	s4 =	sadd.s32 $0xA00, s11;
	s5 =	sadd.s32 $0xC00, s11;
	s11 =	sadd.s32 $0x3D1400, s11;
	v12 =	vimm.s32 $0x3B3A3938;
	v16 =	vunpack.c.0.s8.s32 v16;
	v17 =	vunpack.c.0.s8.s32 v17  }
.Ltmp0:
0x1e: {  	s3 =	sor.u32 s7, s31;
	_ =	strace $0x80000047;
	v15 =	vunpack.c.0.s8.s32 v11;
	v12 =	vunpack.c.0.s8.s32 v12;
	v11 =	vimm.s32 $0x7F7E7D7C;
	(pc) =	sbr.rel .LBB2_1-.Ltmp0, $4  }
0x1f: {  	s12 =	ssub.s32 $0x2, s7;
	s6 =	sshll.u32 s3, $0x9;
	s8 =	ssub.s32 $0x761, s3;
	v7 =	vor.u32 $0x1200, v1;
	v13 =	vunpack.c.0.s8.s32 v13;
	v18 =	vunpack.c.0.s8.s32 v11  }
0x20: {  	s13 =	sshrl.u32 s12, $0x1;
	s9 =	ssub.s32 $0x741, s3;
	p0 =	sne.s32 s3, $0x1F;
	v11 =	vor.u32 $0x2000, v1;
	v16 =	vsel vm0, v17, v16;
	v15 =	vsel vm0, v12, v15  }
0x21: {  	s6 =	sadd.s32 s10, s6;
	s10 =	sadd.s32 $0x8000, s10;
	s12 =	ssub.s32 s12, s13;
	v12 =	vor.u32 $0x2200, v1;
	v18 =	vsel vm0, v18, v13;
	v13 =	vor.u32 $0x3000, v1  }
0x22: {  	s13 =	simm.s32 $0x1000;
	s7 =	sadd.s32 $0x4000, s6;
	s12 =	smax.u32 s12, $0x1;
	v14 =	vcombine.low v15, v14;
	v15 =	vor.u32 $0x3200, v1;
	v16 =	vcombine.low v16, v18  }
.LBB2_9:
0x23: {  	_ =	swait.ge [sflag:s20], $0x4000  }
0x24: {  	[sflag:s20] =	ssyncset.done $0x0  }
0x25: {  	[sflag:s20] =	ssyncadd.s32 $0xFFFFC000  }
0x26: {  	_ =	swait.ge [sflag:s21], $0x4000  }
0x27: {  	s23 =	simm.s32 @!p0 $0x0;
	[sflag:s21] =	ssyncset.done $0x0  }
0x28: {  	s24 =	simm.s32 @!p0 $0x8000;
	s25 =	simm.s32 @!p0 $0x5;
	[sflag:s21] =	ssyncadd.s32 $0xFFFFC000  }
0x29: {  	[tilespmem:s24], [sflag:$0x5] =	stream.linear.gather @!p0 [hbm4b:s4+s23], $0x800, $0x38;
	[tilespmem:$0x10000] =	vst v63  }
0x2a: {  	s22 =	sadd.s32 $0x1, s22;
	_ =	swait.ge @!p0 [sflag:s25], $0x800  }
0x2b: {  	p1 =	sne.s32 s22, s12;
	[sflag:s25] =	ssyncset.done @!p0 $0x0  }
.Ltmp1:
0x2c: {  	[sflag:s25] =	ssyncadd.s32 @!p0 $0xFFFFF800;
	(pc) =	sbr.rel @!p1 .LBB2_10-.Ltmp1, $4  }
0x2d: {  	[hbm4b:s11+s23] =	stream.linear.scatter @!p0 [tilespmem:s24], [sflag:$0x5], $0x800, $0x38;
	[tilespmem:$0x10000] =	vst v63  }
0x2e: {  	_ =	swait.ge @!p0 [sflag:s25], $0x800  }
0x2f: {  	[sflag:s25] =	ssyncset.done @!p0 $0x0  }
0x30: {  	[sflag:s25] =	ssyncadd.s32 @!p0 $0xFFFFF800  }
.LBB2_1:
.Ltmp2:
0x31: {  	(pc) =	sbr.rel .LBB2_2-.Ltmp2, $4  }
0x32: {  	_ = 	snop  }
0x33: {  	[tilespmem:s2], [sflag:$0x1] =	stream.strided.gather [hbm4b:s6+s13], $0x4000, s14, s13, $0x38;
	[tilespmem:$0x10000] =	vst v63  }
0x34: {  	s23 =	simm.s32 $0x0  }
0x35: {  	[tilespmem:s15], [sflag:$0x2] =	stream.strided.gather [hbm4b:s7+s13], $0x4000, s14, s13, $0x38;
	[tilespmem:$0x10000] =	vst v63  }
.LBB2_8:
0x36: {  	p1 =	sge.u32 s24, s9  }
0x37: {  	s23 =	sadd.s32 $0x1, s23;
	s24 =	sshll.u32 @!p1 s25, $0x9;
	s25 =	simm.s32 @!p1 $0x1000  }
0x38: {  	s26 =	simm.s32 @!p1 $0x7A1400;
	s28 =	simm.s32 @!p1 $0x4000;
	s24 =	sadd.s32 @!p1 s24, s10  }
0x39: {  	[tilespmem:s28], [sflag:$0x2] =	stream.strided.gather @!p1 [hbm4b:s24+s25], $0x4000, s26, s25, $0x38;
	[tilespmem:$0x10000] =	vst v63  }
0x3a: {  	p1 =	sne.s32 s23, $0x1F  }
.Ltmp3:
0x3b: {  	_ = 	snop;
	(pc) =	sbr.rel @!p1 .LBB2_9-.Ltmp3, $1  }
0x3c: {  	_ =	sdelay $0x3  }
.LBB2_2:
0x3d: {  	s24 =	simm.s32 $0x0  }
0x3e: {  	v17 =	vmov s24  }
0x3f: {  	v18 =	vor.u32 s24, v0;
	v19 =	vshll.u32 v17, $0x3  }
0x40: {  	v18 =	vand.u32 $0x7B, v18;
	v19 =	vand.u32 $0xC00, v19  }
0x41: {  	_ =	swait.ge [sflag:s16], $0x4000;
	v25 =	vor.u32 v19, v18  }
0x42: {  	p1 =	seq.s32 s23, $0x0;
	[sflag:s16] =	ssyncset.done $0x0;
	v18 =	vor.u32 v1, v25  }
0x43: {  	s24 =	simm.s32 @!p1 $0x3;
	[sflag:s16] =	ssyncadd.s32 $0xFFFFC000  }
0x44: {  	_ =	swait.ge @!p1 [sflag:s24], $0x4000  }
0x45: {  	[sflag:s24] =	ssyncset.done @!p1 $0x0  }
0x46: {  	[sflag:s24] =	ssyncadd.s32 @!p1 $0xFFFFC000  }
0x47: {  	v18 =	vld.idx.msk [tilespmem:v18+s2+$0x0], $0xffff  }
0x48: {  	s30 =	simm.s32 $0x4;
	v29 =	vshll.u32 v17, $0x5  }
0x49: {  	v17 =	vor.u32 v2, v29;
	v19 =	vmov s30  }
0x4a: {  	v20 =	vor.u32 s30, v0;
	v21 =	vor.u32 v3, v25;
	v22 =	vshll.u32 v19, $0x3  }
0x4b: {  	v20 =	vand.u32 $0x7F, v20;
	v22 =	vand.u32 $0xC00, v22  }
0x4c: {  	v30 =	vor.u32 v22, v20;
	v18 =	vmul.f32 $5.656854150e+00, v18  }
0x4d: {  	v20 =	vor.u32 v1, v30  }
0x4e: {  	[tilespmem:v17+s17+$0x0] =	vst.idx.msk $0xffff, v18  }
0x4f: {  	v17 =	vld.idx.msk [tilespmem:v21+s2+$0x0], $0xffff;
	_ =	sdelay $0x1  }
0x50: {  	v18 =	vor.u32 v4, v29  }
0x51: {  	s31 =	simm.s32 $0x8;
	v28 =	vshll.u32 v19, $0x5;
	v19 =	vld.idx.msk [tilespmem:v20+s2+$0x0], $0xffff;
	v21 =	vor.u32 v5, v25  }
0x52: {  	v23 =	vor.u32 s31, v0;
	v22 =	vmov s31  }
0x53: {  	v24 =	vshll.u32 v22, $0x3;
	v20 =	vor.u32 v2, v28;
	v17 =	vmul.f32 $5.656854150e+00, v17  }
0x54: {  	v23 =	vand.u32 $0x7B, v23;
	v26 =	vor.u32 v3, v30;
	v24 =	vand.u32 $0xC00, v24  }
0x55: {  	v33 =	vor.u32 v24, v23;
	[tilespmem:v18+s17+$0x0] =	vst.idx.msk $0xffff, v17  }
0x56: {  	v18 =	vor.u32 v1, v33;
	v17 =	vmul.f32 $5.656854150e+00, v19;
	v21 =	vld.idx.msk [tilespmem:v21+s2+$0x0], $0xffff;
	_ =	sdelay $0x1  }
0x57: {  	v19 =	vor.u32 v6, v29;
	[tilespmem:v20+s17+$0x0] =	vst.idx.msk $0xffff, v17  }
0x58: {  	v23 =	vor.u32 v7, v25;
	v20 =	vld.idx.msk [tilespmem:v26+s2+$0x0], $0xffff;
	_ =	sdelay $0x1  }
0x59: {  	s25 =	simm.s32 $0xC;
	v17 =	vshll.u32 v22, $0x5;
	v22 =	vor.u32 v4, v28;
	v18 =	vld.idx.msk [tilespmem:v18+s2+$0x0], $0xffff;
	v21 =	vmul.f32 $5.656854150e+00, v21  }
0x5a: {  	v27 =	vmov s25;
	v31 =	vor.u32 s25, v0;
	v24 =	vor.u32 v5, v30  }
0x5b: {  	v31 =	vand.u32 $0x7F, v31;
	v26 =	vor.u32 v2, v17;
	[tilespmem:v19+s17+$0x0] =	vst.idx.msk $0xffff, v21;
	v21 =	vshll.u32 v27, $0x3  }
0x5c: {  	v19 =	vor.u32 v3, v33;
	v20 =	vmul.f32 $5.656854150e+00, v20;
	v23 =	vld.idx.msk [tilespmem:v23+s2+$0x0], $0xffff;
	v21 =	vand.u32 $0xC00, v21  }
0x5d: {  	v21 =	vor.u32 v21, v31  }
0x5e: {  	v18 =	vmul.f32 $5.656854150e+00, v18;
	[tilespmem:v22+s17+$0x0] =	vst.idx.msk $0xffff, v20;
	v22 =	vor.u32 v8, v29;
	v20 =	vor.u32 v1, v21  }
0x5f: {  	s26 =	simm.s32 $0x10;
	v31 =	vor.u32 v11, v25;
	v24 =	vld.idx.msk [tilespmem:v24+s2+$0x0], $0xffff  }
0x60: {  	v37 =	vor.u32 s26, v0;
	[tilespmem:v26+s17+$0x0] =	vst.idx.msk $0xffff, v18  }
0x61: {  	v41 =	vor.u32 v10, v29;
	v26 =	vor.u32 v6, v28;
	v18 =	vld.idx.msk [tilespmem:v19+s2+$0x0], $0xffff;
	v23 =	vmul.f32 $5.656854150e+00, v23  }
0x62: {  	v49 =	vor.u32 v12, v25;
	v19 =	vshll.u32 v27, $0x5;
	v27 =	vor.u32 v7, v30  }
0x63: {  	v32 =	vor.u32 v5, v33;
	v34 =	vor.u32 v4, v17;
	v35 =	vld.idx.msk [tilespmem:v20+s2+$0x0], $0xffff;
	[tilespmem:v22+s17+$0x0] =	vst.idx.msk $0xffff, v23  }
0x64: {  	v36 =	vor.u32 v3, v21;
	v20 =	vmul.f32 $5.656854150e+00, v24;
	v24 =	vmov s26;
	v23 =	vld.idx.msk [tilespmem:v31+s2+$0x0], $0xffff  }
0x65: {  	v22 =	vor.u32 v2, v19;
	v31 =	vor.u32 v9, v29;
	v38 =	vshll.u32 v24, $0x3  }
0x66: {  	v18 =	vmul.f32 $5.656854150e+00, v18;
	[tilespmem:v26+s17+$0x0] =	vst.idx.msk $0xffff, v20;
	v20 =	vand.u32 $0x7B, v37;
	v26 =	vand.u32 $0xC00, v38  }
0x67: {  	v53 =	vor.u32 v13, v25;
	v51 =	vor.u32 v8, v28;
	v27 =	vld.idx.msk [tilespmem:v27+s2+$0x0], $0xffff;
	v20 =	vor.u32 v26, v20  }
0x68: {  	v39 =	vor.u32 v11, v30;
	[tilespmem:v34+s17+$0x0] =	vst.idx.msk $0xffff, v18;
	v50 =	vor.u32 v1, v20;
	v18 =	vmul.f32 $5.656854150e+00, v35  }
0x69: {  	s29 =	simm.s32 $0x14;
	v56 =	vor.u32 v12, v30;
	v58 =	vor.u32 v11, v33;
	v32 =	vld.idx.msk [tilespmem:v32+s2+$0x0], $0xffff;
	v23 =	vmul.f32 $5.656854150e+00, v23  }
0x6a: {  	v43 =	vmov s29;
	v46 =	vor.u32 v8, v17;
	v25 =	vor.u32 v15, v25;
	[tilespmem:v22+s17+$0x0] =	vst.idx.msk $0xffff, v18  }
0x6b: {  	v44 =	vor.u32 s29, v0;
	v18 =	vshll.u32 v24, $0x5;
	v22 =	vor.u32 v6, v17;
	v24 =	vld.idx.msk [tilespmem:v36+s2+$0x0], $0xffff;
	[tilespmem:v31+s17+$0x0] =	vst.idx.msk $0xffff, v23  }
0x6c: {  	v42 =	vor.u32 v5, v21;
	v23 =	vor.u32 v7, v33;
	v27 =	vmul.f32 $5.656854150e+00, v27;
	v52 =	vld.idx.msk [tilespmem:v49+s2+$0x0], $0xffff  }
0x6d: {  	v61 =	vor.u32 v7, v21;
	v40 =	vor.u32 v4, v19;
	v60 =	vor.u32 v6, v19;
	v34 =	vld.idx.msk [tilespmem:v50+s2+$0x0], $0xffff  }
0x6e: {  	v37 =	vor.u32 v12, v33;
	v26 =	vor.u32 v10, v19;
	v32 =	vmul.f32 $5.656854150e+00, v32;
	[tilespmem:v51+s17+$0x0] =	vst.idx.msk $0xffff, v27  }
0x6f: {  	v55 =	vor.u32 v3, v20;
	v35 =	vor.u32 v10, v28;
	v54 =	vor.u32 v2, v18;
	v39 =	vld.idx.msk [tilespmem:v39+s2+$0x0], $0xffff  }
0x70: {  	v27 =	vor.u32 v9, v28;
	[tilespmem:v22+s17+$0x0] =	vst.idx.msk $0xffff, v32;
	v22 =	vshll.u32 v43, $0x3;
	v24 =	vmul.f32 $5.656854150e+00, v24  }
0x71: {  	v45 =	vld.idx.msk [tilespmem:v23+s2+$0x0], $0xffff;
	v23 =	vand.u32 $0x7F, v44;
	v22 =	vand.u32 $0xC00, v22;
	v36 =	vmul.f32 $5.656854150e+00, v52  }
0x72: {  	s30 =	simm.s32 $0x18;
	v31 =	vor.u32 v5, v20;
	v34 =	vmul.f32 $5.656854150e+00, v34;
	v23 =	vor.u32 v22, v23;
	[tilespmem:v40+s17+$0x0] =	vst.idx.msk $0xffff, v24  }
0x73: {  	v47 =	vmov s30;
	v44 =	vor.u32 v13, v33;
	v57 =	vor.u32 v1, v23;
	v42 =	vld.idx.msk [tilespmem:v42+s2+$0x0], $0xffff;
	[tilespmem:v41+s17+$0x0] =	vst.idx.msk $0xffff, v36  }
0x74: {  	v49 =	vor.u32 s30, v0;
	v33 =	vor.u32 v15, v33;
	[tilespmem:v54+s17+$0x0] =	vst.idx.msk $0xffff, v34;
	v59 =	vmul.f32 $5.656854150e+00, v39;
	v36 =	vld.idx.msk [tilespmem:v53+s2+$0x0], $0xffff  }
0x75: {  	v22 =	vshll.u32 v43, $0x5;
	v52 =	vor.u32 v13, v30;
	v30 =	vor.u32 v15, v30;
	v32 =	vld.idx.msk [tilespmem:v55+s2+$0x0], $0xffff  }
0x76: {  	v24 =	vor.u32 v10, v22;
	v62 =	vmul.f32 $5.656854150e+00, v45;
	[tilespmem:v27+s17+$0x0] =	vst.idx.msk $0xffff, v59;
	v27 =	vor.u32 v14, v29  }
0x77: {  	v48 =	vor.u32 v3, v23;
	v43 =	vor.u32 v6, v22;
	v53 =	vor.u32 v4, v18;
	v63 =	vld.idx.msk [tilespmem:v56+s2+$0x0], $0xffff  }
0x78: {  	v50 =	vshll.u32 v47, $0x3;
	v54 =	vor.u32 v2, v22;
	v40 =	vld.idx.msk [tilespmem:v57+s2+$0x0], $0xffff;
	[tilespmem:v46+s17+$0x0] =	vst.idx.msk $0xffff, v62;
	v42 =	vmul.f32 $5.656854150e+00, v42  }
0x79: {  	v55 =	vor.u32 v9, v17;
	v29 =	vor.u32 v16, v29;
	v34 =	vld.idx.msk [tilespmem:v58+s2+$0x0], $0xffff;
	v36 =	vmul.f32 $5.656854150e+00, v36  }
0x7a: {  	v56 =	vand.u32 $0x7B, v49;
	v57 =	vand.u32 $0xC00, v50;
	v32 =	vmul.f32 $5.656854150e+00, v32;
	[tilespmem:v60+s17+$0x0] =	vst.idx.msk $0xffff, v42  }
0x7b: {  	v62 =	vor.u32 v14, v28;
	v46 =	vor.u32 v10, v17;
	v39 =	vld.idx.msk [tilespmem:v61+s2+$0x0], $0xffff;
	[tilespmem:v27+s17+$0x0] =	vst.idx.msk $0xffff, v36  }
0x7c: {  	v27 =	vor.u32 v57, v56;
	v59 =	vmul.f32 $5.656854150e+00, v63;
	[tilespmem:v53+s17+$0x0] =	vst.idx.msk $0xffff, v32;
	v60 =	vld.idx.msk [tilespmem:v25+s2+$0x0], $0xffff  }
0x7d: {  	v58 =	vor.u32 v8, v19;
	v42 =	vor.u32 v1, v27;
	v40 =	vmul.f32 $5.656854150e+00, v40;
	v31 =	vld.idx.msk [tilespmem:v31+s2+$0x0], $0xffff  }
0x7e: {  	v61 =	vor.u32 v11, v21;
	v53 =	vor.u32 v6, v18;
	v34 =	vmul.f32 $5.656854150e+00, v34;
	[tilespmem:v35+s17+$0x0] =	vst.idx.msk $0xffff, v59  }
0x7f: {  	v56 =	vor.u32 v4, v22;
	v63 =	vor.u32 v5, v23;
	[tilespmem:v54+s17+$0x0] =	vst.idx.msk $0xffff, v40;
	v36 =	vld.idx.msk [tilespmem:v52+s2+$0x0], $0xffff  }
0x80: {  	[tilespmem:v55+s17+$0x0] =	vst.idx.msk $0xffff, v34;
	v54 =	vld.idx.msk [tilespmem:v48+s2+$0x0], $0xffff;
	v55 =	vor.u32 v7, v20;
	v39 =	vmul.f32 $5.656854150e+00, v39  }
0x81: {  	v57 =	vor.u32 v9, v19;
	v32 =	vor.u32 v5, v27;
	v37 =	vld.idx.msk [tilespmem:v37+s2+$0x0], $0xffff;
	v38 =	vmul.f32 $5.656854150e+00, v60  }
0x82: {  	s31 =	simm.s32 $0x1C;
	v25 =	vshll.u32 v47, $0x5;
	v42 =	vld.idx.msk [tilespmem:v42+s2+$0x0], $0xffff;
	v31 =	vmul.f32 $5.656854150e+00, v31;
	v60 =	vor.u32 v12, v21;
	[tilespmem:v58+s17+$0x0] =	vst.idx.msk $0xffff, v39  }
0x83: {  	v59 =	vmov s31;
	v58 =	vor.u32 v2, v25;
	v35 =	vld.idx.msk [tilespmem:v61+s2+$0x0], $0xffff;
	[tilespmem:v29+s17+$0x0] =	vst.idx.msk $0xffff, v38;
	v29 =	vor.u32 s31, v0  }
0x84: {  	v36 =	vmul.f32 $5.656854150e+00, v36;
	[tilespmem:v53+s17+$0x0] =	vst.idx.msk $0xffff, v31;
	v31 =	vor.u32 v3, v27;
	v61 =	vshll.u32 v59, $0x3  }
0x85: {  	v34 =	vmul.f32 $5.656854150e+00, v54;
	v51 =	vld.idx.msk [tilespmem:v55+s2+$0x0], $0xffff;
	v29 =	vand.u32 $0x7F, v29;
	v38 =	vand.u32 $0xC00, v61  }
0x86: {  	v54 =	vor.u32 v8, v18;
	v37 =	vmul.f32 $5.656854150e+00, v37;
	[tilespmem:v62+s17+$0x0] =	vst.idx.msk $0xffff, v36;
	v29 =	vor.u32 v38, v29  }
0x87: {  	v62 =	vmul.f32 $5.656854150e+00, v42;
	[tilespmem:v56+s17+$0x0] =	vst.idx.msk $0xffff, v34;
	v52 =	vld.idx.msk [tilespmem:v30+s2+$0x0], $0xffff;
	v53 =	vor.u32 v1, v29  }
0x88: {  	v40 =	vor.u32 v11, v20;
	v41 =	vld.idx.msk [tilespmem:v63+s2+$0x0], $0xffff;
	[tilespmem:v46+s17+$0x0] =	vst.idx.msk $0xffff, v37;
	v35 =	vmul.f32 $5.656854150e+00, v35  }
0x89: {  	v45 =	vor.u32 v4, v25;
	v30 =	vor.u32 v16, v28;
	[tilespmem:v58+s17+$0x0] =	vst.idx.msk $0xffff, v62;
	v34 =	vld.idx.msk [tilespmem:v44+s2+$0x0], $0xffff  }
0x8a: {  	v38 =	vor.u32 v12, v20;
	v28 =	vshll.u32 v59, $0x5;
	v44 =	vld.idx.msk [tilespmem:v31+s2+$0x0], $0xffff;
	v63 =	vmul.f32 $5.656854150e+00, v51;
	[tilespmem:v57+s17+$0x0] =	vst.idx.msk $0xffff, v35  }
0x8b: {  	s24 =	sshll.u32 s23, $0x6;
	v42 =	vor.u32 v7, v23;
	v37 =	vor.u32 v13, v21;
	v35 =	vor.u32 v14, v17;
	v39 =	vld.idx.msk [tilespmem:v60+s2+$0x0], $0xffff  }
0x8c: {  	s28 =	simm.s32 $0x24;
	s25 =	sor.u32 s3, s24;
	s26 =	simm.s32 $0x6;
	v31 =	vor.u32 v10, v28;
	v46 =	vld.idx.msk [tilespmem:v53+s2+$0x0], $0xffff;
	[tilespmem:v54+s17+$0x0] =	vst.idx.msk $0xffff, v63;
	v36 =	vmul.f32 $5.656854150e+00, v52  }
.LBB2_3:
0x8d: {  	s29 =	sadd.s32 $0xFFFFFFFC, s28;
	s26 =	sadd.s32 $0x2, s26;
	v47 =	vor.u32 v2, v28;
	v40 =	vld.idx.msk [tilespmem:v40+s2+$0x0], $0xffff;
	v48 =	vor.u32 v9, v18;
	v41 =	vmul.f32 $5.656854150e+00, v41;
	v49 =	vmovc v27  }
0x8e: {  	v51 =	vor.u32 v3, v29;
	v27 =	vmul.f32 $5.656854150e+00, v34;
	v50 =	vmov s29;
	p2 =	slt.u32 s26, $0x7E;
	[tilespmem:v30+s17+$0x0] =	vst.idx.msk $0xffff, v36  }
0x8f: {  	v30 =	vor.u32 s29, v0;
	v36 =	vmul.f32 $5.656854150e+00, v44;
	v34 =	vshll.u32 v50, $0x3;
	[tilespmem:v43+s17+$0x0] =	vst.idx.msk $0xffff, v41  }
0x90: {  	v30 =	vand.u32 $0x7B, v30;
	v34 =	vand.u32 $0xC00, v34;
	v41 =	vld.idx.msk [tilespmem:v42+s2+$0x0], $0xffff;
	v42 =	vor.u32 v8, v22;
	[tilespmem:v35+s17+$0x0] =	vst.idx.msk $0xffff, v27  }
0x91: {  	v27 =	vor.u32 v34, v30;
	v34 =	vshll.u32 v50, $0x5;
	[tilespmem:v45+s17+$0x0] =	vst.idx.msk $0xffff, v36;
	v33 =	vld.idx.msk [tilespmem:v33+s2+$0x0], $0xffff;
	v30 =	vmul.f32 $5.656854150e+00, v39  }
0x92: {  	v39 =	vmul.f32 $5.656854150e+00, v46;
	v35 =	vor.u32 v1, v27;
	v36 =	vld.idx.msk [tilespmem:v32+s2+$0x0], $0xffff;
	v32 =	vor.u32 v5, v27  }
0x93: {  	v43 =	vor.u32 v11, v23;
	v40 =	vmul.f32 $5.656854150e+00, v40;
	[tilespmem:v26+s17+$0x0] =	vst.idx.msk $0xffff, v30;
	v30 =	vor.u32 v16, v19  }
0x94: {  	v26 =	vor.u32 v16, v17;
	[tilespmem:v47+s17+$0x0] =	vst.idx.msk $0xffff, v39;
	v37 =	vld.idx.msk [tilespmem:v37+s2+$0x0], $0xffff;
	v39 =	vor.u32 v14, v19  }
0x95: {  	v19 =	vor.u32 v6, v25;
	v44 =	vld.idx.msk [tilespmem:v51+s2+$0x0], $0xffff;
	[tilespmem:v48+s17+$0x0] =	vst.idx.msk $0xffff, v40;
	v40 =	vor.u32 v15, v21  }
0x96: {  	v45 =	vor.u32 v13, v20;
	v17 =	vmovc v18;
	v21 =	vor.u32 v7, v49;
	v41 =	vmul.f32 $5.656854150e+00, v41;
	v38 =	vld.idx.msk [tilespmem:v38+s2+$0x0], $0xffff  }
0x97: {  	v46 =	vor.u32 v4, v28;
	v18 =	vmovc v25;
	v47 =	vor.u32 v10, v17;
	v33 =	vmul.f32 $5.656854150e+00, v33;
	v35 =	vld.idx.msk [tilespmem:v35+s2+$0x0], $0xffff  }
0x98: {  	v48 =	vor.u32 v9, v22;
	v51 =	vmul.f32 $5.656854150e+00, v36;
	v36 =	vor.u32 v5, v29;
	[tilespmem:v42+s17+$0x0] =	vst.idx.msk $0xffff, v41  }
0x99: {  	v50 =	vor.u32 v12, v23;
	v42 =	vor.u32 v2, v34;
	v41 =	vmov s28;
	v43 =	vld.idx.msk [tilespmem:v43+s2+$0x0], $0xffff;
	[tilespmem:v26+s17+$0x0] =	vst.idx.msk $0xffff, v33  }
0x9a: {  	v25 =	vmovc v34;
	v26 =	vor.u32 s28, v0;
	v33 =	vshll.u32 v41, $0x5;
	v37 =	vmul.f32 $5.656854150e+00, v37;
	[tilespmem:v19+s17+$0x0] =	vst.idx.msk $0xffff, v51;
	v19 =	vmovc v22  }
0x9b: {  	v34 =	vshll.u32 v41, $0x3;
	v51 =	vor.u32 v3, v27;
	v41 =	vmul.f32 $5.656854150e+00, v44;
	v22 =	vmovc v28;
	v28 =	vmovc v33;
	v52 =	vld.idx.msk [tilespmem:v21+s2+$0x0], $0xffff  }
0x9c: {  	v44 =	vand.u32 $0x7F, v26;
	v33 =	vand.u32 $0xC00, v34;
	v34 =	vmul.f32 $5.656854150e+00, v38;
	v21 =	vmovc v23;
	v23 =	vmovc v29;
	[tilespmem:v39+s17+$0x0] =	vst.idx.msk $0xffff, v37  }
0x9d: {  	v29 =	vor.u32 v33, v44;
	v35 =	vmul.f32 $5.656854150e+00, v35;
	v26 =	vmov v24;
	[tilespmem:v46+s17+$0x0] =	vst.idx.msk $0xffff, v41;
	v53 =	vld.idx.msk [tilespmem:v40+s2+$0x0], $0xffff  }
0x9e: {  	v54 =	vor.u32 v8, v18;
	v46 =	vor.u32 v1, v29;
	v41 =	vld.idx.msk [tilespmem:v36+s2+$0x0], $0xffff;
	[tilespmem:v47+s17+$0x0] =	vst.idx.msk $0xffff, v34  }
.Ltmp4:
0x9f: {  	v24 =	vmov v31;
	v40 =	vor.u32 v11, v49;
	[tilespmem:v42+s17+$0x0] =	vst.idx.msk $0xffff, v35;
	v34 =	vld.idx.msk [tilespmem:v45+s2+$0x0], $0xffff;
	v35 =	vmul.f32 $5.656854150e+00, v43;
	(pc) =	sbr.rel @p2 .LBB2_3-.Ltmp4, $4  }
0xa0: {  	v31 =	vor.u32 v10, v28;
	v43 =	vor.u32 v6, v22;
	v44 =	vld.idx.msk [tilespmem:v51+s2+$0x0], $0xffff  }
0xa1: {  	v33 =	vor.u32 v15, v20;
	v42 =	vor.u32 v7, v23;
	v36 =	vmul.f32 $5.656854150e+00, v52;
	[tilespmem:v48+s17+$0x0] =	vst.idx.msk $0xffff, v35  }
0xa2: {  	v38 =	vor.u32 v12, v49;
	v37 =	vor.u32 v13, v21;
	v35 =	vor.u32 v14, v17;
	v39 =	vld.idx.msk [tilespmem:v50+s2+$0x0], $0xffff  }
0xa3: {  	s28 =	sadd.s32 $0x8, s28;
	v20 =	vmov v49;
	v45 =	vor.u32 v4, v25;
	v46 =	vld.idx.msk [tilespmem:v46+s2+$0x0], $0xffff;
	[tilespmem:v54+s17+$0x0] =	vst.idx.msk $0xffff, v36;
	v36 =	vmul.f32 $5.656854150e+00, v53  }
0xa4: {  	_ = 	snop  }
0xa5: {  	v47 =	vor.u32 v2, v28  }
0xa6: {  	v48 =	vor.u32 v3, v29;
	_ =	sdelay $0x1  }
0xa7: {  	v46 =	vmul.f32 $5.656854150e+00, v46;
	_ =	sdelay $0x1  }
0xa8: {  	[tilespmem:v47+s17+$0x0] =	vst.idx.msk $0xffff, v46  }
0xa9: {  	v46 =	vld.idx.msk [tilespmem:v48+s2+$0x0], $0xffff;
	_ =	sdelay $0x1  }
0xaa: {  	v63 =	vor.u32 v4, v28  }
0xab: {  	v52 =	vor.u32 v5, v29  }
0xac: {  	v44 =	vmul.f32 $5.656854150e+00, v44  }
0xad: {  	v46 =	vmul.f32 $5.656854150e+00, v46  }
0xae: {  	[tilespmem:v45+s17+$0x0] =	vst.idx.msk $0xffff, v44  }
0xaf: {  	v32 =	vld.idx.msk [tilespmem:v32+s2+$0x0], $0xffff;
	[tilespmem:v63+s17+$0x0] =	vst.idx.msk $0xffff, v46  }
0xb0: {  	v53 =	vld.idx.msk [tilespmem:v52+s2+$0x0], $0xffff  }
0xb1: {  	v54 =	vor.u32 v6, v25  }
0xb2: {  	v55 =	vor.u32 v7, v27;
	v56 =	vor.u32 v6, v28  }
0xb3: {  	v41 =	vmul.f32 $5.656854150e+00, v41;
	v57 =	vor.u32 v7, v29  }
0xb4: {  	v32 =	vmul.f32 $5.656854150e+00, v32  }
0xb5: {  	[tilespmem:v43+s17+$0x0] =	vst.idx.msk $0xffff, v41;
	v58 =	vmul.f32 $5.656854150e+00, v53  }
0xb6: {  	v42 =	vld.idx.msk [tilespmem:v42+s2+$0x0], $0xffff;
	[tilespmem:v54+s17+$0x0] =	vst.idx.msk $0xffff, v32  }
0xb7: {  	v32 =	vld.idx.msk [tilespmem:v55+s2+$0x0], $0xffff;
	[tilespmem:v56+s17+$0x0] =	vst.idx.msk $0xffff, v58  }
0xb8: {  	v59 =	vor.u32 v8, v22;
	v60 =	vld.idx.msk [tilespmem:v57+s2+$0x0], $0xffff  }
0xb9: {  	v61 =	vor.u32 v11, v23;
	v62 =	vor.u32 v8, v25  }
0xba: {  	v63 =	vor.u32 v11, v27;
	v52 =	vor.u32 v8, v28  }
0xbb: {  	v42 =	vmul.f32 $5.656854150e+00, v42;
	v53 =	vor.u32 v11, v29  }
0xbc: {  	v32 =	vmul.f32 $5.656854150e+00, v32  }
0xbd: {  	v40 =	vld.idx.msk [tilespmem:v40+s2+$0x0], $0xffff;
	[tilespmem:v59+s17+$0x0] =	vst.idx.msk $0xffff, v42;
	v54 =	vmul.f32 $5.656854150e+00, v60  }
0xbe: {  	v42 =	vld.idx.msk [tilespmem:v61+s2+$0x0], $0xffff;
	[tilespmem:v62+s17+$0x0] =	vst.idx.msk $0xffff, v32  }
0xbf: {  	v55 =	vor.u32 v9, v18;
	v56 =	vld.idx.msk [tilespmem:v63+s2+$0x0], $0xffff;
	[tilespmem:v52+s17+$0x0] =	vst.idx.msk $0xffff, v54  }
0xc0: {  	v57 =	vor.u32 v9, v22;
	v58 =	vld.idx.msk [tilespmem:v53+s2+$0x0], $0xffff  }
0xc1: {  	v59 =	vor.u32 v12, v23;
	v60 =	vor.u32 v9, v25  }
0xc2: {  	v40 =	vmul.f32 $5.656854150e+00, v40;
	v61 =	vor.u32 v12, v27;
	v62 =	vor.u32 v9, v28  }
0xc3: {  	v49 =	vor.u32 v12, v29;
	v42 =	vmul.f32 $5.656854150e+00, v42  }
0xc4: {  	[tilespmem:v55+s17+$0x0] =	vst.idx.msk $0xffff, v40;
	v63 =	vmul.f32 $5.656854150e+00, v56  }
0xc5: {  	v38 =	vld.idx.msk [tilespmem:v38+s2+$0x0], $0xffff;
	[tilespmem:v57+s17+$0x0] =	vst.idx.msk $0xffff, v42;
	v50 =	vmul.f32 $5.656854150e+00, v58  }
0xc6: {  	v41 =	vld.idx.msk [tilespmem:v59+s2+$0x0], $0xffff;
	[tilespmem:v60+s17+$0x0] =	vst.idx.msk $0xffff, v63  }
0xc7: {  	v51 =	vor.u32 v10, v18;
	v52 =	vld.idx.msk [tilespmem:v61+s2+$0x0], $0xffff;
	[tilespmem:v62+s17+$0x0] =	vst.idx.msk $0xffff, v50  }
0xc8: {  	v53 =	vor.u32 v13, v20;
	v54 =	vld.idx.msk [tilespmem:v49+s2+$0x0], $0xffff  }
0xc9: {  	v39 =	vmul.f32 $5.656854150e+00, v39;
	v55 =	vor.u32 v13, v23;
	v56 =	vor.u32 v10, v25  }
0xca: {  	v38 =	vmul.f32 $5.656854150e+00, v38;
	v57 =	vor.u32 v13, v27  }
0xcb: {  	[tilespmem:v26+s17+$0x0] =	vst.idx.msk $0xffff, v39;
	v59 =	vor.u32 v13, v29;
	v58 =	vmul.f32 $5.656854150e+00, v41  }
0xcc: {  	v37 =	vld.idx.msk [tilespmem:v37+s2+$0x0], $0xffff;
	[tilespmem:v51+s17+$0x0] =	vst.idx.msk $0xffff, v38;
	v60 =	vmul.f32 $5.656854150e+00, v52  }
0xcd: {  	v38 =	vld.idx.msk [tilespmem:v53+s2+$0x0], $0xffff;
	[tilespmem:v24+s17+$0x0] =	vst.idx.msk $0xffff, v58;
	v61 =	vmul.f32 $5.656854150e+00, v54  }
0xce: {  	v62 =	vor.u32 v14, v19;
	v63 =	vld.idx.msk [tilespmem:v55+s2+$0x0], $0xffff;
	[tilespmem:v56+s17+$0x0] =	vst.idx.msk $0xffff, v60  }
0xcf: {  	v21 =	vor.u32 v15, v21;
	v44 =	vor.u32 v14, v18;
	v45 =	vld.idx.msk [tilespmem:v57+s2+$0x0], $0xffff;
	[tilespmem:v31+s17+$0x0] =	vst.idx.msk $0xffff, v61  }
0xd0: {  	v47 =	vor.u32 v15, v20;
	v48 =	vor.u32 v14, v22;
	v46 =	vmul.f32 $5.656854150e+00, v34;
	v49 =	vld.idx.msk [tilespmem:v59+s2+$0x0], $0xffff  }
0xd1: {  	v37 =	vmul.f32 $5.656854150e+00, v37;
	v51 =	vor.u32 v14, v25;
	v50 =	vor.u32 v15, v23  }
0xd2: {  	[tilespmem:v35+s17+$0x0] =	vst.idx.msk $0xffff, v46;
	v53 =	vor.u32 v15, v27;
	v52 =	vmul.f32 $5.656854150e+00, v38;
	v54 =	vor.u32 v14, v28  }
0xd3: {  	v33 =	vld.idx.msk [tilespmem:v33+s2+$0x0], $0xffff;
	v56 =	vor.u32 v15, v29;
	[tilespmem:v62+s17+$0x0] =	vst.idx.msk $0xffff, v37;
	v55 =	vmul.f32 $5.656854150e+00, v63  }
0xd4: {  	[tilespmem:v44+s17+$0x0] =	vst.idx.msk $0xffff, v52;
	v21 =	vld.idx.msk [tilespmem:v21+s2+$0x0], $0xffff;
	v57 =	vmul.f32 $5.656854150e+00, v45  }
0xd5: {  	v17 =	vor.u32 v16, v17;
	v20 =	vld.idx.msk [tilespmem:v47+s2+$0x0], $0xffff;
	[tilespmem:v48+s17+$0x0] =	vst.idx.msk $0xffff, v55;
	v58 =	vmul.f32 $5.656854150e+00, v49  }
0xd6: {  	v19 =	vor.u32 v16, v19;
	v23 =	vld.idx.msk [tilespmem:v50+s2+$0x0], $0xffff;
	[tilespmem:v51+s17+$0x0] =	vst.idx.msk $0xffff, v57  }
0xd7: {  	v18 =	vor.u32 v16, v18;
	v24 =	vld.idx.msk [tilespmem:v53+s2+$0x0], $0xffff;
	[tilespmem:v54+s17+$0x0] =	vst.idx.msk $0xffff, v58  }
0xd8: {  	v60 =	vor.u32 v16, v22;
	v59 =	vmul.f32 $5.656854150e+00, v33;
	v61 =	vld.idx.msk [tilespmem:v56+s2+$0x0], $0xffff  }
0xd9: {  	[tilespmem:v30+s17+$0x0] =	vst.idx.msk $0xffff, v36;
	v62 =	vor.u32 v16, v25;
	v21 =	vmul.f32 $5.656854150e+00, v21  }
0xda: {  	v63 =	vor.u32 v16, v28;
	[tilespmem:v17+s17+$0x0] =	vst.idx.msk $0xffff, v59;
	v17 =	vmul.f32 $5.656854150e+00, v20  }
0xdb: {  	[tilespmem:v19+s17+$0x0] =	vst.idx.msk $0xffff, v21;
	v19 =	vmul.f32 $5.656854150e+00, v23  }
0xdc: {  	[tilespmem:v18+s17+$0x0] =	vst.idx.msk $0xffff, v17;
	v17 =	vmul.f32 $5.656854150e+00, v24  }
0xdd: {  	[tilespmem:v60+s17+$0x0] =	vst.idx.msk $0xffff, v19;
	v18 =	vmul.f32 $5.656854150e+00, v61  }
0xde: {  	s26 =	sshll.u32 s25, $0xB;
	[tilespmem:v62+s17+$0x0] =	vst.idx.msk $0xffff, v17  }
0xdf: {  	p2 =	sge.u32 s24, s8;
	s26 =	sadd.s32 s5, s26;
	[tilespmem:v63+s17+$0x0] =	vst.idx.msk $0xffff, v18  }
0xe0: {  	[hbm4b:s26+s2] =	stream.linear.scatter [tilespmem:s17], [sflag:$0x3], $0x4000, $0x38;
	[tilespmem:$0x10000] =	vst v63  }
0xe1: {  	s28 =	simm.s32 @!p2 $0x1000;
	s29 =	simm.s32 @!p2 $0x7A1400;
	s26 =	sshll.u32 @!p2 s25, $0x9  }
0xe2: {  	s30 =	simm.s32 @!p2 $0x0;
	s25 =	sor.u32 $0x20, s25;
	s26 =	sadd.s32 @!p2 s26, s10  }
0xe3: {  	[tilespmem:s30], [sflag:$0x1] =	stream.strided.gather @!p2 [hbm4b:s26+s28], $0x4000, s29, s28, $0x38;
	[tilespmem:$0x10000] =	vst v63  }
0xe4: {  	p2 =	sgt.u32 s25, $0x7A0  }
.Ltmp5:
0xe5: {  	_ = 	snop;
	(pc) =	sbr.rel @p2 .LBB2_8-.Ltmp5, $1  }
0xe6: {  	_ =	sdelay $0x3  }
0xe7: {  	s26 =	simm.s32 $0x0  }
0xe8: {  	v17 =	vmov s26  }
0xe9: {  	v18 =	vor.u32 s26, v0;
	v19 =	vshll.u32 v17, $0x3  }
0xea: {  	v18 =	vand.u32 $0x7B, v18;
	v19 =	vand.u32 $0xC00, v19  }
0xeb: {  	_ =	swait.ge [sflag:s18], $0x4000;
	v25 =	vor.u32 v19, v18  }
0xec: {  	[sflag:s18] =	ssyncset.done $0x0;
	v18 =	vor.u32 v1, v25  }
0xed: {  	s26 =	simm.s32 @!p1 $0x4;
	[sflag:s18] =	ssyncadd.s32 $0xFFFFC000  }
0xee: {  	_ =	swait.ge @!p1 [sflag:s26], $0x4000  }
0xef: {  	[sflag:s26] =	ssyncset.done @!p1 $0x0  }
0xf0: {  	[sflag:s26] =	ssyncadd.s32 @!p1 $0xFFFFC000  }
0xf1: {  	v18 =	vld.idx.msk [tilespmem:v18+s15+$0x0], $0xffff  }
0xf2: {  	s31 =	simm.s32 $0x4;
	v29 =	vshll.u32 v17, $0x5  }
0xf3: {  	v17 =	vor.u32 v2, v29;
	v19 =	vmov s31  }
0xf4: {  	v20 =	vor.u32 s31, v0;
	v21 =	vor.u32 v3, v25;
	v22 =	vshll.u32 v19, $0x3  }
0xf5: {  	v20 =	vand.u32 $0x7F, v20;
	v22 =	vand.u32 $0xC00, v22  }
0xf6: {  	v30 =	vor.u32 v22, v20;
	v18 =	vmul.f32 $5.656854150e+00, v18  }
0xf7: {  	v20 =	vor.u32 v1, v30  }
0xf8: {  	[tilespmem:v17+s19+$0x0] =	vst.idx.msk $0xffff, v18  }
0xf9: {  	v17 =	vld.idx.msk [tilespmem:v21+s15+$0x0], $0xffff;
	_ =	sdelay $0x1  }
0xfa: {  	v18 =	vor.u32 v4, v29  }
0xfb: {  	s29 =	simm.s32 $0x8;
	v28 =	vshll.u32 v19, $0x5;
	v19 =	vld.idx.msk [tilespmem:v20+s15+$0x0], $0xffff;
	v21 =	vor.u32 v5, v25  }
0xfc: {  	v23 =	vor.u32 s29, v0;
	v22 =	vmov s29  }
0xfd: {  	v24 =	vshll.u32 v22, $0x3;
	v20 =	vor.u32 v2, v28;
	v17 =	vmul.f32 $5.656854150e+00, v17  }
0xfe: {  	v23 =	vand.u32 $0x7B, v23;
	v26 =	vor.u32 v3, v30;
	v24 =	vand.u32 $0xC00, v24  }
0xff: {  	v33 =	vor.u32 v24, v23;
	[tilespmem:v18+s19+$0x0] =	vst.idx.msk $0xffff, v17  }
0x100: {  	v18 =	vor.u32 v1, v33;
	v17 =	vmul.f32 $5.656854150e+00, v19;
	v21 =	vld.idx.msk [tilespmem:v21+s15+$0x0], $0xffff;
	_ =	sdelay $0x1  }
0x101: {  	v19 =	vor.u32 v6, v29;
	[tilespmem:v20+s19+$0x0] =	vst.idx.msk $0xffff, v17  }
0x102: {  	v23 =	vor.u32 v7, v25;
	v20 =	vld.idx.msk [tilespmem:v26+s15+$0x0], $0xffff;
	_ =	sdelay $0x1  }
0x103: {  	s30 =	simm.s32 $0xC;
	v17 =	vshll.u32 v22, $0x5;
	v22 =	vor.u32 v4, v28;
	v18 =	vld.idx.msk [tilespmem:v18+s15+$0x0], $0xffff;
	v21 =	vmul.f32 $5.656854150e+00, v21  }
0x104: {  	v27 =	vmov s30;
	v31 =	vor.u32 s30, v0;
	v24 =	vor.u32 v5, v30  }
0x105: {  	v31 =	vand.u32 $0x7F, v31;
	v26 =	vor.u32 v2, v17;
	[tilespmem:v19+s19+$0x0] =	vst.idx.msk $0xffff, v21;
	v21 =	vshll.u32 v27, $0x3  }
0x106: {  	v19 =	vor.u32 v3, v33;
	v20 =	vmul.f32 $5.656854150e+00, v20;
	v23 =	vld.idx.msk [tilespmem:v23+s15+$0x0], $0xffff;
	v21 =	vand.u32 $0xC00, v21  }
0x107: {  	v21 =	vor.u32 v21, v31  }
0x108: {  	v18 =	vmul.f32 $5.656854150e+00, v18;
	[tilespmem:v22+s19+$0x0] =	vst.idx.msk $0xffff, v20;
	v22 =	vor.u32 v8, v29;
	v20 =	vor.u32 v1, v21  }
0x109: {  	v31 =	vor.u32 v11, v25;
	v24 =	vld.idx.msk [tilespmem:v24+s15+$0x0], $0xffff  }
0x10a: {  	v41 =	vor.u32 v10, v29;
	s31 =	simm.s32 $0x10;
	[tilespmem:v26+s19+$0x0] =	vst.idx.msk $0xffff, v18  }
0x10b: {  	v37 =	vor.u32 s31, v0;
	v26 =	vor.u32 v6, v28;
	v18 =	vld.idx.msk [tilespmem:v19+s15+$0x0], $0xffff;
	v23 =	vmul.f32 $5.656854150e+00, v23  }
0x10c: {  	v49 =	vor.u32 v12, v25;
	v19 =	vshll.u32 v27, $0x5;
	v27 =	vor.u32 v7, v30  }
0x10d: {  	v32 =	vor.u32 v5, v33;
	v34 =	vor.u32 v4, v17;
	v35 =	vld.idx.msk [tilespmem:v20+s15+$0x0], $0xffff;
	[tilespmem:v22+s19+$0x0] =	vst.idx.msk $0xffff, v23  }
0x10e: {  	v36 =	vor.u32 v3, v21;
	v20 =	vmul.f32 $5.656854150e+00, v24;
	v24 =	vmov s31;
	v23 =	vld.idx.msk [tilespmem:v31+s15+$0x0], $0xffff  }
0x10f: {  	v22 =	vor.u32 v2, v19;
	v31 =	vor.u32 v9, v29;
	v38 =	vshll.u32 v24, $0x3  }
0x110: {  	v18 =	vmul.f32 $5.656854150e+00, v18;
	[tilespmem:v26+s19+$0x0] =	vst.idx.msk $0xffff, v20;
	v20 =	vand.u32 $0x7B, v37;
	v26 =	vand.u32 $0xC00, v38  }
0x111: {  	v53 =	vor.u32 v13, v25;
	v51 =	vor.u32 v8, v28;
	v27 =	vld.idx.msk [tilespmem:v27+s15+$0x0], $0xffff;
	v20 =	vor.u32 v26, v20  }
0x112: {  	v39 =	vor.u32 v11, v30;
	[tilespmem:v34+s19+$0x0] =	vst.idx.msk $0xffff, v18;
	v50 =	vor.u32 v1, v20;
	v18 =	vmul.f32 $5.656854150e+00, v35  }
0x113: {  	s29 =	simm.s32 $0x14;
	v56 =	vor.u32 v12, v30;
	v58 =	vor.u32 v11, v33;
	v32 =	vld.idx.msk [tilespmem:v32+s15+$0x0], $0xffff;
	v23 =	vmul.f32 $5.656854150e+00, v23  }
0x114: {  	v43 =	vmov s29;
	v46 =	vor.u32 v8, v17;
	v25 =	vor.u32 v15, v25;
	[tilespmem:v22+s19+$0x0] =	vst.idx.msk $0xffff, v18  }
0x115: {  	v44 =	vor.u32 s29, v0;
	v18 =	vshll.u32 v24, $0x5;
	v22 =	vor.u32 v6, v17;
	v24 =	vld.idx.msk [tilespmem:v36+s15+$0x0], $0xffff;
	[tilespmem:v31+s19+$0x0] =	vst.idx.msk $0xffff, v23  }
0x116: {  	v42 =	vor.u32 v5, v21;
	v23 =	vor.u32 v7, v33;
	v27 =	vmul.f32 $5.656854150e+00, v27;
	v52 =	vld.idx.msk [tilespmem:v49+s15+$0x0], $0xffff  }
0x117: {  	v61 =	vor.u32 v7, v21;
	v40 =	vor.u32 v4, v19;
	v60 =	vor.u32 v6, v19;
	v34 =	vld.idx.msk [tilespmem:v50+s15+$0x0], $0xffff  }
0x118: {  	v37 =	vor.u32 v12, v33;
	v26 =	vor.u32 v10, v19;
	v32 =	vmul.f32 $5.656854150e+00, v32;
	[tilespmem:v51+s19+$0x0] =	vst.idx.msk $0xffff, v27  }
0x119: {  	v55 =	vor.u32 v3, v20;
	v35 =	vor.u32 v10, v28;
	v54 =	vor.u32 v2, v18;
	v39 =	vld.idx.msk [tilespmem:v39+s15+$0x0], $0xffff  }
0x11a: {  	v27 =	vor.u32 v9, v28;
	[tilespmem:v22+s19+$0x0] =	vst.idx.msk $0xffff, v32;
	v22 =	vshll.u32 v43, $0x3;
	v24 =	vmul.f32 $5.656854150e+00, v24  }
0x11b: {  	v45 =	vld.idx.msk [tilespmem:v23+s15+$0x0], $0xffff;
	v23 =	vand.u32 $0x7F, v44;
	v22 =	vand.u32 $0xC00, v22;
	v36 =	vmul.f32 $5.656854150e+00, v52  }
0x11c: {  	s30 =	simm.s32 $0x18;
	v31 =	vor.u32 v5, v20;
	v34 =	vmul.f32 $5.656854150e+00, v34;
	v23 =	vor.u32 v22, v23;
	[tilespmem:v40+s19+$0x0] =	vst.idx.msk $0xffff, v24  }
0x11d: {  	v47 =	vmov s30;
	v44 =	vor.u32 v13, v33;
	v57 =	vor.u32 v1, v23;
	v42 =	vld.idx.msk [tilespmem:v42+s15+$0x0], $0xffff;
	[tilespmem:v41+s19+$0x0] =	vst.idx.msk $0xffff, v36  }
0x11e: {  	v49 =	vor.u32 s30, v0;
	v33 =	vor.u32 v15, v33;
	[tilespmem:v54+s19+$0x0] =	vst.idx.msk $0xffff, v34;
	v59 =	vmul.f32 $5.656854150e+00, v39;
	v36 =	vld.idx.msk [tilespmem:v53+s15+$0x0], $0xffff  }
0x11f: {  	v22 =	vshll.u32 v43, $0x5;
	v52 =	vor.u32 v13, v30;
	v30 =	vor.u32 v15, v30;
	v32 =	vld.idx.msk [tilespmem:v55+s15+$0x0], $0xffff  }
0x120: {  	v24 =	vor.u32 v10, v22;
	v62 =	vmul.f32 $5.656854150e+00, v45;
	[tilespmem:v27+s19+$0x0] =	vst.idx.msk $0xffff, v59;
	v27 =	vor.u32 v14, v29  }
0x121: {  	v48 =	vor.u32 v3, v23;
	v43 =	vor.u32 v6, v22;
	v53 =	vor.u32 v4, v18;
	v63 =	vld.idx.msk [tilespmem:v56+s15+$0x0], $0xffff  }
0x122: {  	v50 =	vshll.u32 v47, $0x3;
	v54 =	vor.u32 v2, v22;
	v40 =	vld.idx.msk [tilespmem:v57+s15+$0x0], $0xffff;
	[tilespmem:v46+s19+$0x0] =	vst.idx.msk $0xffff, v62;
	v42 =	vmul.f32 $5.656854150e+00, v42  }
0x123: {  	v55 =	vor.u32 v9, v17;
	v29 =	vor.u32 v16, v29;
	v34 =	vld.idx.msk [tilespmem:v58+s15+$0x0], $0xffff;
	v36 =	vmul.f32 $5.656854150e+00, v36  }
0x124: {  	v56 =	vand.u32 $0x7B, v49;
	v57 =	vand.u32 $0xC00, v50;
	v32 =	vmul.f32 $5.656854150e+00, v32;
	[tilespmem:v60+s19+$0x0] =	vst.idx.msk $0xffff, v42  }
0x125: {  	v62 =	vor.u32 v14, v28;
	v46 =	vor.u32 v10, v17;
	v39 =	vld.idx.msk [tilespmem:v61+s15+$0x0], $0xffff;
	[tilespmem:v27+s19+$0x0] =	vst.idx.msk $0xffff, v36  }
0x126: {  	v27 =	vor.u32 v57, v56;
	v59 =	vmul.f32 $5.656854150e+00, v63;
	[tilespmem:v53+s19+$0x0] =	vst.idx.msk $0xffff, v32;
	v60 =	vld.idx.msk [tilespmem:v25+s15+$0x0], $0xffff  }
0x127: {  	v58 =	vor.u32 v8, v19;
	v42 =	vor.u32 v1, v27;
	v40 =	vmul.f32 $5.656854150e+00, v40;
	v31 =	vld.idx.msk [tilespmem:v31+s15+$0x0], $0xffff  }
0x128: {  	v61 =	vor.u32 v11, v21;
	v53 =	vor.u32 v6, v18;
	v34 =	vmul.f32 $5.656854150e+00, v34;
	[tilespmem:v35+s19+$0x0] =	vst.idx.msk $0xffff, v59  }
0x129: {  	v56 =	vor.u32 v4, v22;
	v63 =	vor.u32 v5, v23;
	[tilespmem:v54+s19+$0x0] =	vst.idx.msk $0xffff, v40;
	v36 =	vld.idx.msk [tilespmem:v52+s15+$0x0], $0xffff  }
0x12a: {  	[tilespmem:v55+s19+$0x0] =	vst.idx.msk $0xffff, v34;
	v54 =	vld.idx.msk [tilespmem:v48+s15+$0x0], $0xffff;
	v55 =	vor.u32 v7, v20;
	v39 =	vmul.f32 $5.656854150e+00, v39  }
0x12b: {  	v57 =	vor.u32 v9, v19;
	v32 =	vor.u32 v5, v27;
	v37 =	vld.idx.msk [tilespmem:v37+s15+$0x0], $0xffff;
	v38 =	vmul.f32 $5.656854150e+00, v60  }
0x12c: {  	s31 =	simm.s32 $0x1C;
	v25 =	vshll.u32 v47, $0x5;
	v42 =	vld.idx.msk [tilespmem:v42+s15+$0x0], $0xffff;
	v31 =	vmul.f32 $5.656854150e+00, v31;
	v60 =	vor.u32 v12, v21;
	[tilespmem:v58+s19+$0x0] =	vst.idx.msk $0xffff, v39  }
0x12d: {  	v59 =	vmov s31;
	v58 =	vor.u32 v2, v25;
	v35 =	vld.idx.msk [tilespmem:v61+s15+$0x0], $0xffff;
	[tilespmem:v29+s19+$0x0] =	vst.idx.msk $0xffff, v38;
	v29 =	vor.u32 s31, v0  }
0x12e: {  	v36 =	vmul.f32 $5.656854150e+00, v36;
	[tilespmem:v53+s19+$0x0] =	vst.idx.msk $0xffff, v31;
	v31 =	vor.u32 v3, v27;
	v61 =	vshll.u32 v59, $0x3  }
0x12f: {  	v34 =	vmul.f32 $5.656854150e+00, v54;
	v51 =	vld.idx.msk [tilespmem:v55+s15+$0x0], $0xffff;
	v29 =	vand.u32 $0x7F, v29;
	v38 =	vand.u32 $0xC00, v61  }
0x130: {  	v54 =	vor.u32 v8, v18;
	v37 =	vmul.f32 $5.656854150e+00, v37;
	[tilespmem:v62+s19+$0x0] =	vst.idx.msk $0xffff, v36;
	v29 =	vor.u32 v38, v29  }
0x131: {  	v62 =	vmul.f32 $5.656854150e+00, v42;
	[tilespmem:v56+s19+$0x0] =	vst.idx.msk $0xffff, v34;
	v52 =	vld.idx.msk [tilespmem:v30+s15+$0x0], $0xffff;
	v53 =	vor.u32 v1, v29  }
0x132: {  	v40 =	vor.u32 v11, v20;
	v41 =	vld.idx.msk [tilespmem:v63+s15+$0x0], $0xffff;
	[tilespmem:v46+s19+$0x0] =	vst.idx.msk $0xffff, v37;
	v35 =	vmul.f32 $5.656854150e+00, v35  }
0x133: {  	v45 =	vor.u32 v4, v25;
	v30 =	vor.u32 v16, v28;
	[tilespmem:v58+s19+$0x0] =	vst.idx.msk $0xffff, v62;
	v34 =	vld.idx.msk [tilespmem:v44+s15+$0x0], $0xffff  }
0x134: {  	v38 =	vor.u32 v12, v20;
	v28 =	vshll.u32 v59, $0x5;
	v44 =	vld.idx.msk [tilespmem:v31+s15+$0x0], $0xffff;
	v63 =	vmul.f32 $5.656854150e+00, v51;
	[tilespmem:v57+s19+$0x0] =	vst.idx.msk $0xffff, v35  }
0x135: {  	v42 =	vor.u32 v7, v23;
	v37 =	vor.u32 v13, v21;
	v35 =	vor.u32 v14, v17;
	v39 =	vld.idx.msk [tilespmem:v60+s15+$0x0], $0xffff  }
0x136: {  	s28 =	simm.s32 $0x24;
	s26 =	simm.s32 $0x6;
	v31 =	vor.u32 v10, v28;
	v46 =	vld.idx.msk [tilespmem:v53+s15+$0x0], $0xffff;
	[tilespmem:v54+s19+$0x0] =	vst.idx.msk $0xffff, v63;
	v36 =	vmul.f32 $5.656854150e+00, v52  }
.LBB2_6:
0x137: {  	s29 =	sadd.s32 $0xFFFFFFFC, s28;
	s26 =	sadd.s32 $0x2, s26;
	v47 =	vor.u32 v2, v28;
	v40 =	vld.idx.msk [tilespmem:v40+s15+$0x0], $0xffff;
	v48 =	vor.u32 v9, v18;
	v41 =	vmul.f32 $5.656854150e+00, v41;
	v49 =	vmovc v27  }
0x138: {  	v51 =	vor.u32 v3, v29;
	v27 =	vmul.f32 $5.656854150e+00, v34;
	v50 =	vmov s29;
	p1 =	slt.u32 s26, $0x7E;
	[tilespmem:v30+s19+$0x0] =	vst.idx.msk $0xffff, v36  }
0x139: {  	v30 =	vor.u32 s29, v0;
	v36 =	vmul.f32 $5.656854150e+00, v44;
	v34 =	vshll.u32 v50, $0x3;
	[tilespmem:v43+s19+$0x0] =	vst.idx.msk $0xffff, v41  }
0x13a: {  	v30 =	vand.u32 $0x7B, v30;
	v34 =	vand.u32 $0xC00, v34;
	v41 =	vld.idx.msk [tilespmem:v42+s15+$0x0], $0xffff;
	v42 =	vor.u32 v8, v22;
	[tilespmem:v35+s19+$0x0] =	vst.idx.msk $0xffff, v27  }
0x13b: {  	v27 =	vor.u32 v34, v30;
	v34 =	vshll.u32 v50, $0x5;
	[tilespmem:v45+s19+$0x0] =	vst.idx.msk $0xffff, v36;
	v33 =	vld.idx.msk [tilespmem:v33+s15+$0x0], $0xffff;
	v30 =	vmul.f32 $5.656854150e+00, v39  }
0x13c: {  	v39 =	vmul.f32 $5.656854150e+00, v46;
	v35 =	vor.u32 v1, v27;
	v36 =	vld.idx.msk [tilespmem:v32+s15+$0x0], $0xffff;
	v32 =	vor.u32 v5, v27  }
0x13d: {  	v43 =	vor.u32 v11, v23;
	v40 =	vmul.f32 $5.656854150e+00, v40;
	[tilespmem:v26+s19+$0x0] =	vst.idx.msk $0xffff, v30;
	v30 =	vor.u32 v16, v19  }
0x13e: {  	v26 =	vor.u32 v16, v17;
	[tilespmem:v47+s19+$0x0] =	vst.idx.msk $0xffff, v39;
	v37 =	vld.idx.msk [tilespmem:v37+s15+$0x0], $0xffff;
	v39 =	vor.u32 v14, v19  }
0x13f: {  	v19 =	vor.u32 v6, v25;
	v44 =	vld.idx.msk [tilespmem:v51+s15+$0x0], $0xffff;
	[tilespmem:v48+s19+$0x0] =	vst.idx.msk $0xffff, v40;
	v40 =	vor.u32 v15, v21  }
0x140: {  	v45 =	vor.u32 v13, v20;
	v17 =	vmovc v18;
	v21 =	vor.u32 v7, v49;
	v41 =	vmul.f32 $5.656854150e+00, v41;
	v38 =	vld.idx.msk [tilespmem:v38+s15+$0x0], $0xffff  }
0x141: {  	v46 =	vor.u32 v4, v28;
	v18 =	vmovc v25;
	v47 =	vor.u32 v10, v17;
	v33 =	vmul.f32 $5.656854150e+00, v33;
	v35 =	vld.idx.msk [tilespmem:v35+s15+$0x0], $0xffff  }
0x142: {  	v48 =	vor.u32 v9, v22;
	v51 =	vmul.f32 $5.656854150e+00, v36;
	v36 =	vor.u32 v5, v29;
	[tilespmem:v42+s19+$0x0] =	vst.idx.msk $0xffff, v41  }
0x143: {  	v50 =	vor.u32 v12, v23;
	v42 =	vor.u32 v2, v34;
	v41 =	vmov s28;
	v43 =	vld.idx.msk [tilespmem:v43+s15+$0x0], $0xffff;
	[tilespmem:v26+s19+$0x0] =	vst.idx.msk $0xffff, v33  }
0x144: {  	v25 =	vmovc v34;
	v26 =	vor.u32 s28, v0;
	v33 =	vshll.u32 v41, $0x5;
	v37 =	vmul.f32 $5.656854150e+00, v37;
	[tilespmem:v19+s19+$0x0] =	vst.idx.msk $0xffff, v51;
	v19 =	vmovc v22  }
0x145: {  	v34 =	vshll.u32 v41, $0x3;
	v51 =	vor.u32 v3, v27;
	v41 =	vmul.f32 $5.656854150e+00, v44;
	v22 =	vmovc v28;
	v28 =	vmovc v33;
	v52 =	vld.idx.msk [tilespmem:v21+s15+$0x0], $0xffff  }
0x146: {  	v44 =	vand.u32 $0x7F, v26;
	v33 =	vand.u32 $0xC00, v34;
	v34 =	vmul.f32 $5.656854150e+00, v38;
	v21 =	vmovc v23;
	v23 =	vmovc v29;
	[tilespmem:v39+s19+$0x0] =	vst.idx.msk $0xffff, v37  }
0x147: {  	v29 =	vor.u32 v33, v44;
	v35 =	vmul.f32 $5.656854150e+00, v35;
	v26 =	vmov v24;
	[tilespmem:v46+s19+$0x0] =	vst.idx.msk $0xffff, v41;
	v53 =	vld.idx.msk [tilespmem:v40+s15+$0x0], $0xffff  }
0x148: {  	v54 =	vor.u32 v8, v18;
	v46 =	vor.u32 v1, v29;
	v41 =	vld.idx.msk [tilespmem:v36+s15+$0x0], $0xffff;
	[tilespmem:v47+s19+$0x0] =	vst.idx.msk $0xffff, v34  }
.Ltmp6:
0x149: {  	v24 =	vmov v31;
	v40 =	vor.u32 v11, v49;
	[tilespmem:v42+s19+$0x0] =	vst.idx.msk $0xffff, v35;
	v34 =	vld.idx.msk [tilespmem:v45+s15+$0x0], $0xffff;
	v35 =	vmul.f32 $5.656854150e+00, v43;
	(pc) =	sbr.rel @p1 .LBB2_6-.Ltmp6, $4  }
0x14a: {  	v31 =	vor.u32 v10, v28;
	v43 =	vor.u32 v6, v22;
	v44 =	vld.idx.msk [tilespmem:v51+s15+$0x0], $0xffff  }
0x14b: {  	v33 =	vor.u32 v15, v20;
	v42 =	vor.u32 v7, v23;
	v36 =	vmul.f32 $5.656854150e+00, v52;
	[tilespmem:v48+s19+$0x0] =	vst.idx.msk $0xffff, v35  }
0x14c: {  	v38 =	vor.u32 v12, v49;
	v37 =	vor.u32 v13, v21;
	v35 =	vor.u32 v14, v17;
	v39 =	vld.idx.msk [tilespmem:v50+s15+$0x0], $0xffff  }
0x14d: {  	s28 =	sadd.s32 $0x8, s28;
	v20 =	vmov v49;
	v45 =	vor.u32 v4, v25;
	v46 =	vld.idx.msk [tilespmem:v46+s15+$0x0], $0xffff;
	[tilespmem:v54+s19+$0x0] =	vst.idx.msk $0xffff, v36;
	v36 =	vmul.f32 $5.656854150e+00, v53  }
0x14e: {  	_ = 	snop  }
0x14f: {  	v47 =	vor.u32 v2, v28  }
0x150: {  	v48 =	vor.u32 v3, v29;
	_ =	sdelay $0x1  }
0x151: {  	v46 =	vmul.f32 $5.656854150e+00, v46;
	_ =	sdelay $0x1  }
0x152: {  	[tilespmem:v47+s19+$0x0] =	vst.idx.msk $0xffff, v46  }
0x153: {  	v46 =	vld.idx.msk [tilespmem:v48+s15+$0x0], $0xffff;
	_ =	sdelay $0x1  }
0x154: {  	v63 =	vor.u32 v4, v28  }
0x155: {  	v52 =	vor.u32 v5, v29  }
0x156: {  	v44 =	vmul.f32 $5.656854150e+00, v44  }
0x157: {  	v46 =	vmul.f32 $5.656854150e+00, v46  }
0x158: {  	[tilespmem:v45+s19+$0x0] =	vst.idx.msk $0xffff, v44  }
0x159: {  	v32 =	vld.idx.msk [tilespmem:v32+s15+$0x0], $0xffff;
	[tilespmem:v63+s19+$0x0] =	vst.idx.msk $0xffff, v46  }
0x15a: {  	v53 =	vld.idx.msk [tilespmem:v52+s15+$0x0], $0xffff  }
0x15b: {  	v54 =	vor.u32 v6, v25  }
0x15c: {  	v55 =	vor.u32 v7, v27;
	v56 =	vor.u32 v6, v28  }
0x15d: {  	v41 =	vmul.f32 $5.656854150e+00, v41;
	v57 =	vor.u32 v7, v29  }
0x15e: {  	v32 =	vmul.f32 $5.656854150e+00, v32  }
0x15f: {  	[tilespmem:v43+s19+$0x0] =	vst.idx.msk $0xffff, v41;
	v58 =	vmul.f32 $5.656854150e+00, v53  }
0x160: {  	v42 =	vld.idx.msk [tilespmem:v42+s15+$0x0], $0xffff;
	[tilespmem:v54+s19+$0x0] =	vst.idx.msk $0xffff, v32  }
0x161: {  	v32 =	vld.idx.msk [tilespmem:v55+s15+$0x0], $0xffff;
	[tilespmem:v56+s19+$0x0] =	vst.idx.msk $0xffff, v58  }
0x162: {  	v59 =	vor.u32 v8, v22;
	v60 =	vld.idx.msk [tilespmem:v57+s15+$0x0], $0xffff  }
0x163: {  	v61 =	vor.u32 v11, v23;
	v62 =	vor.u32 v8, v25  }
0x164: {  	v63 =	vor.u32 v11, v27;
	v52 =	vor.u32 v8, v28  }
0x165: {  	v42 =	vmul.f32 $5.656854150e+00, v42;
	v53 =	vor.u32 v11, v29  }
0x166: {  	v32 =	vmul.f32 $5.656854150e+00, v32  }
0x167: {  	v40 =	vld.idx.msk [tilespmem:v40+s15+$0x0], $0xffff;
	[tilespmem:v59+s19+$0x0] =	vst.idx.msk $0xffff, v42;
	v54 =	vmul.f32 $5.656854150e+00, v60  }
0x168: {  	v42 =	vld.idx.msk [tilespmem:v61+s15+$0x0], $0xffff;
	[tilespmem:v62+s19+$0x0] =	vst.idx.msk $0xffff, v32  }
0x169: {  	v55 =	vor.u32 v9, v18;
	v56 =	vld.idx.msk [tilespmem:v63+s15+$0x0], $0xffff;
	[tilespmem:v52+s19+$0x0] =	vst.idx.msk $0xffff, v54  }
0x16a: {  	v57 =	vor.u32 v9, v22;
	v58 =	vld.idx.msk [tilespmem:v53+s15+$0x0], $0xffff  }
0x16b: {  	v59 =	vor.u32 v12, v23;
	v60 =	vor.u32 v9, v25  }
0x16c: {  	v40 =	vmul.f32 $5.656854150e+00, v40;
	v61 =	vor.u32 v12, v27;
	v62 =	vor.u32 v9, v28  }
0x16d: {  	v49 =	vor.u32 v12, v29;
	v42 =	vmul.f32 $5.656854150e+00, v42  }
0x16e: {  	[tilespmem:v55+s19+$0x0] =	vst.idx.msk $0xffff, v40;
	v63 =	vmul.f32 $5.656854150e+00, v56  }
0x16f: {  	v38 =	vld.idx.msk [tilespmem:v38+s15+$0x0], $0xffff;
	[tilespmem:v57+s19+$0x0] =	vst.idx.msk $0xffff, v42;
	v50 =	vmul.f32 $5.656854150e+00, v58  }
0x170: {  	v41 =	vld.idx.msk [tilespmem:v59+s15+$0x0], $0xffff;
	[tilespmem:v60+s19+$0x0] =	vst.idx.msk $0xffff, v63  }
0x171: {  	v51 =	vor.u32 v10, v18;
	v52 =	vld.idx.msk [tilespmem:v61+s15+$0x0], $0xffff;
	[tilespmem:v62+s19+$0x0] =	vst.idx.msk $0xffff, v50  }
0x172: {  	v53 =	vor.u32 v13, v20;
	v54 =	vld.idx.msk [tilespmem:v49+s15+$0x0], $0xffff  }
0x173: {  	v39 =	vmul.f32 $5.656854150e+00, v39;
	v55 =	vor.u32 v13, v23;
	v56 =	vor.u32 v10, v25  }
0x174: {  	v38 =	vmul.f32 $5.656854150e+00, v38;
	v57 =	vor.u32 v13, v27  }
0x175: {  	[tilespmem:v26+s19+$0x0] =	vst.idx.msk $0xffff, v39;
	v59 =	vor.u32 v13, v29;
	v58 =	vmul.f32 $5.656854150e+00, v41  }
0x176: {  	v37 =	vld.idx.msk [tilespmem:v37+s15+$0x0], $0xffff;
	[tilespmem:v51+s19+$0x0] =	vst.idx.msk $0xffff, v38;
	v60 =	vmul.f32 $5.656854150e+00, v52  }
0x177: {  	v38 =	vld.idx.msk [tilespmem:v53+s15+$0x0], $0xffff;
	[tilespmem:v24+s19+$0x0] =	vst.idx.msk $0xffff, v58;
	v61 =	vmul.f32 $5.656854150e+00, v54  }
0x178: {  	v62 =	vor.u32 v14, v19;
	v63 =	vld.idx.msk [tilespmem:v55+s15+$0x0], $0xffff;
	[tilespmem:v56+s19+$0x0] =	vst.idx.msk $0xffff, v60  }
0x179: {  	v21 =	vor.u32 v15, v21;
	v44 =	vor.u32 v14, v18;
	v45 =	vld.idx.msk [tilespmem:v57+s15+$0x0], $0xffff;
	[tilespmem:v31+s19+$0x0] =	vst.idx.msk $0xffff, v61  }
0x17a: {  	v47 =	vor.u32 v15, v20;
	v48 =	vor.u32 v14, v22;
	v46 =	vmul.f32 $5.656854150e+00, v34;
	v49 =	vld.idx.msk [tilespmem:v59+s15+$0x0], $0xffff  }
0x17b: {  	v37 =	vmul.f32 $5.656854150e+00, v37;
	v51 =	vor.u32 v14, v25;
	v50 =	vor.u32 v15, v23  }
0x17c: {  	[tilespmem:v35+s19+$0x0] =	vst.idx.msk $0xffff, v46;
	v53 =	vor.u32 v15, v27;
	v52 =	vmul.f32 $5.656854150e+00, v38;
	v54 =	vor.u32 v14, v28  }
0x17d: {  	v33 =	vld.idx.msk [tilespmem:v33+s15+$0x0], $0xffff;
	v56 =	vor.u32 v15, v29;
	[tilespmem:v62+s19+$0x0] =	vst.idx.msk $0xffff, v37;
	v55 =	vmul.f32 $5.656854150e+00, v63  }
0x17e: {  	[tilespmem:v44+s19+$0x0] =	vst.idx.msk $0xffff, v52;
	v21 =	vld.idx.msk [tilespmem:v21+s15+$0x0], $0xffff;
	v57 =	vmul.f32 $5.656854150e+00, v45  }
0x17f: {  	v17 =	vor.u32 v16, v17;
	v20 =	vld.idx.msk [tilespmem:v47+s15+$0x0], $0xffff;
	[tilespmem:v48+s19+$0x0] =	vst.idx.msk $0xffff, v55;
	v58 =	vmul.f32 $5.656854150e+00, v49  }
0x180: {  	v19 =	vor.u32 v16, v19;
	v23 =	vld.idx.msk [tilespmem:v50+s15+$0x0], $0xffff;
	[tilespmem:v51+s19+$0x0] =	vst.idx.msk $0xffff, v57  }
0x181: {  	v18 =	vor.u32 v16, v18;
	v24 =	vld.idx.msk [tilespmem:v53+s15+$0x0], $0xffff;
	[tilespmem:v54+s19+$0x0] =	vst.idx.msk $0xffff, v58  }
0x182: {  	v60 =	vor.u32 v16, v22;
	v59 =	vmul.f32 $5.656854150e+00, v33;
	v61 =	vld.idx.msk [tilespmem:v56+s15+$0x0], $0xffff  }
0x183: {  	[tilespmem:v30+s19+$0x0] =	vst.idx.msk $0xffff, v36;
	v62 =	vor.u32 v16, v25;
	v21 =	vmul.f32 $5.656854150e+00, v21  }
0x184: {  	v63 =	vor.u32 v16, v28;
	[tilespmem:v17+s19+$0x0] =	vst.idx.msk $0xffff, v59;
	v17 =	vmul.f32 $5.656854150e+00, v20  }
0x185: {  	[tilespmem:v19+s19+$0x0] =	vst.idx.msk $0xffff, v21;
	v19 =	vmul.f32 $5.656854150e+00, v23  }
.Ltmp7:
0x186: {  	[tilespmem:v18+s19+$0x0] =	vst.idx.msk $0xffff, v17;
	v17 =	vmul.f32 $5.656854150e+00, v24;
	(pc) =	sbr.rel .LBB2_8-.Ltmp7, $4  }
0x187: {  	[tilespmem:v60+s19+$0x0] =	vst.idx.msk $0xffff, v19;
	v18 =	vmul.f32 $5.656854150e+00, v61  }
0x188: {  	s26 =	sshll.u32 s25, $0xB;
	[tilespmem:v62+s19+$0x0] =	vst.idx.msk $0xffff, v17  }
0x189: {  	s26 =	sadd.s32 s5, s26;
	[tilespmem:v63+s19+$0x0] =	vst.idx.msk $0xffff, v18  }
0x18a: {  	[hbm4b:s26+s2] =	stream.linear.scatter [tilespmem:s19], [sflag:$0x4], $0x4000, $0x38;
	[tilespmem:$0x10000] =	vst v63  }
.LBB2_10:
0x18b: {  	_ =	sfence.sel $0x180000  }
0x18c: {  	[bflag:$0x0] =	sbarrier.arrive $0xFFFF  }
0x18d: {  	p0 =	sne.s32 s1, $0x0;
	_ =	strace $0x90000047  }
0x18e: {  	s0 =	sadd.s32 @!p0 $0x100000, s0;
	[bflag:$0x2] =	sbarrier.arrive $0xFFFF  }
0x18f: {  	[sflag:s0] =	ssyncadd.tile.s32 @!p0 $0x1;
	_ =	shalt  }
.Lfunc_end2:
_tile_overlayer_lowered:
.L_overlay_start_2:
0x190: {  	(tag) =	ssettag $0x2  }
0x191: {  	s0 =	rddreg [dreg:$0x0];
	s2 =	stileid.u32  }
0x192: {  	s1 =	rddreg [dreg:$0x1];
	p0 =	sne.s32 s2, $0x0  }
0x193: {  	s3 =	rddreg [dreg:$0x2];
	[bflag:$0x3] =	sbarrier.arrive $0xFFFF;
	s2 =	simm.s32 @!p0 $0x1C05  }
0x194: {  	[timem:s3], [sflag:s2] =	dma.local @!p0 [hbm:s0], s1  }
0x195: {  	s0 =	simm.s32 @!p0 $0x5  }
0x196: {  	_ =	swait.ge @!p0 [sflag:s0], s1  }
0x197: {  	s1 =	ssub.s32 @!p0 $0x0, s1;
	[sflag:s0] =	ssyncset.done @!p0 $0x0  }
0x198: {  	[sflag:s0] =	ssyncadd.s32 @!p0 s1  }
0x199: {  	[bflag:$0x3] =	sbarrier.arrive $0xFFFF  }
0x19a: {  	_ =	shalt  }

// kernel: kernel.7.cloned.1.call-start
scs
__scs_entry_jumppad:
0x0: {  	(pc) =	sbr.rel $0x88, $3  }
0x1: {  	(tag) =	ssettag $0x0;
	lr =	simm.s32 $0x1  }
0x2: {  	[smem:$0x3F9F] =	sst lr;
	_ =	strace $0xD0000000  }
0x3: {  	_ = 	snop  }
0x4: {  	_ = 	snop  }
0x5: {  	_ = 	snop  }
0x6: {  	_ = 	snop  }
0x7: {  	_ = 	snop  }
__scs_overlays_trampoline_lowered:
0x8: {  	[smem:$0x3FAE] =	sst s0  }
0x9: {  	[smem:$0x3FAF] =	sst s1  }
0xa: {  	[smem:$0x3FB0] =	sst s2  }
0xb: {  	[smem:$0x3FB1] =	sst s3  }
0xc: {  	[smem:$0x3FB2] =	sst s4  }
0xd: {  	[smem:$0x3FB3] =	sst s5  }
0xe: {  	[smem:$0x3FB4] =	sst s6  }
0xf: {  	[smem:$0x3FB5] =	sst s7  }
0x10: {  	[smem:$0x3FB6] =	sst s8  }
0x11: {  	[smem:$0x3FB7] =	sst s9;
	s0 =	simm.s32 @!p0 $0x0  }
0x12: {  	s1 =	sld [smem:$0x3F9D];
	s0 =	simm.s32 @p0 $0x1  }
0x13: {  	[smem:$0x3FB8] =	sst s0;
	s0 =	simm.s32 @!p1 $0x0  }
0x14: {  	s2 =	sld [smem:$0x3F9C];
	s0 =	simm.s32 @p1 $0x1  }
0x15: {  	[smem:$0x3FB9] =	sst s0;
	s0 =	simm.s32 @!p2 $0x0  }
0x16: {  	s3 =	sld [smem:$0x3FDB];
	s0 =	simm.s32 @p2 $0x1  }
0x17: {  	s4 =	simm.s32 $0x1BF5;
	[smem:$0x3FBB] =	sst s0  }
0x18: {  	s0 =	sld [smem:$0x3F9E];
	_ =	swait.ge [sflag:s4], $0x0  }
0x19: {  	s7 =	sld [smem:$0x3F9F]  }
0x1a: {  	s8 =	sadd.s32 $0xFFFFE003, lr  }
0x1b: {  	s9 =	sadd.s32 $0xFFFFFEF7, lr;
	s5 =	simm.s32 $0xFFFFFFFF;
	p2 =	slt.u32 s8, $0xFFFFF086  }
0x1c: {  	p1 =	slt.u32 s9, $0xF7A;
	s5 =	simm.s32 @!p2 $0x0  }
0x1d: {  	s5 =	simm.s32 @p1 $0x1;
	p0 =	seq.s32 s7, s2  }
0x1e: {  	s7 =	smul.u32 @!p0 $0xF7A, s2;
	p2 =	seq.s32 @!p0 s5, $0x0  }
0x1f: {  	s9 =	smul.u32 $0xF7A, s1;
	s8 =	simm.s32 @!p0 $0x1BF5;
	p2 =	por !p2, p0  }
0x20: {  	[sflag:s8] =	ssyncset.s32 @!p0 $0xFFFFF086;
	s6 =	sadd.s32 @!p0 s3, s7;
	s7 =	simm.s32 @!p0 $0x108  }
0x21: {  	s3 =	sadd.s32 s3, s9;
	s6 =	sadd.s32 @!p0 $0x88, s6;
	s7 =	simm.s32 @p2 $0x1082  }
0x22: {  	[simem:s7], [sflag:s8] =	dma.local @!p0 [hbm:s6], $0xF7A  }
0x23: {  	s9 =	sor.u32 $0xD0000000, s2;
	s6 =	simm.s32 $0x108;
	_ =	swait.ge @!p0 [sflag:s8], $0x0  }
0x24: {  	s3 =	sadd.s32 $0x88, s3;
	s6 =	simm.s32 @!p1 $0x1082;
	[sflag:s4] =	ssyncset.s32 $0xFFFFF086  }
0x25: {  	[simem:s6], [sflag:s4] =	dma.local [hbm:s3], $0xF7A  }
0x26: {  	[smem:$0x3F9F] =	sst s1;
	(tag) =	ssettag s2;
	_ =	strace s9  }
0x27: {  	s1 =	sld [smem:$0x3FAF]  }
0x28: {  	s2 =	sld [smem:$0x3FB0]  }
0x29: {  	s4 =	sld [smem:$0x3FB2]  }
0x2a: {  	p0 =	seq.s32 s5, $0x0;
	s5 =	sld [smem:$0x3FB3]  }
0x2b: {  	s6 =	sld [smem:$0x3FB4]  }
0x2c: {  	s7 =	sld [smem:$0x3FB5]  }
0x2d: {  	s3 =	simm.s32 $0x108;
	s8 =	sld [smem:$0x3FB6]  }
0x2e: {  	s3 =	simm.s32 @!p0 $0x1082;
	s9 =	sld [smem:$0x3FB7]  }
0x2f: {  	lr =	sadd.s32 s0, s3;
	s0 =	sld [smem:$0x3FAE]  }
0x30: {  	s3 =	sld [smem:$0x3FB1]  }
0x31: {  	[smem:$0x3FBA] =	sst s10  }
0x32: {  	s10 =	sld [smem:$0x3FB8];
	_ =	sdelay $0x3  }
0x33: {  	p0 =	seq.s32 s10, $0x1;
	s10 =	sld [smem:$0x3FBA];
	_ =	sdelay $0x3  }
0x34: {  	[smem:$0x3FBA] =	sst s10  }
0x35: {  	s10 =	sld [smem:$0x3FB9];
	_ =	sdelay $0x3  }
0x36: {  	p1 =	seq.s32 s10, $0x1;
	s10 =	sld [smem:$0x3FBA];
	_ =	sdelay $0x3  }
0x37: {  	[smem:$0x3FBA] =	sst s10  }
0x38: {  	s10 =	sld [smem:$0x3FBB]  }
0x39: {  	_ = 	snop;
	(pc) =	sbr.ind lr, $3  }
0x3a: {  	_ = 	snop  }
0x3b: {  	_ = 	snop  }
0x3c: {  	p2 =	seq.s32 s10, $0x1;
	s10 =	sld [smem:$0x3FBA]  }
0x3d: {  	_ =	shalt  }
0x3e: {  	_ =	shalt  }
0x3f: {  	_ =	shalt  }
0x40: {  	_ =	shalt  }
0x41: {  	_ =	shalt  }
0x42: {  	_ =	shalt  }
0x43: {  	_ =	shalt  }
0x44: {  	_ =	shalt  }
0x45: {  	_ =	shalt  }
0x46: {  	_ =	shalt  }
0x47: {  	_ =	shalt  }
0x48: {  	_ =	shalt  }
0x49: {  	_ =	shalt  }
0x4a: {  	_ =	shalt  }
0x4b: {  	_ =	shalt  }
0x4c: {  	_ =	shalt  }
0x4d: {  	_ =	shalt  }
0x4e: {  	_ =	shalt  }
0x4f: {  	_ =	shalt  }
0x50: {  	_ =	shalt  }
0x51: {  	_ =	shalt  }
0x52: {  	_ =	shalt  }
0x53: {  	_ =	shalt  }
0x54: {  	_ =	shalt  }
0x55: {  	_ =	shalt  }
0x56: {  	_ =	shalt  }
0x57: {  	_ =	shalt  }
0x58: {  	_ =	shalt  }
0x59: {  	_ =	shalt  }
0x5a: {  	_ =	shalt  }
0x5b: {  	_ =	shalt  }
0x5c: {  	_ =	shalt  }
0x5d: {  	_ =	shalt  }
0x5e: {  	_ =	shalt  }
0x5f: {  	_ =	shalt  }
0x60: {  	_ =	shalt  }
0x61: {  	_ =	shalt  }
0x62: {  	_ =	shalt  }
0x63: {  	_ =	shalt  }
0x64: {  	_ =	shalt  }
0x65: {  	_ =	shalt  }
0x66: {  	_ =	shalt  }
0x67: {  	_ =	shalt  }
0x68: {  	_ =	shalt  }
0x69: {  	_ =	shalt  }
0x6a: {  	_ =	shalt  }
0x6b: {  	_ =	shalt  }
0x6c: {  	_ =	shalt  }
0x6d: {  	_ =	shalt  }
0x6e: {  	_ =	shalt  }
0x6f: {  	_ =	shalt  }
0x70: {  	_ =	shalt  }
0x71: {  	_ =	shalt  }
0x72: {  	_ =	shalt  }
0x73: {  	_ =	shalt  }
0x74: {  	_ =	shalt  }
0x75: {  	_ =	shalt  }
0x76: {  	_ =	shalt  }
0x77: {  	_ =	shalt  }
0x78: {  	_ =	shalt  }
0x79: {  	_ =	shalt  }
0x7a: {  	_ =	shalt  }
0x7b: {  	_ =	shalt  }
0x7c: {  	_ =	shalt  }
0x7d: {  	_ =	shalt  }
0x7e: {  	_ =	shalt  }
0x7f: {  	_ =	shalt  }
0x80: {  	_ =	shalt  }
0x81: {  	_ =	shalt  }
0x82: {  	_ =	shalt  }
0x83: {  	_ =	shalt  }
0x84: {  	_ =	shalt  }
0x85: {  	_ =	shalt  }
0x86: {  	_ =	shalt  }
0x87: {  	_ =	shalt  }
.Lfunc_end0:
.L_simem_size_0:
called_computation.1_lowered:
.L_overlay_start_0:
0x88: {  	s2 =	sld [smem:$0x3FD9]  }
0x89: {  	s3 =	sld [smem:$0x3FFE];
	_ =	sdelay $0x1  }
0x8a: {  	s1 =	srdreg.scid  }
0x8b: {  	s0 =	sand.u32 $0x1, s1  }
0x8c: {  	s17 =	sshll.u32 s0, $0xA;
	s2 =	sadd.s32 s3, s2  }
0x8d: {  	s2 =	sadd.s32 s2, s17  }
0x8e: {  	[smem:$0x3FC6] =	sst s2  }
0x8f: {  	_ = 	snop  }
0x90: {  	s2 =	sld [smem:$0x3FD0];
	(tm) =	ssettm $0x1  }
0x91: {  	s18 =	sld [smem:$0x3FFB];
	_ =	sdelay $0x3  }
0x92: {  	_ =	strace s18  }
0x93: {  	s3 =	sld [smem:$0x3FFC];
	_ =	sdelay $0x3  }
0x94: {  	_ =	strace s3  }
0x95: {  	s3 =	sld [smem:$0x3FFD];
	_ =	sdelay $0x3  }
0x96: {  	_ =	strace s3  }
0x97: {  	_ =	strace $0x8FFFFFFF  }
0x98: {  	s19 =	sld [smem:$0x3FDB];
	_ =	sdelay $0x1  }
0x99: {  	s4 =	simm.s32 $_scs_section_size  }
0x9a: {  	s5 =	simm.s32 $_size__tile_overlayer_lowered;
	s6 =	simm.s32 $_tile_overlayer_lowered  }
0x9b: {  	s22 =	simm.s32 $0x1BFF;
	s21 =	sshll.u32 s6, $0x1;
	s3 =	sadd.s32 s4, s19  }
0x9c: {  	s7 =	simm.s32 $0x0;
	s20 =	sshll.u32 s5, $0x1;
	s5 =	sadd.s32 s21, s3  }
0x9d: {  	[timem:s7], [sflag:s22] =	dma.local [hbm:s5], s20  }
0x9e: {  	_ =	swait.ge [sflag:s22], s20  }
0x9f: {  	s4 =	ssub.s32 $0x0, s20;
	[sflag:s22] =	ssyncset.done $0x0  }
0xa0: {  	[sflag:s22] =	ssyncadd.s32 s4;
	_ =	sdelay $0x1  }
0xa1: {  	s23 =	simm.s32 $0x1B8B  }
0xa2: {  	_ =	swait.ge [sflag:s23], $0x1  }
0xa3: {  	[sflag:s23] =	ssyncset.done $0x0  }
0xa4: {  	s25 =	simm.s32 $0x1B8E;
	s24 =	sld [smem:$0x3FFE];
	[sflag:s23] =	ssyncadd.s32 $0xFFFFFFFF  }
0xa5: {  	s26 =	simm.s32 $execute0_lowered;
	[smem:$0x3FD2] =	sst s25  }
0xa6: {  	s5 =	sshll.u32 s26, $0x1;
	_ =	strace $0x80000049;
	[dreg:$0x1] =	wrdreg $0xFFFFFFFF  }
0xa7: {  	s28 =	simm.s32 $_size_execute0_lowered;
	s3 =	sadd.s32 s3, s5;
	[dreg:$0x0] =	wrdreg $0x0  }
0xa8: {  	s5 =	sshll.u32 s28, $0x1;
	[dreg:$0x2] =	wrdreg s3  }
0xa9: {  	[dreg:$0x3] =	wrdreg s5  }
0xaa: {  	[dreg:$0x4] =	wrdreg $0xC0  }
0xab: {  	_ =	task [dreg:s7], $0x5FFFF  }
0xac: {  	[dreg:$0x1] =	wrdreg $0xFFFFFFFF  }
0xad: {  	[dreg:$0x0] =	wrdreg $0x60  }
0xae: {  	[dreg:$0x2] =	wrdreg s2  }
0xaf: {  	[dreg:$0x3] =	wrdreg s24  }
0xb0: {  	[dreg:$0x4] =	wrdreg $0x9  }
0xb1: {  	_ =	task.clear_ibuf [dreg:s7], $0x5FFFF;
	_ =	strace $0x90000049  }
0xb2: {  	s29 =	simm.s32 $0x9;
	_ =	strace $0x8000004B  }
0xb3: {  	_ =	swait.ge [sflag:s29], $0x1  }
0xb4: {  	[sflag:s29] =	ssyncadd.s32 $0xFFFFFFFF  }
0xb5: {  	_ =	strace $0x9000004B  }
0xb6: {  	_ =	sfence  }
0xb7: {  	s30 =	sld [smem:$0x0];
	_ =	sdelay $0x2  }
0xb8: {  	s31 =	sshll.u32 s1, $0xD;
	s1 =	sshrl.u32 s1, $0x2  }
0xb9: {  	s3 =	sand.u32 $0x4000, s31;
	s1 =	sadd.s32 s1, s30  }
0xba: {  	s0 =	sor.u32 s3, s0;
	s1 =	sshll.u32 s1, $0x11  }
0xbb: {  	s0 =	sor.u32 s1, s0  }
0xbc: {  	s0 =	sadd.s32 $0x8F2B, s0  }
0xbd: {  	[sflag:s0] =	ssyncadd.remote.s32 $0x1  }
0xbe: {  	_ =	sfence.sel $0xFFFF  }
0xbf: {  	[dreg:$0x0] =	wrdreg $0xFFFFFFFF;
	(pc) =	sbr.abs _section_cstart, $3  }
0xc0: {  	[dreg:$0x1] =	wrdreg $0xFFFFFFFF  }
0xc1: {  	_ =	task.clear_ibuf [dreg:s7], $0x2FFFF;
	_ =	strace $0x9FFFFFFF  }
0xc2: {  	(tm) =	ssettm $0x7FFFFFFF  }
0xc3: {  	_ =	shalt  }
tec
execute0_lowered:
.L_overlay_start_1:
0x0: {  	(tag) =	ssettag $0x1  }
0x1: {  	s1 =	rddreg [dreg:$0x0]  }
0x2: {  	s0 =	rddreg [dreg:$0x1];
	s2 =	srdreg.scid;
	s3 =	simm.s32 $0x0  }
0x3: {  	s4 =	stileid.u32;
	s13 =	simm.s32 $0x80;
	s14 =	simm.s32 $0x1000  }
0x4: {  	s15 =	simm.s32 $0x5;
	s24 =	simm.s32 $0x280;
	s31 =	simm.s32 $0x400  }
0x5: {  	s16 =	simm.s32 $0x9500;
	s17 =	simm.s32 $0x1;
	s18 =	simm.s32 $0xA500  }
0x6: {  	s19 =	simm.s32 $0x2;
	s20 =	simm.s32 $0xFA00;
	s12 =	simm.s32 $0x0  }
0x7: {  	s2 =	sand.u32 $0x1, s2;
	[smem:$0x7FF] =	sst s3;
	s4 =	sshll.u32 s4, $0x8  }
0x8: {  	s6 =	sadd.s32 $0x3D1600, s0;
	s5 =	sshll.u32 s2, $0x7;
	_ =	strace $0x8000004A  }
0x9: {  	s2 =	ssub.s32 $0x2, s2;
	s4 =	sor.u32 s5, s4;
	s5 =	sadd.s32 $0xC00, s0  }
.Ltmp0:
0xa: {  	s7 =	sshrl.u32 s2, $0x1;
	s8 =	sshrl.u32 s4, $0x3;
	(pc) =	sbr.rel .LBB2_1-.Ltmp0, $4  }
0xb: {  	v0 =	vlaneseq.u32;
	s29 =	ssub.s32 s2, s7;
	s9 =	sor.u32 $0xA000, s4;
	s30 =	sadd.s32 s1, s8  }
0xc: {  	v0 =	vmul.u32 $0x88, v0;
	s10 =	sor.u32 $0xA0000, s4;
	s0 =	smax.u32 s29, $0x1;
	[dreg:$0x3] =	wrdreg s30  }
0xd: {  	s11 =	sor.u32 $0xF000, s4;
	s2 =	sadd.s32 $0xA00, s30;
	[dreg:$0x5] =	wrdreg s0  }
0xe: {  	v1 =	vadd.s32 $0x880, v0;
	s0 =	simm.s32 $0x8500;
	[dreg:$0x4] =	wrdreg s2;
	s2 =	simm.s32 $0x480  }
.LBB2_12:
0xf: {  	s7 =	simm.s32 $0x3  }
0x10: {  	_ =	swait.ge [sflag:s7], $0x5000  }
0x11: {  	[sflag:s7] =	ssyncset.done $0x0  }
0x12: {  	s8 =	simm.s32 $0x4;
	[sflag:s7] =	ssyncadd.s32 $0xFFFFB000  }
0x13: {  	_ =	swait.ge [sflag:s8], $0x5000  }
0x14: {  	s12 =	rddreg [dreg:$0x6]  }
0x15: {  	s30 =	rddreg [dreg:$0x5];
	s12 =	sadd.s32 $0x1, s12  }
0x16: {  	p0 =	sne.s32 s12, s30  }
.Ltmp1:
0x17: {  	_ = 	snop;
	(pc) =	sbr.rel @!p0 .LBB2_13-.Ltmp1, $3  }
0x18: {  	_ =	sdelay $0x1  }
0x19: {  	[sflag:s8] =	ssyncset.done $0x0  }
0x1a: {  	[sflag:s8] =	ssyncadd.s32 $0xFFFFB000  }
.LBB2_1:
0x1b: {  	[dreg:$0x6] =	wrdreg s12  }
0x1c: {  	s7 =	rddreg [dreg:$0x3]  }
0x1d: {  	[tilespmem:s3], [sflag:$0x5] =	stream.strided.gather [hbm4b:s7+s13], $0x280, s14, s13, $0x38;
	[tilespmem:$0x14F00] =	vst v63  }
0x1e: {  	_ =	swait.ge [sflag:s15], $0x280  }
0x1f: {  	[sflag:s15] =	ssyncset.done $0x0  }
0x20: {  	s28 =	simm.s32 $0x500;
	[sflag:s15] =	ssyncadd.s32 $0xFFFFFD80  }
0x21: {  	[tilespmem:s28], [sflag:$0x1] =	stream.indirect.gather [hbm4b:s5+s13], $0x20, s3, s13, $0xb8;
	[tilespmem:$0x14F00] =	vst v63  }
0x22: {  	s29 =	simm.s32 $0x1500  }
0x23: {  	[tilespmem:s29], [sflag:$0x1] =	stream.indirect.gather [hbm4b:s5+s13], $0x20, s13, s13, $0xb8;
	[tilespmem:$0x14F00] =	vst v63  }
0x24: {  	s30 =	simm.s32 $0x100;
	s8 =	simm.s32 $0x2500  }
0x25: {  	[tilespmem:s8], [sflag:$0x1] =	stream.indirect.gather [hbm4b:s5+s13], $0x20, s30, s13, $0xb8;
	[tilespmem:$0x14F00] =	vst v63  }
0x26: {  	s12 =	simm.s32 $0x3500;
	s8 =	simm.s32 $0x180  }
0x27: {  	[tilespmem:s12], [sflag:$0x1] =	stream.indirect.gather [hbm4b:s5+s13], $0x20, s8, s13, $0xb8;
	[tilespmem:$0x14F00] =	vst v63  }
0x28: {  	s21 =	simm.s32 $0x200;
	s22 =	simm.s32 $0x4500  }
0x29: {  	[tilespmem:s22], [sflag:$0x1] =	stream.indirect.gather [hbm4b:s5+s13], $0x20, s21, s13, $0xb8;
	[tilespmem:$0x14F00] =	vst v63  }
0x2a: {  	s23 =	rddreg [dreg:$0x4]  }
0x2b: {  	[tilespmem:s24], [sflag:$0x5] =	stream.strided.gather [hbm4b:s23+s13], $0x280, s14, s13, $0x38;
	[tilespmem:$0x14F00] =	vst v63  }
0x2c: {  	_ =	swait.ge [sflag:s15], $0x280  }
0x2d: {  	[sflag:s15] =	ssyncset.done $0x0  }
0x2e: {  	s25 =	simm.s32 $0x5500;
	[sflag:s15] =	ssyncadd.s32 $0xFFFFFD80  }
0x2f: {  	[tilespmem:s25], [sflag:$0x2] =	stream.indirect.gather [hbm4b:s5+s13], $0x20, s24, s13, $0xb8;
	[tilespmem:$0x14F00] =	vst v63  }
0x30: {  	s26 =	simm.s32 $0x300;
	s28 =	simm.s32 $0x6500  }
0x31: {  	[tilespmem:s28], [sflag:$0x2] =	stream.indirect.gather [hbm4b:s5+s13], $0x20, s26, s13, $0xb8;
	[tilespmem:$0x14F00] =	vst v63  }
0x32: {  	s29 =	simm.s32 $0x380;
	s30 =	simm.s32 $0x7500  }
0x33: {  	[tilespmem:s30], [sflag:$0x2] =	stream.indirect.gather [hbm4b:s5+s13], $0x20, s29, s13, $0xb8;
	[tilespmem:$0x14F00] =	vst v63  }
0x34: {  	_ = 	snop  }
0x35: {  	[tilespmem:s0], [sflag:$0x2] =	stream.indirect.gather [hbm4b:s5+s13], $0x20, s31, s13, $0xb8;
	[tilespmem:$0x14F00] =	vst v63  }
0x36: {  	s8 =	simm.s32 $0x0  }
0x37: {  	[tilespmem:s16], [sflag:$0x2] =	stream.indirect.gather [hbm4b:s5+s13], $0x20, s2, s13, $0xb8;
	[tilespmem:$0x14F00] =	vst v63  }
.LBB2_2:
0x38: {  	_ =	swait.ge [sflag:s17], $0x1000  }
0x39: {  	[sflag:s17] =	ssyncset.done $0x0  }
0x3a: {  	[sflag:s17] =	ssyncadd.s32 $0xFFFFF000  }
0x3b: {  	_ =	swait.ge [sflag:s17], $0x1000  }
0x3c: {  	[sflag:s17] =	ssyncset.done $0x0  }
0x3d: {  	[sflag:s17] =	ssyncadd.s32 $0xFFFFF000  }
0x3e: {  	_ =	swait.ge [sflag:s17], $0x1000  }
0x3f: {  	[sflag:s17] =	ssyncset.done $0x0  }
0x40: {  	s7 =	simm.s32 $0x0;
	[sflag:s17] =	ssyncadd.s32 $0xFFFFF000  }
0x41: {  	s12 =	sand.u32 $0xE0, s7;
	_ =	swait.ge [sflag:s17], $0x1000  }
0x42: {  	s21 =	simm.s32 $0x1;
	s23 =	simm.s32 $0x3;
	v2 =	vmov s12;
	[sflag:s17] =	ssyncset.done $0x0  }
0x43: {  	s22 =	simm.s32 $0x2;
	s28 =	simm.s32 $0x7;
	v3 =	vmov s21;
	v4 =	vmov s23;
	v2 =	vmul.u32 $0x88, v2;
	[sflag:s17] =	ssyncadd.s32 $0xFFFFF000  }
0x44: {  	s29 =	simm.s32 $0x6;
	v6 =	vmov s22;
	v8 =	vmov s7;
	v19 =	vmov s28;
	_ =	swait.ge [sflag:s17], $0x1000  }
0x45: {  	p0 =	seq.s32 s8, $0x0;
	v21 =	vmov s29;
	v5 =	vand.u32 $0x5, v3;
	v2 =	vbroadcast v2, $0x0;
	[sflag:s17] =	ssyncset.done $0x0  }
0x46: {  	s7 =	simm.s32 @!p0 $0x3;
	v7 =	vand.u32 $0x7, v4;
	v4 =	vand.u32 $0x78, v4;
	v3 =	vand.u32 $0x78, v3;
	[sflag:s17] =	ssyncadd.s32 $0xFFFFF000  }
0x47: {  	v9 =	vand.u32 $0x78, v6;
	v12 =	vand.u32 $0x4, v8;
	v10 =	vadd.s32 v0, v2;
	_ =	swait.ge @!p0 [sflag:s7], $0x5000  }
0x48: {  	v8 =	vand.u32 $0x78, v8;
	v25 =	vand.u32 $0x6, v6;
	v11 =	vadd.s32 v3, v10;
	[sflag:s7] =	ssyncset.done @!p0 $0x0  }
0x49: {  	s12 =	simm.s32 $0x540;
	v13 =	vadd.s32 v9, v10;
	v6 =	vadd.s32 v4, v10;
	v10 =	vadd.s32 v8, v10;
	[sflag:s7] =	ssyncadd.s32 @!p0 $0xFFFFB000  }
0x4a: {  	v2 =	vadd.s32 v1, v2;
	v11 =	vor.u32 v5, v11;
	v14 =	vor.u32 v12, v10;
	v10 =	vld [tilespmem:s12+$0xFFFFFFE0]  }
0x4b: {  	s25 =	sand.u32 $0xE0, s21;
	v15 =	vadd.s32 v8, v2;
	v26 =	vadd.s32 v9, v2;
	v6 =	vor.u32 v7, v6;
	v17 =	vld [tilespmem:s12+$0x20]  }
0x4c: {  	v4 =	vadd.s32 v4, v2;
	v8 =	vmov s25;
	v9 =	vadd.s32 v3, v2;
	v18 =	vld [tilespmem:s12+$0xFFFFFFC0]  }
0x4d: {  	s26 =	simm.s32 $0x5;
	v16 =	vor.u32 v25, v13;
	v8 =	vmul.u32 $0x88, v8;
	v2 =	vor.u32 v7, v4;
	v7 =	vld [tilespmem:s12+$0x0]  }
0x4e: {  	s30 =	simm.s32 $0x4;
	v3 =	vand.u32 $0x7, v19;
	v13 =	vmov s26;
	v9 =	vor.u32 v5, v9  }
0x4f: {  	v24 =	vbroadcast v8, $0x0;
	v8 =	vand.u32 $0x78, v19;
	v19 =	vmov s30;
	s7 =	simm.s32 $0x5C0;
	[tilespmem:v11+s18+$0x0] =	vst.idx.msk $0xffff, v10  }
0x50: {  	v15 =	vor.u32 v12, v15;
	v4 =	vand.u32 $0x5, v13;
	v23 =	vand.u32 $0x78, v19;
	v5 =	vld [tilespmem:s7+$0x0];
	[tilespmem:v6+s18+$0x0] =	vst.idx.msk $0xffff, v17  }
0x51: {  	v22 =	vld [tilespmem:s7+$0xFFFFFFE0];
	v11 =	vand.u32 $0x78, v13;
	v13 =	vand.u32 $0x78, v21;
	v6 =	vand.u32 $0x4, v19;
	[tilespmem:v14+s18+$0x0] =	vst.idx.msk $0xffff, v18  }
0x52: {  	v17 =	vadd.s32 v0, v24;
	[tilespmem:v16+s18+$0x0] =	vst.idx.msk $0xffff, v7;
	v7 =	vand.u32 $0x6, v21;
	v24 =	vadd.s32 v1, v24;
	v14 =	vld [tilespmem:s12+$0x30]  }
0x53: {  	v10 =	vld [tilespmem:s12+$0xFFFFFFF0];
	v12 =	vadd.s32 v11, v17;
	v18 =	vadd.s32 v13, v17;
	v21 =	vadd.s32 v23, v17  }
0x54: {  	v20 =	vld [tilespmem:s12+$0xFFFFFFD0];
	v19 =	vor.u32 v4, v12;
	v12 =	vadd.s32 v8, v17;
	v16 =	vor.u32 v7, v18  }
0x55: {  	s21 =	simm.s32 $0x8;
	s22 =	simm.s32 $0x2;
	s23 =	simm.s32 $0x640;
	v18 =	vor.u32 v6, v21;
	v21 =	vld [tilespmem:s7+$0x20];
	v17 =	vor.u32 v3, v12;
	v12 =	vor.u32 v25, v26  }
.LBB2_3:
0x56: {  	s25 =	sand.u32 $0xE0, s22  }
0x57: {  	s26 =	sadd.s32 $0x1, s21;
	s28 =	sadd.s32 $0x2, s21;
	v25 =	vld [tilespmem:s23+$0x0];
	v23 =	vadd.s32 v23, v24;
	v26 =	vadd.s32 v13, v24;
	v8 =	vadd.s32 v8, v24;
	v27 =	vmovc v14;
	s29 =	smov.u32 s21  }
0x58: {  	p1 =	slt.u32 s21, $0x27C;
	s21 =	sadd.s32 $0x4, s21;
	v11 =	vadd.s32 v11, v24;
	v13 =	vmov s25;
	v14 =	vmov s26;
	s25 =	sadd.s32 $0x3, s29;
	v28 =	vld [tilespmem:s7+$0xFFFFFFC0];
	[tilespmem:v9+s18+$0x0] =	vst.idx.msk $0xffff, v10  }
0x59: {  	v24 =	vor.u32 v3, v8;
	v9 =	vmul.u32 $0x88, v13;
	v10 =	vmov s25;
	[tilespmem:v15+s18+$0x0] =	vst.idx.msk $0xffff, v20;
	v29 =	vld [tilespmem:s12+$0x10];
	s12 =	smov.u32 s7;
	s7 =	smov.u32 s23  }
0x5a: {  	v30 =	vmov s28;
	v13 =	vand.u32 $0x5, v14;
	v3 =	vand.u32 $0x7, v10;
	[tilespmem:v19+s18+$0x0] =	vst.idx.msk $0xffff, v22  }
0x5b: {  	v8 =	vand.u32 $0x78, v10;
	v31 =	vbroadcast v9, $0x0;
	v10 =	vld [tilespmem:s12+$0xFFFFFFF0];
	v9 =	vor.u32 v4, v11;
	[tilespmem:v17+s18+$0x0] =	vst.idx.msk $0xffff, v21;
	v4 =	vmovc v13  }
0x5c: {  	v17 =	vmov s29;
	v11 =	vand.u32 $0x78, v14;
	v13 =	vand.u32 $0x78, v30;
	[tilespmem:v16+s18+$0x0] =	vst.idx.msk $0xffff, v5;
	v5 =	vmovc v25  }
.Ltmp2:
0x5d: {  	v15 =	vor.u32 v6, v23;
	v6 =	vand.u32 $0x4, v17;
	v16 =	vadd.s32 v0, v31;
	[tilespmem:v18+s18+$0x0] =	vst.idx.msk $0xffff, v28;
	v14 =	vld [tilespmem:s12+$0x30];
	(pc) =	sbr.rel @p1 .LBB2_3-.Ltmp2, $4  }
0x5e: {  	v23 =	vand.u32 $0x78, v17;
	v17 =	vadd.s32 v11, v16;
	v18 =	vadd.s32 v13, v16;
	v20 =	vld [tilespmem:s12+$0xFFFFFFD0];
	[tilespmem:v12+s18+$0x0] =	vst.idx.msk $0xffff, v29  }
0x5f: {  	v25 =	vand.u32 $0x6, v30;
	v12 =	vadd.s32 v8, v16;
	v19 =	vor.u32 v4, v17;
	[tilespmem:v2+s18+$0x0] =	vst.idx.msk $0xffff, v27  }
0x60: {  	v21 =	vadd.s32 v23, v16;
	v16 =	vor.u32 v25, v18;
	v17 =	vor.u32 v3, v12;
	v2 =	vmovc v24;
	v22 =	vld [tilespmem:s23+$0xFFFFFFE0]  }
0x61: {  	s22 =	sadd.s32 $0x1, s22;
	v18 =	vor.u32 v6, v21;
	v24 =	vadd.s32 v1, v31;
	v12 =	vor.u32 v7, v26;
	v7 =	vmovc v25;
	s23 =	sadd.s32 $0x80, s23;
	v21 =	vld [tilespmem:s7+$0x20]  }
0x62: {  	_ =	sdelay $0x3  }
0x63: {  	v25 =	vld [tilespmem:s7+$0xFFFFFFC0];
	[tilespmem:v9+s18+$0x0] =	vst.idx.msk $0xffff, v10  }
0x64: {  	[tilespmem:v16+s18+$0x0] =	vst.idx.msk $0xffff, v5  }
0x65: {  	v55 =	vld [tilespmem:s12+$0x10];
	v59 =	vadd.s32 v13, v24;
	[tilespmem:v2+s18+$0x0] =	vst.idx.msk $0xffff, v14  }
0x66: {  	v56 =	vadd.s32 v11, v24;
	v7 =	vor.u32 v7, v59;
	v62 =	vld [tilespmem:s7+$0x10];
	[tilespmem:v19+s18+$0x0] =	vst.idx.msk $0xffff, v22  }
0x67: {  	v8 =	vadd.s32 v8, v24;
	v4 =	vor.u32 v4, v56;
	v58 =	vld [tilespmem:s7+$0xFFFFFFF0];
	[tilespmem:v17+s18+$0x0] =	vst.idx.msk $0xffff, v21  }
0x68: {  	v57 =	vadd.s32 v23, v24;
	v3 =	vor.u32 v3, v8;
	[tilespmem:v18+s18+$0x0] =	vst.idx.msk $0xffff, v25;
	v63 =	vld [tilespmem:s7+$0x30]  }
0x69: {  	[tilespmem:v15+s18+$0x0] =	vst.idx.msk $0xffff, v20;
	v60 =	vor.u32 v6, v57;
	v61 =	vld [tilespmem:s7+$0xFFFFFFD0]  }
0x6a: {  	s12 =	smul.u32 $0x140000, s8;
	[tilespmem:v12+s18+$0x0] =	vst.idx.msk $0xffff, v55  }
0x6b: {  	[tilespmem:v7+s18+$0x0] =	vst.idx.msk $0xffff, v62  }
0x6c: {  	s30 =	sor.u32 s4, s12;
	[tilespmem:v4+s18+$0x0] =	vst.idx.msk $0xffff, v58  }
0x6d: {  	s7 =	sshrl.u32 s30, $0x3;
	[tilespmem:v3+s18+$0x0] =	vst.idx.msk $0xffff, v63  }
0x6e: {  	s21 =	simm.s32 $0xA500;
	s7 =	sadd.s32 s6, s7;
	[tilespmem:v60+s18+$0x0] =	vst.idx.msk $0xffff, v61  }
0x6f: {  	[hbm4b:s7+s3] =	stream.linear.scatter [tilespmem:s21], [sflag:$0x3], $0x80, $0x38;
	[tilespmem:$0x14F00] =	vst v63  }
0x70: {  	s21 =	simm.s32 $0x220  }
.LBB2_5:
0x71: {  	p1 =	sne.s32 s21, $0x151E0  }
.Ltmp3:
0x72: {  	_ = 	snop;
	(pc) =	sbr.rel @p1 .LBB2_5-.Ltmp3, $4  }
0x73: {  	_ = 	snop  }
0x74: {  	s22 =	sshra.s32 s21, $0x2;
	s21 =	sadd.s32 $0x220, s21  }
0x75: {  	s7 =	sadd.s32 $0x200, s7;
	s22 =	sadd.s32 $0xA500, s22  }
0x76: {  	[hbm4b:s7+s3] =	stream.linear.scatter [tilespmem:s22], [sflag:$0x3], $0x80, $0x38;
	[tilespmem:$0x14F00] =	vst v63  }
0x77: {  	p1 =	seq.s32 s8, $0x13  }
0x78: {  	s7 =	smul.u32 @!p1 $0xA000, s8;
	_ =	sdelay $0x1  }
0x79: {  	s7 =	sadd.s32 @!p1 s9, s7  }
0x7a: {  	s21 =	simm.s32 @!p1 $0x80;
	s7 =	sshrl.u32 @!p1 s7, $0x3  }
0x7b: {  	s22 =	simm.s32 @!p1 $0x1000;
	s23 =	simm.s32 @!p1 $0x0;
	s7 =	sadd.s32 @!p1 s1, s7  }
0x7c: {  	[tilespmem:s23], [sflag:$0x5] =	stream.strided.gather @!p1 [hbm4b:s7+s21], $0x280, s22, s21, $0x38;
	[tilespmem:$0x14F00] =	vst v63  }
0x7d: {  	s7 =	simm.s32 @!p1 $0x5  }
0x7e: {  	_ =	swait.ge @!p1 [sflag:s7], $0x280  }
0x7f: {  	[sflag:s7] =	ssyncset.done @!p1 $0x0  }
0x80: {  	[sflag:s7] =	ssyncadd.s32 @!p1 $0xFFFFFD80;
	s7 =	simm.s32 @!p1 $0x500  }
0x81: {  	[tilespmem:s7], [sflag:$0x1] =	stream.indirect.gather @!p1 [hbm4b:s5+s21], $0x20, s23, s21, $0xb8;
	[tilespmem:$0x14F00] =	vst v63  }
0x82: {  	s7 =	simm.s32 @!p1 $0x1500  }
0x83: {  	[tilespmem:s7], [sflag:$0x1] =	stream.indirect.gather @!p1 [hbm4b:s5+s21], $0x20, s21, s21, $0xb8;
	[tilespmem:$0x14F00] =	vst v63  }
0x84: {  	s22 =	simm.s32 @!p1 $0x2500;
	s7 =	simm.s32 @!p1 $0x100  }
0x85: {  	[tilespmem:s22], [sflag:$0x1] =	stream.indirect.gather @!p1 [hbm4b:s5+s21], $0x20, s7, s21, $0xb8;
	[tilespmem:$0x14F00] =	vst v63  }
0x86: {  	s7 =	simm.s32 @!p1 $0x180;
	s22 =	simm.s32 @!p1 $0x3500  }
0x87: {  	[tilespmem:s22], [sflag:$0x1] =	stream.indirect.gather @!p1 [hbm4b:s5+s21], $0x20, s7, s21, $0xb8;
	[tilespmem:$0x14F00] =	vst v63  }
0x88: {  	s7 =	simm.s32 @!p1 $0x200;
	s22 =	simm.s32 @!p1 $0x4500  }
0x89: {  	[tilespmem:s22], [sflag:$0x1] =	stream.indirect.gather @!p1 [hbm4b:s5+s21], $0x20, s7, s21, $0xb8;
	[tilespmem:$0x14F00] =	vst v63  }
0x8a: {  	_ =	swait.ge [sflag:s19], $0x1000  }
0x8b: {  	[sflag:s19] =	ssyncset.done $0x0  }
0x8c: {  	[sflag:s19] =	ssyncadd.s32 $0xFFFFF000  }
0x8d: {  	_ =	swait.ge [sflag:s19], $0x1000  }
0x8e: {  	[sflag:s19] =	ssyncset.done $0x0  }
0x8f: {  	[sflag:s19] =	ssyncadd.s32 $0xFFFFF000  }
0x90: {  	_ =	swait.ge [sflag:s19], $0x1000  }
0x91: {  	[sflag:s19] =	ssyncset.done $0x0  }
0x92: {  	s28 =	simm.s32 $0x0;
	[sflag:s19] =	ssyncadd.s32 $0xFFFFF000  }
0x93: {  	s29 =	sand.u32 $0xE0, s28;
	_ =	swait.ge [sflag:s19], $0x1000  }
0x94: {  	s30 =	simm.s32 $0x1;
	s25 =	simm.s32 $0x2;
	v2 =	vmov s29;
	[sflag:s19] =	ssyncset.done $0x0  }
0x95: {  	v3 =	vmov s30;
	v6 =	vmov s25;
	v2 =	vmul.u32 $0x88, v2;
	[sflag:s19] =	ssyncadd.s32 $0xFFFFF000  }
0x96: {  	v8 =	vmov s28;
	v5 =	vand.u32 $0x5, v3;
	v3 =	vand.u32 $0x78, v3;
	_ =	swait.ge [sflag:s19], $0x1000  }
0x97: {  	s28 =	simm.s32 $0x7;
	v9 =	vand.u32 $0x78, v6;
	v12 =	vand.u32 $0x4, v8;
	s29 =	simm.s32 $0x6;
	v2 =	vbroadcast v2, $0x0;
	[sflag:s19] =	ssyncset.done $0x0  }
0x98: {  	v8 =	vand.u32 $0x78, v8;
	v25 =	vand.u32 $0x6, v6;
	v19 =	vmov s28;
	s23 =	simm.s32 $0x3;
	s7 =	simm.s32 @!p0 $0x4;
	[sflag:s19] =	ssyncadd.s32 $0xFFFFF000  }
0x99: {  	v21 =	vmov s29;
	v10 =	vadd.s32 v0, v2;
	v4 =	vmov s23;
	_ =	swait.ge @!p0 [sflag:s7], $0x5000  }
0x9a: {  	v11 =	vadd.s32 v3, v10;
	v7 =	vand.u32 $0x7, v4;
	v4 =	vand.u32 $0x78, v4;
	[sflag:s7] =	ssyncset.done @!p0 $0x0  }
0x9b: {  	v13 =	vadd.s32 v9, v10;
	v6 =	vadd.s32 v4, v10;
	v10 =	vadd.s32 v8, v10;
	[sflag:s7] =	ssyncadd.s32 @!p0 $0xFFFFB000;
	s7 =	simm.s32 $0x5540  }
0x9c: {  	v2 =	vadd.s32 v1, v2;
	v11 =	vor.u32 v5, v11;
	v14 =	vor.u32 v12, v10;
	v10 =	vld [tilespmem:s7+$0xFFFFFFE0]  }
0x9d: {  	v15 =	vadd.s32 v8, v2;
	v26 =	vadd.s32 v9, v2;
	v6 =	vor.u32 v7, v6;
	s21 =	sand.u32 $0xE0, s30;
	v17 =	vld [tilespmem:s7+$0x20]  }
0x9e: {  	v9 =	vadd.s32 v3, v2;
	v4 =	vadd.s32 v4, v2;
	v8 =	vmov s21;
	v18 =	vld [tilespmem:s7+$0xFFFFFFC0]  }
0x9f: {  	s26 =	simm.s32 $0x5;
	v16 =	vor.u32 v25, v13;
	v2 =	vor.u32 v7, v4;
	v8 =	vmul.u32 $0x88, v8;
	v7 =	vld [tilespmem:s7+$0x0]  }
0xa0: {  	v3 =	vand.u32 $0x7, v19;
	v13 =	vmov s26;
	v9 =	vor.u32 v5, v9;
	s30 =	simm.s32 $0x4  }
0xa1: {  	s21 =	simm.s32 $0x55C0;
	v24 =	vbroadcast v8, $0x0;
	v8 =	vand.u32 $0x78, v19;
	v19 =	vmov s30;
	[tilespmem:v11+s20+$0x0] =	vst.idx.msk $0xffff, v10  }
0xa2: {  	v15 =	vor.u32 v12, v15;
	v4 =	vand.u32 $0x5, v13;
	v23 =	vand.u32 $0x78, v19;
	v5 =	vld [tilespmem:s21+$0x0];
	[tilespmem:v6+s20+$0x0] =	vst.idx.msk $0xffff, v17  }
0xa3: {  	v22 =	vld [tilespmem:s21+$0xFFFFFFE0];
	v11 =	vand.u32 $0x78, v13;
	v13 =	vand.u32 $0x78, v21;
	v6 =	vand.u32 $0x4, v19;
	[tilespmem:v14+s20+$0x0] =	vst.idx.msk $0xffff, v18  }
0xa4: {  	v17 =	vadd.s32 v0, v24;
	[tilespmem:v16+s20+$0x0] =	vst.idx.msk $0xffff, v7;
	v7 =	vand.u32 $0x6, v21;
	v24 =	vadd.s32 v1, v24;
	v14 =	vld [tilespmem:s7+$0x30]  }
0xa5: {  	v10 =	vld [tilespmem:s7+$0xFFFFFFF0];
	v12 =	vadd.s32 v11, v17;
	v18 =	vadd.s32 v13, v17;
	v21 =	vadd.s32 v23, v17  }
0xa6: {  	v20 =	vld [tilespmem:s7+$0xFFFFFFD0];
	v19 =	vor.u32 v4, v12;
	v12 =	vadd.s32 v8, v17;
	v16 =	vor.u32 v7, v18  }
0xa7: {  	s25 =	simm.s32 $0x5640;
	s23 =	simm.s32 $0x2;
	s22 =	simm.s32 $0x8;
	v18 =	vor.u32 v6, v21;
	v21 =	vld [tilespmem:s21+$0x20];
	v17 =	vor.u32 v3, v12;
	v12 =	vor.u32 v25, v26  }
.LBB2_7:
0xa8: {  	s26 =	sand.u32 $0xE0, s23  }
0xa9: {  	s28 =	sadd.s32 $0x1, s22;
	s29 =	sadd.s32 $0x2, s22;
	v25 =	vld [tilespmem:s25+$0x0];
	v23 =	vadd.s32 v23, v24;
	v26 =	vadd.s32 v13, v24;
	v8 =	vadd.s32 v8, v24;
	v27 =	vmovc v14;
	s30 =	smov.u32 s22  }
0xaa: {  	p0 =	slt.u32 s22, $0x27C;
	s22 =	sadd.s32 $0x4, s22;
	v11 =	vadd.s32 v11, v24;
	v13 =	vmov s26;
	v14 =	vmov s28;
	s26 =	sadd.s32 $0x3, s30;
	v28 =	vld [tilespmem:s21+$0xFFFFFFC0];
	[tilespmem:v9+s20+$0x0] =	vst.idx.msk $0xffff, v10  }
0xab: {  	v24 =	vor.u32 v3, v8;
	v9 =	vmul.u32 $0x88, v13;
	v10 =	vmov s26;
	[tilespmem:v15+s20+$0x0] =	vst.idx.msk $0xffff, v20;
	v29 =	vld [tilespmem:s7+$0x10];
	s7 =	smov.u32 s21;
	s21 =	smov.u32 s25  }
0xac: {  	v30 =	vmov s29;
	v13 =	vand.u32 $0x5, v14;
	v3 =	vand.u32 $0x7, v10;
	[tilespmem:v19+s20+$0x0] =	vst.idx.msk $0xffff, v22  }
0xad: {  	v8 =	vand.u32 $0x78, v10;
	v31 =	vbroadcast v9, $0x0;
	v10 =	vld [tilespmem:s7+$0xFFFFFFF0];
	v9 =	vor.u32 v4, v11;
	[tilespmem:v17+s20+$0x0] =	vst.idx.msk $0xffff, v21;
	v4 =	vmovc v13  }
0xae: {  	v17 =	vmov s30;
	v11 =	vand.u32 $0x78, v14;
	v13 =	vand.u32 $0x78, v30;
	[tilespmem:v16+s20+$0x0] =	vst.idx.msk $0xffff, v5;
	v5 =	vmovc v25  }
.Ltmp4:
0xaf: {  	v15 =	vor.u32 v6, v23;
	v6 =	vand.u32 $0x4, v17;
	v16 =	vadd.s32 v0, v31;
	[tilespmem:v18+s20+$0x0] =	vst.idx.msk $0xffff, v28;
	v14 =	vld [tilespmem:s7+$0x30];
	(pc) =	sbr.rel @p0 .LBB2_7-.Ltmp4, $4  }
0xb0: {  	v23 =	vand.u32 $0x78, v17;
	v17 =	vadd.s32 v11, v16;
	v18 =	vadd.s32 v13, v16;
	v20 =	vld [tilespmem:s7+$0xFFFFFFD0];
	[tilespmem:v12+s20+$0x0] =	vst.idx.msk $0xffff, v29  }
0xb1: {  	v25 =	vand.u32 $0x6, v30;
	v12 =	vadd.s32 v8, v16;
	v19 =	vor.u32 v4, v17;
	[tilespmem:v2+s20+$0x0] =	vst.idx.msk $0xffff, v27  }
0xb2: {  	v21 =	vadd.s32 v23, v16;
	v16 =	vor.u32 v25, v18;
	v17 =	vor.u32 v3, v12;
	v2 =	vmovc v24;
	v22 =	vld [tilespmem:s25+$0xFFFFFFE0]  }
0xb3: {  	s23 =	sadd.s32 $0x1, s23;
	v18 =	vor.u32 v6, v21;
	v24 =	vadd.s32 v1, v31;
	v12 =	vor.u32 v7, v26;
	v7 =	vmovc v25;
	s25 =	sadd.s32 $0x80, s25;
	v21 =	vld [tilespmem:s21+$0x20]  }
0xb4: {  	_ =	sdelay $0x3  }
0xb5: {  	v25 =	vld [tilespmem:s21+$0xFFFFFFC0];
	[tilespmem:v9+s20+$0x0] =	vst.idx.msk $0xffff, v10  }
0xb6: {  	[tilespmem:v16+s20+$0x0] =	vst.idx.msk $0xffff, v5  }
0xb7: {  	v55 =	vld [tilespmem:s7+$0x10];
	v59 =	vadd.s32 v13, v24;
	[tilespmem:v2+s20+$0x0] =	vst.idx.msk $0xffff, v14  }
0xb8: {  	v56 =	vadd.s32 v11, v24;
	v7 =	vor.u32 v7, v59;
	v62 =	vld [tilespmem:s21+$0x10];
	[tilespmem:v19+s20+$0x0] =	vst.idx.msk $0xffff, v22  }
0xb9: {  	v8 =	vadd.s32 v8, v24;
	v4 =	vor.u32 v4, v56;
	v58 =	vld [tilespmem:s21+$0xFFFFFFF0];
	[tilespmem:v17+s20+$0x0] =	vst.idx.msk $0xffff, v21  }
0xba: {  	v57 =	vadd.s32 v23, v24;
	v3 =	vor.u32 v3, v8;
	[tilespmem:v18+s20+$0x0] =	vst.idx.msk $0xffff, v25;
	v63 =	vld [tilespmem:s21+$0x30]  }
0xbb: {  	[tilespmem:v15+s20+$0x0] =	vst.idx.msk $0xffff, v20;
	v60 =	vor.u32 v6, v57;
	v61 =	vld [tilespmem:s21+$0xFFFFFFD0]  }
0xbc: {  	[tilespmem:v12+s20+$0x0] =	vst.idx.msk $0xffff, v55  }
0xbd: {  	[tilespmem:v7+s20+$0x0] =	vst.idx.msk $0xffff, v62  }
0xbe: {  	s29 =	sadd.s32 s10, s12;
	[tilespmem:v4+s20+$0x0] =	vst.idx.msk $0xffff, v58  }
0xbf: {  	s7 =	sshrl.u32 s29, $0x3;
	[tilespmem:v3+s20+$0x0] =	vst.idx.msk $0xffff, v63  }
0xc0: {  	s30 =	simm.s32 $0xFA00;
	s12 =	simm.s32 $0x220;
	s7 =	sadd.s32 s6, s7;
	[tilespmem:v60+s20+$0x0] =	vst.idx.msk $0xffff, v61  }
0xc1: {  	[hbm4b:s7+s3] =	stream.linear.scatter [tilespmem:s30], [sflag:$0x4], $0x80, $0x38;
	[tilespmem:$0x14F00] =	vst v63  }
.LBB2_9:
0xc2: {  	p0 =	sne.s32 s12, $0x151E0  }
.Ltmp5:
0xc3: {  	_ = 	snop;
	(pc) =	sbr.rel @p0 .LBB2_9-.Ltmp5, $4  }
0xc4: {  	_ = 	snop  }
0xc5: {  	s21 =	sshra.s32 s12, $0x2;
	s12 =	sadd.s32 $0x220, s12  }
0xc6: {  	s7 =	sadd.s32 $0x200, s7;
	s21 =	sadd.s32 $0xFA00, s21  }
0xc7: {  	[hbm4b:s7+s3] =	stream.linear.scatter [tilespmem:s21], [sflag:$0x4], $0x80, $0x38;
	[tilespmem:$0x14F00] =	vst v63  }
.Ltmp6:
0xc8: {  	(pc) =	sbr.rel @p1 .LBB2_12-.Ltmp6, $1  }
0xc9: {  	_ =	sdelay $0x3  }
0xca: {  	s7 =	smul.u32 $0xA000, s8;
	_ =	sdelay $0x1  }
0xcb: {  	s7 =	sadd.s32 s11, s7  }
0xcc: {  	s7 =	sshrl.u32 s7, $0x3  }
0xcd: {  	s7 =	sadd.s32 s1, s7  }
0xce: {  	[tilespmem:s24], [sflag:$0x5] =	stream.strided.gather [hbm4b:s7+s13], $0x280, s14, s13, $0x38;
	[tilespmem:$0x14F00] =	vst v63  }
0xcf: {  	_ =	swait.ge [sflag:s15], $0x280  }
0xd0: {  	[sflag:s15] =	ssyncset.done $0x0  }
0xd1: {  	s26 =	simm.s32 $0x5500;
	[sflag:s15] =	ssyncadd.s32 $0xFFFFFD80  }
0xd2: {  	[tilespmem:s26], [sflag:$0x2] =	stream.indirect.gather [hbm4b:s5+s13], $0x20, s24, s13, $0xb8;
	[tilespmem:$0x14F00] =	vst v63  }
0xd3: {  	s28 =	simm.s32 $0x300;
	s12 =	simm.s32 $0x6500  }
0xd4: {  	[tilespmem:s12], [sflag:$0x2] =	stream.indirect.gather [hbm4b:s5+s13], $0x20, s28, s13, $0xb8;
	[tilespmem:$0x14F00] =	vst v63  }
0xd5: {  	s29 =	simm.s32 $0x380;
	s30 =	simm.s32 $0x7500  }
0xd6: {  	[tilespmem:s30], [sflag:$0x2] =	stream.indirect.gather [hbm4b:s5+s13], $0x20, s29, s13, $0xb8;
	[tilespmem:$0x14F00] =	vst v63  }
.Ltmp7:
0xd7: {  	_ = 	snop;
	(pc) =	sbr.rel .LBB2_2-.Ltmp7, $4  }
0xd8: {  	_ = 	snop  }
0xd9: {  	[tilespmem:s0], [sflag:$0x2] =	stream.indirect.gather [hbm4b:s5+s13], $0x20, s31, s13, $0xb8;
	[tilespmem:$0x14F00] =	vst v63  }
0xda: {  	s8 =	sadd.s32 $0x1, s8  }
0xdb: {  	[tilespmem:s16], [sflag:$0x2] =	stream.indirect.gather [hbm4b:s5+s13], $0x20, s2, s13, $0xb8;
	[tilespmem:$0x14F00] =	vst v63  }
.LBB2_13:
0xdc: {  	_ =	sfence.sel $0x180000  }
0xdd: {  	[bflag:$0x0] =	sbarrier.arrive $0xFFFF  }
0xde: {  	_ =	strace $0x9000004A  }
0xdf: {  	s0 =	stileid.u32;
	[bflag:$0x2] =	sbarrier.arrive $0xFFFF  }
0xe0: {  	p0 =	sne.s32 s0, $0x0;
	s0 =	rddreg [dreg:$0x2]  }
0xe1: {  	s0 =	sadd.s32 @!p0 $0x100000, s0  }
0xe2: {  	[sflag:s0] =	ssyncadd.tile.s32 @!p0 $0x1;
	_ =	shalt  }
.Lfunc_end2:
_tile_overlayer_lowered:
.L_overlay_start_2:
0xe3: {  	(tag) =	ssettag $0x2  }
0xe4: {  	s0 =	rddreg [dreg:$0x0];
	s2 =	stileid.u32  }
0xe5: {  	s1 =	rddreg [dreg:$0x1];
	p0 =	sne.s32 s2, $0x0  }
0xe6: {  	s3 =	rddreg [dreg:$0x2];
	[bflag:$0x3] =	sbarrier.arrive $0xFFFF;
	s2 =	simm.s32 @!p0 $0x1C05  }
0xe7: {  	[timem:s3], [sflag:s2] =	dma.local @!p0 [hbm:s0], s1  }
0xe8: {  	s0 =	simm.s32 @!p0 $0x5  }
0xe9: {  	_ =	swait.ge @!p0 [sflag:s0], s1  }
0xea: {  	s1 =	ssub.s32 @!p0 $0x0, s1;
	[sflag:s0] =	ssyncset.done @!p0 $0x0  }
0xeb: {  	[sflag:s0] =	ssyncadd.s32 @!p0 s1  }
0xec: {  	[bflag:$0x3] =	sbarrier.arrive $0xFFFF  }
0xed: {  	_ =	shalt  }

</sc_bundles>
